<compile_context>
chip_gen: v7x
topology: tpu7x:2x2x1
jax: 0.10.2.dev20260603
libtpu: 0.0.44.dev20260713+nightly
codegen_flags: <defaults>
</compile_context>

<pallas_src>
import jax
import jax.numpy as jnp
from jax import lax
from jax.experimental import pallas as pl
from jax.experimental.pallas import tpu as pltpu
from jax.experimental.pallas import tpu_sc as plsc

B = 4096
S = 199
D = 64
NC = 2
NS = 16
NW = NC * NS
BW = B // NW
T = S


def _transpose_add(rows_ref, slab_ref, pos_ref, s):
    iota = lax.iota(jnp.int32, 16)
    s_splat = jnp.full((16,), s, jnp.int32)
    bvecs = [iota + rb * 16 for rb in range(BW // 16)]

    def body(j, _):
        didx = ((j >> 4) << 4) + ((iota + j) & 15)
        pd = plsc.load_gather(pos_ref, [s_splat, didx])
        rvec = didx >> 3
        zero = iota & 0
        rlo = didx & 7
        for rb in range(BW // 16):
            v = plsc.load_gather(rows_ref, [bvecs[rb], didx])
            plsc.store_scatter(slab_ref, [rvec, zero, rlo, bvecs[rb]], v + pd)
        return 0

    lax.fori_loop(0, D, body, 0)


def _sc_body(idx_hbm, table_hbm, pos_hbm, out_hbm,
             idx0, idx1, idx2, idx3, rows0, rows1, rows2, rows3,
             slab0, slab1, slab2, slab3, pos_v,
             g0, g1, g2, g3, s0, s1, s2, s3, i0, i1, i2, i3):
    wid = lax.axis_index("s") * NC + lax.axis_index("c")
    wb = wid * BW

    idx_b = (idx0, idx1, idx2, idx3)
    rows_b = (rows0, rows1, rows2, rows3)
    slab_b = (slab0, slab1, slab2, slab3)
    g_sem = (g0, g1, g2, g3)
    s_sem = (s0, s1, s2, s3)
    i_sem = (i0, i1, i2, i3)

    def idx_start(t, p):
        pltpu.async_copy(idx_hbm.at[t, pl.ds(wb, BW)], idx_b[p], i_sem[p])

    def idx_wait(t, p):
        pltpu.make_async_copy(idx_hbm.at[t, pl.ds(wb, BW)], idx_b[p],
                              i_sem[p]).wait()

    def gather_start(p):
        pltpu.async_copy(table_hbm.at[idx_b[p]], rows_b[p], g_sem[p])

    def gather_wait(p):
        pltpu.make_async_copy(table_hbm.at[idx_b[p]], rows_b[p],
                              g_sem[p]).wait()

    def scatter_start(t, p):
        pltpu.async_copy(slab_b[p],
                         out_hbm.at[pl.ds(t * 8, 8), pl.ds(wid, 1),
                                    pl.ds(0, 8), pl.ds(0, 128)],
                         s_sem[p])

    def scatter_wait(t, p):
        pltpu.make_async_copy(slab_b[p],
                              out_hbm.at[pl.ds(t * 8, 8), pl.ds(wid, 1),
                                         pl.ds(0, 8), pl.ds(0, 128)],
                              s_sem[p]).wait()

    def compute(t, p):
        _transpose_add(rows_b[p], slab_b[p], pos_v, t)

    def step(t, q, *, swait=True, ahead=True):
        gather_wait(q)
        if ahead:
            idx_start(t + 4, q)
        if swait:
            scatter_wait(t - 3, (q + 1) % 4)
        if ahead:
            idx_wait(t + 3, (q + 3) % 4)
            gather_start((q + 3) % 4)
        compute(t, q)
        scatter_start(t, q)

    idx_start(0, 0)
    idx_start(1, 1)
    idx_start(2, 2)
    pltpu.sync_copy(pos_hbm.at[pl.ds(0, S)], pos_v)
    idx_wait(0, 0)
    gather_start(0)
    idx_start(3, 3)
    idx_wait(1, 1)
    gather_start(1)
    idx_wait(2, 2)
    gather_start(2)

    step(0, 0, swait=False)
    step(1, 1, swait=False)
    step(2, 2, swait=False)

    def quad(i, _):
        t = 3 + 4 * i
        step(t, 3)
        step(t + 1, 0)
        step(t + 2, 1)
        step(t + 3, 2)
        return 0

    lax.fori_loop(0, (T - 7) // 4, quad, 0)

    t = T - 4
    gather_wait(3)
    scatter_wait(t - 3, 0)
    idx_wait(t + 3, 2)
    gather_start(2)
    compute(t, 3)
    scatter_start(t, 3)
    step(T - 3, 0, ahead=False)
    step(T - 2, 1, ahead=False)
    step(T - 1, 2, ahead=False)
    scatter_wait(T - 3, 0)
    scatter_wait(T - 2, 1)
    scatter_wait(T - 1, 2)


@jax.jit
def _run(idx_t, table, position_table):
    mesh = plsc.VectorSubcoreMesh(core_axis_name="c", subcore_axis_name="s")
    f = pl.kernel(
        _sc_body,
        out_type=jax.ShapeDtypeStruct((S * D // 8, 32, 8, 128), jnp.float32),
        mesh=mesh,
        compiler_params=pltpu.CompilerParams(use_tc_tiling_on_sc=False,
                                             needs_layout_passes=False),
        scratch_types=(
            [pltpu.VMEM((BW,), jnp.int32)] * 4
            + [pltpu.VMEM((BW, D), jnp.float32)] * 4
            + [pltpu.VMEM((8, 1, 8, BW), jnp.float32)] * 4
            + [pltpu.VMEM((S, D), jnp.float32)]
            + [pltpu.SemaphoreType.DMA] * 12
        ),
    )
    return f(idx_t, table, position_table)


def kernel(input_e, exercise_table, position_table):
    idx_t = jnp.transpose(input_e.astype(jnp.int32))
    out_t = _run(idx_t, exercise_table, position_table)
    o5 = out_t.reshape(S, 8, 32, 8, 128)
    return jnp.transpose(o5, (2, 4, 0, 1, 3)).reshape(B, S, D)

# --- scband reference (transcript-rebuilt; emitter-appended) ---
"""Pipeline reference for scband-exercise-block-72344429134290 (READ-ONLY COPY).

The authoritative reference and input builder live on the scoring server;
editing this copy changes nothing except your own understanding.
"""

import jax, jax.numpy as jnp
import numpy as np

BATCH = 4096
SEQ_LEN = 200
TOTAL_EXERCISE = 100000
N_DIMS = 64


def setup_inputs(seed: int = 0) -> dict:
    key = jax.random.key(seed)
    k1, k2, k3 = jax.random.split(key, 3)
    input_e = jax.random.randint(k1, (BATCH, SEQ_LEN - 1), 0, TOTAL_EXERCISE, dtype=jnp.int64 if jax.config.jax_enable_x64 else jnp.int32)
    exercise_table = jax.random.normal(k2, (TOTAL_EXERCISE, N_DIMS), dtype=jnp.float32)
    position_table = jax.random.normal(k3, (SEQ_LEN, N_DIMS), dtype=jnp.float32)
    return {"input_e": input_e, "exercise_table": exercise_table, "position_table": position_table}


def reference(input_e, exercise_table, position_table):
    # ExerciseBlock.forward
    _exe = jnp.take(exercise_table, input_e, axis=0)          # [B, S-1, D] embedding lookup
    position_encoded = jnp.arange(SEQ_LEN - 1)                 # pos_encode(seq_len - 1)
    _pos = jnp.take(position_table, position_encoded, axis=0)  # [S-1, D]
    exercise = _exe + _pos[None, :, :]                         # broadcast add over batch
    return exercise

if __name__ == "__main__":
    import jax
    _d = setup_inputs()
    print(jax.jit(kernel)(*tuple(_d.values())))

</pallas_src>

<mosaic_0001>
#map = affine_map<(d0, d1) -> (0, 0)>
#map1 = affine_map<(d0, d1) -> (0, 0, 0, 0)>
module attributes {stable_mosaic.version = 14 : i64} {
  func.func @_sc_body(%arg0: i32, %arg1: i32, %arg2: memref<199x4096xi32, #tpu.memory_space<hbm>>, %arg3: memref<100000x64xf32, #tpu.memory_space<hbm>>, %arg4: memref<200x64xf32, #tpu.memory_space<hbm>>, %arg5: memref<1592x32x8x128xf32, #tpu.memory_space<hbm>>, %arg6: memref<128xi32, #tpu.memory_space<vmem>>, %arg7: memref<128xi32, #tpu.memory_space<vmem>>, %arg8: memref<128xi32, #tpu.memory_space<vmem>>, %arg9: memref<128xi32, #tpu.memory_space<vmem>>, %arg10: memref<128x64xf32, #tpu.memory_space<vmem>>, %arg11: memref<128x64xf32, #tpu.memory_space<vmem>>, %arg12: memref<128x64xf32, #tpu.memory_space<vmem>>, %arg13: memref<128x64xf32, #tpu.memory_space<vmem>>, %arg14: memref<8x1x8x128xf32, #tpu.memory_space<vmem>>, %arg15: memref<8x1x8x128xf32, #tpu.memory_space<vmem>>, %arg16: memref<8x1x8x128xf32, #tpu.memory_space<vmem>>, %arg17: memref<8x1x8x128xf32, #tpu.memory_space<vmem>>, %arg18: memref<199x64xf32, #tpu.memory_space<vmem>>, %arg19: memref<!tpu.dma_semaphore, #tpu.memory_space<semaphore_mem>>, %arg20: memref<!tpu.dma_semaphore, #tpu.memory_space<semaphore_mem>>, %arg21: memref<!tpu.dma_semaphore, #tpu.memory_space<semaphore_mem>>, %arg22: memref<!tpu.dma_semaphore, #tpu.memory_space<semaphore_mem>>, %arg23: memref<!tpu.dma_semaphore, #tpu.memory_space<semaphore_mem>>, %arg24: memref<!tpu.dma_semaphore, #tpu.memory_space<semaphore_mem>>, %arg25: memref<!tpu.dma_semaphore, #tpu.memory_space<semaphore_mem>>, %arg26: memref<!tpu.dma_semaphore, #tpu.memory_space<semaphore_mem>>, %arg27: memref<!tpu.dma_semaphore, #tpu.memory_space<semaphore_mem>>, %arg28: memref<!tpu.dma_semaphore, #tpu.memory_space<semaphore_mem>>, %arg29: memref<!tpu.dma_semaphore, #tpu.memory_space<semaphore_mem>>, %arg30: memref<!tpu.dma_semaphore, #tpu.memory_space<semaphore_mem>>) attributes {dimension_semantics = [#tpu.dimension_semantics<core_parallel>, #tpu.dimension_semantics<subcore_parallel>], iteration_bounds = array<i64: 2, 16>, scalar_prefetch = 0 : i64, scratch_operands = 25 : i64, tpu.core_type = #tpu.core_type<sc_vector_subcore>, window_params = [{transform_indices = #map}, {transform_indices = #map}, {transform_indices = #map}, {transform_indices = #map1}]} {
    %mul3A = arith.constant 2 : i32
    %mul3A_0 = arith.muli %arg1, %mul3A : i32
    %add3A = arith.addi %mul3A_0, %arg0 : i32
    %mul3A_1 = arith.constant 128 : i32
    %mul3A_2 = arith.muli %add3A, %mul3A_1 : i32
    %dma_start3A = arith.constant 0 : i32
    %dma_start3A_3 = tpu.memref_slice %arg2[%dma_start3A, %mul3A_2] : memref<199x4096xi32, #tpu.memory_space<hbm>> -> memref<1x128xi32, #tpu.memory_space<hbm>>
    %dma_start3A_4 = tpu.memref_squeeze %dma_start3A_3 : memref<1x128xi32, #tpu.memory_space<hbm>> -> memref<128xi32, #tpu.memory_space<hbm>>
    %dma_start3A_5 = tpu.memref_slice %arg2[%dma_start3A, %mul3A_2] : memref<199x4096xi32, #tpu.memory_space<hbm>> -> memref<1x128xi32, #tpu.memory_space<hbm>>
    %dma_start3A_6 = tpu.memref_squeeze %dma_start3A_5 : memref<1x128xi32, #tpu.memory_space<hbm>> -> memref<128xi32, #tpu.memory_space<hbm>>
    tpu.enqueue_dma source(%dma_start3A_6 : memref<128xi32, #tpu.memory_space<hbm>>) target(%arg6 : memref<128xi32, #tpu.memory_space<vmem>>) target_semaphore(%arg27 : memref<!tpu.dma_semaphore, #tpu.memory_space<semaphore_mem>>)
    %dma_start3A_7 = arith.constant 1 : i32
    %dma_start3A_8 = tpu.memref_slice %arg2[%dma_start3A_7, %mul3A_2] : memref<199x4096xi32, #tpu.memory_space<hbm>> -> memref<1x128xi32, #tpu.memory_space<hbm>>
    %dma_start3A_9 = tpu.memref_squeeze %dma_start3A_8 : memref<1x128xi32, #tpu.memory_space<hbm>> -> memref<128xi32, #tpu.memory_space<hbm>>
    %dma_start3A_10 = tpu.memref_slice %arg2[%dma_start3A_7, %mul3A_2] : memref<199x4096xi32, #tpu.memory_space<hbm>> -> memref<1x128xi32, #tpu.memory_space<hbm>>
    %dma_start3A_11 = tpu.memref_squeeze %dma_start3A_10 : memref<1x128xi32, #tpu.memory_space<hbm>> -> memref<128xi32, #tpu.memory_space<hbm>>
    tpu.enqueue_dma source(%dma_start3A_11 : memref<128xi32, #tpu.memory_space<hbm>>) target(%arg7 : memref<128xi32, #tpu.memory_space<vmem>>) target_semaphore(%arg28 : memref<!tpu.dma_semaphore, #tpu.memory_space<semaphore_mem>>)
    %dma_start3A_12 = arith.constant 2 : i32
    %dma_start3A_13 = tpu.memref_slice %arg2[%dma_start3A_12, %mul3A_2] : memref<199x4096xi32, #tpu.memory_space<hbm>> -> memref<1x128xi32, #tpu.memory_space<hbm>>
    %dma_start3A_14 = tpu.memref_squeeze %dma_start3A_13 : memref<1x128xi32, #tpu.memory_space<hbm>> -> memref<128xi32, #tpu.memory_space<hbm>>
    %dma_start3A_15 = tpu.memref_slice %arg2[%dma_start3A_12, %mul3A_2] : memref<199x4096xi32, #tpu.memory_space<hbm>> -> memref<1x128xi32, #tpu.memory_space<hbm>>
    %dma_start3A_16 = tpu.memref_squeeze %dma_start3A_15 : memref<1x128xi32, #tpu.memory_space<hbm>> -> memref<128xi32, #tpu.memory_space<hbm>>
    tpu.enqueue_dma source(%dma_start3A_16 : memref<128xi32, #tpu.memory_space<hbm>>) target(%arg8 : memref<128xi32, #tpu.memory_space<vmem>>) target_semaphore(%arg29 : memref<!tpu.dma_semaphore, #tpu.memory_space<semaphore_mem>>)
    "tpu.region"() ({
      %run_scoped3A = tpu.sem_alloc : memref<!tpu.dma_semaphore, #tpu.memory_space<semaphore_mem>>
      %dma_start3A_467 = arith.constant 0 : i32
      %dma_start3A_468 = arith.constant 0 : i32
      %dma_start3A_469 = tpu.memref_slice %arg4[%dma_start3A_467, %dma_start3A_468] : memref<200x64xf32, #tpu.memory_space<hbm>> -> memref<199x64xf32, #tpu.memory_space<hbm>>
      %dma_start3A_470 = arith.constant 0 : i32
      %dma_start3A_471 = arith.constant 0 : i32
      %dma_start3A_472 = tpu.memref_slice %arg4[%dma_start3A_470, %dma_start3A_471] : memref<200x64xf32, #tpu.memory_space<hbm>> -> memref<199x64xf32, #tpu.memory_space<hbm>>
      tpu.enqueue_dma source(%dma_start3A_472 : memref<199x64xf32, #tpu.memory_space<hbm>>) target(%arg18 : memref<199x64xf32, #tpu.memory_space<vmem>>) target_semaphore(%run_scoped3A : memref<!tpu.dma_semaphore, #tpu.memory_space<semaphore_mem>>)
      %dma_wait3A_473 = arith.constant 0 : i32
      %dma_wait3A_474 = arith.constant 0 : i32
      %dma_wait3A_475 = tpu.memref_slice %arg4[%dma_wait3A_473, %dma_wait3A_474] : memref<200x64xf32, #tpu.memory_space<hbm>> -> memref<199x64xf32, #tpu.memory_space<hbm>>
      %dma_wait3A_476 = arith.constant 0 : i32
      %dma_wait3A_477 = arith.constant 0 : i32
      %dma_wait3A_478 = tpu.memref_slice %arg4[%dma_wait3A_476, %dma_wait3A_477] : memref<200x64xf32, #tpu.memory_space<hbm>> -> memref<199x64xf32, #tpu.memory_space<hbm>>
      tpu.wait_dma2 semaphore(%run_scoped3A : memref<!tpu.dma_semaphore, #tpu.memory_space<semaphore_mem>>) src(%dma_wait3A_478 : memref<199x64xf32, #tpu.memory_space<hbm>>) dst(%arg18 : memref<199x64xf32, #tpu.memory_space<vmem>>)
      tpu.yield
    }) : () -> ()
    %dma_wait3A = arith.constant 0 : i32
    %dma_wait3A_17 = tpu.memref_slice %arg2[%dma_wait3A, %mul3A_2] : memref<199x4096xi32, #tpu.memory_space<hbm>> -> memref<1x128xi32, #tpu.memory_space<hbm>>
    %dma_wait3A_18 = tpu.memref_squeeze %dma_wait3A_17 : memref<1x128xi32, #tpu.memory_space<hbm>> -> memref<128xi32, #tpu.memory_space<hbm>>
    %dma_wait3A_19 = tpu.memref_slice %arg2[%dma_wait3A, %mul3A_2] : memref<199x4096xi32, #tpu.memory_space<hbm>> -> memref<1x128xi32, #tpu.memory_space<hbm>>
    %dma_wait3A_20 = tpu.memref_squeeze %dma_wait3A_19 : memref<1x128xi32, #tpu.memory_space<hbm>> -> memref<128xi32, #tpu.memory_space<hbm>>
    tpu.wait_dma2 semaphore(%arg27 : memref<!tpu.dma_semaphore, #tpu.memory_space<semaphore_mem>>) src(%dma_wait3A_20 : memref<128xi32, #tpu.memory_space<hbm>>) dst(%arg6 : memref<128xi32, #tpu.memory_space<vmem>>)
    %dma_start3A_21 = arith.constant 0 : i32
    %dma_start3A_22 = arith.constant 0 : i32
    %dma_start3A_23 = tpu.memref_slice %arg3[%dma_start3A_21, %dma_start3A_22] : memref<100000x64xf32, #tpu.memory_space<hbm>> -> memref<100000x64xf32, #tpu.memory_space<hbm>>
    tpu.enqueue_indirect_dma source(%dma_start3A_23 : memref<100000x64xf32, #tpu.memory_space<hbm>>) target(%arg10 : memref<128x64xf32, #tpu.memory_space<vmem>>) offsets(%arg6 : memref<128xi32, #tpu.memory_space<vmem>>) semaphore(%arg19 : memref<!tpu.dma_semaphore, #tpu.memory_space<semaphore_mem>>)
    %dma_start3A_24 = arith.constant 3 : i32
    %dma_start3A_25 = tpu.memref_slice %arg2[%dma_start3A_24, %mul3A_2] : memref<199x4096xi32, #tpu.memory_space<hbm>> -> memref<1x128xi32, #tpu.memory_space<hbm>>
    %dma_start3A_26 = tpu.memref_squeeze %dma_start3A_25 : memref<1x128xi32, #tpu.memory_space<hbm>> -> memref<128xi32, #tpu.memory_space<hbm>>
    %dma_start3A_27 = tpu.memref_slice %arg2[%dma_start3A_24, %mul3A_2] : memref<199x4096xi32, #tpu.memory_space<hbm>> -> memref<1x128xi32, #tpu.memory_space<hbm>>
    %dma_start3A_28 = tpu.memref_squeeze %dma_start3A_27 : memref<1x128xi32, #tpu.memory_space<hbm>> -> memref<128xi32, #tpu.memory_space<hbm>>
    tpu.enqueue_dma source(%dma_start3A_28 : memref<128xi32, #tpu.memory_space<hbm>>) target(%arg9 : memref<128xi32, #tpu.memory_space<vmem>>) target_semaphore(%arg30 : memref<!tpu.dma_semaphore, #tpu.memory_space<semaphore_mem>>)
    %dma_wait3A_29 = arith.constant 1 : i32
    %dma_wait3A_30 = tpu.memref_slice %arg2[%dma_wait3A_29, %mul3A_2] : memref<199x4096xi32, #tpu.memory_space<hbm>> -> memref<1x128xi32, #tpu.memory_space<hbm>>
    %dma_wait3A_31 = tpu.memref_squeeze %dma_wait3A_30 : memref<1x128xi32, #tpu.memory_space<hbm>> -> memref<128xi32, #tpu.memory_space<hbm>>
    %dma_wait3A_32 = tpu.memref_slice %arg2[%dma_wait3A_29, %mul3A_2] : memref<199x4096xi32, #tpu.memory_space<hbm>> -> memref<1x128xi32, #tpu.memory_space<hbm>>
    %dma_wait3A_33 = tpu.memref_squeeze %dma_wait3A_32 : memref<1x128xi32, #tpu.memory_space<hbm>> -> memref<128xi32, #tpu.memory_space<hbm>>
    tpu.wait_dma2 semaphore(%arg28 : memref<!tpu.dma_semaphore, #tpu.memory_space<semaphore_mem>>) src(%dma_wait3A_33 : memref<128xi32, #tpu.memory_space<hbm>>) dst(%arg7 : memref<128xi32, #tpu.memory_space<vmem>>)
    %dma_start3A_34 = arith.constant 0 : i32
    %dma_start3A_35 = arith.constant 0 : i32
    %dma_start3A_36 = tpu.memref_slice %arg3[%dma_start3A_34, %dma_start3A_35] : memref<100000x64xf32, #tpu.memory_space<hbm>> -> memref<100000x64xf32, #tpu.memory_space<hbm>>
    tpu.enqueue_indirect_dma source(%dma_start3A_36 : memref<100000x64xf32, #tpu.memory_space<hbm>>) target(%arg11 : memref<128x64xf32, #tpu.memory_space<vmem>>) offsets(%arg7 : memref<128xi32, #tpu.memory_space<vmem>>) semaphore(%arg20 : memref<!tpu.dma_semaphore, #tpu.memory_space<semaphore_mem>>)
    %dma_wait3A_37 = arith.constant 2 : i32
    %dma_wait3A_38 = tpu.memref_slice %arg2[%dma_wait3A_37, %mul3A_2] : memref<199x4096xi32, #tpu.memory_space<hbm>> -> memref<1x128xi32, #tpu.memory_space<hbm>>
    %dma_wait3A_39 = tpu.memref_squeeze %dma_wait3A_38 : memref<1x128xi32, #tpu.memory_space<hbm>> -> memref<128xi32, #tpu.memory_space<hbm>>
    %dma_wait3A_40 = tpu.memref_slice %arg2[%dma_wait3A_37, %mul3A_2] : memref<199x4096xi32, #tpu.memory_space<hbm>> -> memref<1x128xi32, #tpu.memory_space<hbm>>
    %dma_wait3A_41 = tpu.memref_squeeze %dma_wait3A_40 : memref<1x128xi32, #tpu.memory_space<hbm>> -> memref<128xi32, #tpu.memory_space<hbm>>
    tpu.wait_dma2 semaphore(%arg29 : memref<!tpu.dma_semaphore, #tpu.memory_space<semaphore_mem>>) src(%dma_wait3A_41 : memref<128xi32, #tpu.memory_space<hbm>>) dst(%arg8 : memref<128xi32, #tpu.memory_space<vmem>>)
    %dma_start3A_42 = arith.constant 0 : i32
    %dma_start3A_43 = arith.constant 0 : i32
    %dma_start3A_44 = tpu.memref_slice %arg3[%dma_start3A_42, %dma_start3A_43] : memref<100000x64xf32, #tpu.memory_space<hbm>> -> memref<100000x64xf32, #tpu.memory_space<hbm>>
    tpu.enqueue_indirect_dma source(%dma_start3A_44 : memref<100000x64xf32, #tpu.memory_space<hbm>>) target(%arg12 : memref<128x64xf32, #tpu.memory_space<vmem>>) offsets(%arg8 : memref<128xi32, #tpu.memory_space<vmem>>) semaphore(%arg21 : memref<!tpu.dma_semaphore, #tpu.memory_space<semaphore_mem>>)
    %dma_wait3A_45 = arith.constant 0 : i32
    %dma_wait3A_46 = arith.constant 0 : i32
    %dma_wait3A_47 = tpu.memref_slice %arg3[%dma_wait3A_45, %dma_wait3A_46] : memref<100000x64xf32, #tpu.memory_space<hbm>> -> memref<100000x64xf32, #tpu.memory_space<hbm>>
    tpu.wait_indirect_dma semaphore(%arg19 : memref<!tpu.dma_semaphore, #tpu.memory_space<semaphore_mem>>) src(%dma_wait3A_47 : memref<100000x64xf32, #tpu.memory_space<hbm>>) dst(%arg10 : memref<128x64xf32, #tpu.memory_space<vmem>>)
    %dma_start3A_48 = arith.constant 4 : i32
    %dma_start3A_49 = tpu.memref_slice %arg2[%dma_start3A_48, %mul3A_2] : memref<199x4096xi32, #tpu.memory_space<hbm>> -> memref<1x128xi32, #tpu.memory_space<hbm>>
    %dma_start3A_50 = tpu.memref_squeeze %dma_start3A_49 : memref<1x128xi32, #tpu.memory_space<hbm>> -> memref<128xi32, #tpu.memory_space<hbm>>
    %dma_start3A_51 = tpu.memref_slice %arg2[%dma_start3A_48, %mul3A_2] : memref<199x4096xi32, #tpu.memory_space<hbm>> -> memref<1x128xi32, #tpu.memory_space<hbm>>
    %dma_start3A_52 = tpu.memref_squeeze %dma_start3A_51 : memref<1x128xi32, #tpu.memory_space<hbm>> -> memref<128xi32, #tpu.memory_space<hbm>>
    tpu.enqueue_dma source(%dma_start3A_52 : memref<128xi32, #tpu.memory_space<hbm>>) target(%arg6 : memref<128xi32, #tpu.memory_space<vmem>>) target_semaphore(%arg27 : memref<!tpu.dma_semaphore, #tpu.memory_space<semaphore_mem>>)
    %dma_wait3A_53 = arith.constant 3 : i32
    %dma_wait3A_54 = tpu.memref_slice %arg2[%dma_wait3A_53, %mul3A_2] : memref<199x4096xi32, #tpu.memory_space<hbm>> -> memref<1x128xi32, #tpu.memory_space<hbm>>
    %dma_wait3A_55 = tpu.memref_squeeze %dma_wait3A_54 : memref<1x128xi32, #tpu.memory_space<hbm>> -> memref<128xi32, #tpu.memory_space<hbm>>
    %dma_wait3A_56 = tpu.memref_slice %arg2[%dma_wait3A_53, %mul3A_2] : memref<199x4096xi32, #tpu.memory_space<hbm>> -> memref<1x128xi32, #tpu.memory_space<hbm>>
    %dma_wait3A_57 = tpu.memref_squeeze %dma_wait3A_56 : memref<1x128xi32, #tpu.memory_space<hbm>> -> memref<128xi32, #tpu.memory_space<hbm>>
    tpu.wait_dma2 semaphore(%arg30 : memref<!tpu.dma_semaphore, #tpu.memory_space<semaphore_mem>>) src(%dma_wait3A_57 : memref<128xi32, #tpu.memory_space<hbm>>) dst(%arg9 : memref<128xi32, #tpu.memory_space<vmem>>)
    %dma_start3A_58 = arith.constant 0 : i32
    %dma_start3A_59 = arith.constant 0 : i32
    %dma_start3A_60 = tpu.memref_slice %arg3[%dma_start3A_58, %dma_start3A_59] : memref<100000x64xf32, #tpu.memory_space<hbm>> -> memref<100000x64xf32, #tpu.memory_space<hbm>>
    tpu.enqueue_indirect_dma source(%dma_start3A_60 : memref<100000x64xf32, #tpu.memory_space<hbm>>) target(%arg13 : memref<128x64xf32, #tpu.memory_space<vmem>>) offsets(%arg9 : memref<128xi32, #tpu.memory_space<vmem>>) semaphore(%arg22 : memref<!tpu.dma_semaphore, #tpu.memory_space<semaphore_mem>>)
    %iota3A = tpu.iota {dimensions = array<i32: 0>} : vector<16xi32>
    %broadcast_in_dim3A = arith.constant 0 : i32
    %broadcast_in_dim3A_61 = vector.broadcast %broadcast_in_dim3A : i32 to vector<16xi32>
    %add3A_62 = arith.constant 0 : i32
    %add3A_63 = vector.broadcast %add3A_62 : i32 to vector<16xi32>
    %add3A_64 = arith.addi %iota3A, %add3A_63 : vector<16xi32>
    %add3A_65 = arith.constant 16 : i32
    %add3A_66 = vector.broadcast %add3A_65 : i32 to vector<16xi32>
    %add3A_67 = arith.addi %iota3A, %add3A_66 : vector<16xi32>
    %add3A_68 = arith.constant 32 : i32
    %add3A_69 = vector.broadcast %add3A_68 : i32 to vector<16xi32>
    %add3A_70 = arith.addi %iota3A, %add3A_69 : vector<16xi32>
    %add3A_71 = arith.constant 48 : i32
    %add3A_72 = vector.broadcast %add3A_71 : i32 to vector<16xi32>
    %add3A_73 = arith.addi %iota3A, %add3A_72 : vector<16xi32>
    %add3A_74 = arith.constant 64 : i32
    %add3A_75 = vector.broadcast %add3A_74 : i32 to vector<16xi32>
    %add3A_76 = arith.addi %iota3A, %add3A_75 : vector<16xi32>
    %add3A_77 = arith.constant 80 : i32
    %add3A_78 = vector.broadcast %add3A_77 : i32 to vector<16xi32>
    %add3A_79 = arith.addi %iota3A, %add3A_78 : vector<16xi32>
    %add3A_80 = arith.constant 96 : i32
    %add3A_81 = vector.broadcast %add3A_80 : i32 to vector<16xi32>
    %add3A_82 = arith.addi %iota3A, %add3A_81 : vector<16xi32>
    %add3A_83 = arith.constant 112 : i32
    %add3A_84 = vector.broadcast %add3A_83 : i32 to vector<16xi32>
    %add3A_85 = arith.addi %iota3A, %add3A_84 : vector<16xi32>
    %scan3A = arith.constant 0 : i32
    %scan3A_86 = arith.constant 0 : i32
    %scan3A_87 = arith.constant 64 : i32
    %scan3A_88 = arith.addi %scan3A_86, %scan3A_87 : i32
    %scan3A_89 = arith.constant 1 : i32
    %scan3A_90 = scf.for %scan3A_467 = %scan3A_86 to %scan3A_88 step %scan3A_89 iter_args(%scan3A_468 = %scan3A) -> (i32)  : i32 {
      %shift_right_arithmetic3A = arith.constant 4 : i32
      %shift_right_arithmetic3A_469 = arith.shrsi %scan3A_467, %shift_right_arithmetic3A : i32
      %shift_left3A = arith.constant 4 : i32
      %shift_left3A_470 = arith.shli %shift_right_arithmetic3A_469, %shift_left3A : i32
      %add3A_471 = vector.broadcast %scan3A_467 : i32 to vector<16xi32>
      %add3A_472 = arith.addi %iota3A, %add3A_471 : vector<16xi32>
      %and3A = arith.constant 15 : i32
      %and3A_473 = vector.broadcast %and3A : i32 to vector<16xi32>
      %and3A_474 = arith.andi %add3A_472, %and3A_473 : vector<16xi32>
      %add3A_475 = vector.broadcast %shift_left3A_470 : i32 to vector<16xi32>
      %add3A_476 = arith.addi %add3A_475, %and3A_474 : vector<16xi32>
      %gather3A = tpu.vector_load_idx %arg18[%broadcast_in_dim3A_61, %add3A_476] : memref<199x64xf32, #tpu.memory_space<vmem>>[vector<16xi32>, vector<16xi32>], vector<16xf32>,
      %shift_right_arithmetic3A_477 = arith.constant 3 : i32
      %shift_right_arithmetic3A_478 = vector.broadcast %shift_right_arithmetic3A_477 : i32 to vector<16xi32>
      %shift_right_arithmetic3A_479 = arith.shrsi %add3A_476, %shift_right_arithmetic3A_478 : vector<16xi32>
      %and3A_480 = arith.constant 0 : i32
      %and3A_481 = vector.broadcast %and3A_480 : i32 to vector<16xi32>
      %and3A_482 = arith.andi %iota3A, %and3A_481 : vector<16xi32>
      %and3A_483 = arith.constant 7 : i32
      %and3A_484 = vector.broadcast %and3A_483 : i32 to vector<16xi32>
      %and3A_485 = arith.andi %add3A_476, %and3A_484 : vector<16xi32>
      %gather3A_486 = tpu.vector_load_idx %arg10[%add3A_64, %add3A_476] : memref<128x64xf32, #tpu.memory_space<vmem>>[vector<16xi32>, vector<16xi32>], vector<16xf32>,
      %add3A_487 = arith.addf %gather3A_486, %gather3A : vector<16xf32>
      tpu.vector_store_idx %arg14[%shift_right_arithmetic3A_479, %and3A_482, %and3A_485, %add3A_64], %add3A_487 : memref<8x1x8x128xf32, #tpu.memory_space<vmem>>[vector<16xi32>, vector<16xi32>, vector<16xi32>, vector<16xi32>], vector<16xf32>,
      %gather3A_488 = tpu.vector_load_idx %arg10[%add3A_67, %add3A_476] : memref<128x64xf32, #tpu.memory_space<vmem>>[vector<16xi32>, vector<16xi32>], vector<16xf32>,
      %add3A_489 = arith.addf %gather3A_488, %gather3A : vector<16xf32>
      tpu.vector_store_idx %arg14[%shift_right_arithmetic3A_479, %and3A_482, %and3A_485, %add3A_67], %add3A_489 : memref<8x1x8x128xf32, #tpu.memory_space<vmem>>[vector<16xi32>, vector<16xi32>, vector<16xi32>, vector<16xi32>], vector<16xf32>,
      %gather3A_490 = tpu.vector_load_idx %arg10[%add3A_70, %add3A_476] : memref<128x64xf32, #tpu.memory_space<vmem>>[vector<16xi32>, vector<16xi32>], vector<16xf32>,
      %add3A_491 = arith.addf %gather3A_490, %gather3A : vector<16xf32>
      tpu.vector_store_idx %arg14[%shift_right_arithmetic3A_479, %and3A_482, %and3A_485, %add3A_70], %add3A_491 : memref<8x1x8x128xf32, #tpu.memory_space<vmem>>[vector<16xi32>, vector<16xi32>, vector<16xi32>, vector<16xi32>], vector<16xf32>,
      %gather3A_492 = tpu.vector_load_idx %arg10[%add3A_73, %add3A_476] : memref<128x64xf32, #tpu.memory_space<vmem>>[vector<16xi32>, vector<16xi32>], vector<16xf32>,
      %add3A_493 = arith.addf %gather3A_492, %gather3A : vector<16xf32>
      tpu.vector_store_idx %arg14[%shift_right_arithmetic3A_479, %and3A_482, %and3A_485, %add3A_73], %add3A_493 : memref<8x1x8x128xf32, #tpu.memory_space<vmem>>[vector<16xi32>, vector<16xi32>, vector<16xi32>, vector<16xi32>], vector<16xf32>,
      %gather3A_494 = tpu.vector_load_idx %arg10[%add3A_76, %add3A_476] : memref<128x64xf32, #tpu.memory_space<vmem>>[vector<16xi32>, vector<16xi32>], vector<16xf32>,
      %add3A_495 = arith.addf %gather3A_494, %gather3A : vector<16xf32>
      tpu.vector_store_idx %arg14[%shift_right_arithmetic3A_479, %and3A_482, %and3A_485, %add3A_76], %add3A_495 : memref<8x1x8x128xf32, #tpu.memory_space<vmem>>[vector<16xi32>, vector<16xi32>, vector<16xi32>, vector<16xi32>], vector<16xf32>,
      %gather3A_496 = tpu.vector_load_idx %arg10[%add3A_79, %add3A_476] : memref<128x64xf32, #tpu.memory_space<vmem>>[vector<16xi32>, vector<16xi32>], vector<16xf32>,
      %add3A_497 = arith.addf %gather3A_496, %gather3A : vector<16xf32>
      tpu.vector_store_idx %arg14[%shift_right_arithmetic3A_479, %and3A_482, %and3A_485, %add3A_79], %add3A_497 : memref<8x1x8x128xf32, #tpu.memory_space<vmem>>[vector<16xi32>, vector<16xi32>, vector<16xi32>, vector<16xi32>], vector<16xf32>,
      %gather3A_498 = tpu.vector_load_idx %arg10[%add3A_82, %add3A_476] : memref<128x64xf32, #tpu.memory_space<vmem>>[vector<16xi32>, vector<16xi32>], vector<16xf32>,
      %add3A_499 = arith.addf %gather3A_498, %gather3A : vector<16xf32>
      tpu.vector_store_idx %arg14[%shift_right_arithmetic3A_479, %and3A_482, %and3A_485, %add3A_82], %add3A_499 : memref<8x1x8x128xf32, #tpu.memory_space<vmem>>[vector<16xi32>, vector<16xi32>, vector<16xi32>, vector<16xi32>], vector<16xf32>,
      %gather3A_500 = tpu.vector_load_idx %arg10[%add3A_85, %add3A_476] : memref<128x64xf32, #tpu.memory_space<vmem>>[vector<16xi32>, vector<16xi32>], vector<16xf32>,
      %add3A_501 = arith.addf %gather3A_500, %gather3A : vector<16xf32>
      tpu.vector_store_idx %arg14[%shift_right_arithmetic3A_479, %and3A_482, %and3A_485, %add3A_85], %add3A_501 : memref<8x1x8x128xf32, #tpu.memory_space<vmem>>[vector<16xi32>, vector<16xi32>, vector<16xi32>, vector<16xi32>], vector<16xf32>,
      %scan3A_502 = arith.constant 0 : i32
      scf.yield %scan3A_502 : i32
    }
    %scan3A_91 = arith.constant 64 : i32
    %dma_start3A_92 = arith.constant 0 : i32
    %dma_start3A_93 = arith.constant 0 : i32
    %dma_start3A_94 = arith.constant 0 : i32
    %dma_start3A_95 = tpu.memref_slice %arg5[%dma_start3A_92, %add3A, %dma_start3A_93, %dma_start3A_94] : memref<1592x32x8x128xf32, #tpu.memory_space<hbm>> -> memref<8x1x8x128xf32, #tpu.memory_space<hbm>>
    %dma_start3A_96 = arith.constant 0 : i32
    %dma_start3A_97 = arith.constant 0 : i32
    %dma_start3A_98 = arith.constant 0 : i32
    %dma_start3A_99 = tpu.memref_slice %arg5[%dma_start3A_96, %add3A, %dma_start3A_97, %dma_start3A_98] : memref<1592x32x8x128xf32, #tpu.memory_space<hbm>> -> memref<8x1x8x128xf32, #tpu.memory_space<hbm>>
    tpu.enqueue_dma source(%arg14 : memref<8x1x8x128xf32, #tpu.memory_space<vmem>>) target(%dma_start3A_99 : memref<8x1x8x128xf32, #tpu.memory_space<hbm>>) target_semaphore(%arg23 : memref<!tpu.dma_semaphore, #tpu.memory_space<semaphore_mem>>)
    %dma_wait3A_100 = arith.constant 0 : i32
    %dma_wait3A_101 = arith.constant 0 : i32
    %dma_wait3A_102 = tpu.memref_slice %arg3[%dma_wait3A_100, %dma_wait3A_101] : memref<100000x64xf32, #tpu.memory_space<hbm>> -> memref<100000x64xf32, #tpu.memory_space<hbm>>
    tpu.wait_indirect_dma semaphore(%arg20 : memref<!tpu.dma_semaphore, #tpu.memory_space<semaphore_mem>>) src(%dma_wait3A_102 : memref<100000x64xf32, #tpu.memory_space<hbm>>) dst(%arg11 : memref<128x64xf32, #tpu.memory_space<vmem>>)
    %dma_start3A_103 = arith.constant 5 : i32
    %dma_start3A_104 = tpu.memref_slice %arg2[%dma_start3A_103, %mul3A_2] : memref<199x4096xi32, #tpu.memory_space<hbm>> -> memref<1x128xi32, #tpu.memory_space<hbm>>
    %dma_start3A_105 = tpu.memref_squeeze %dma_start3A_104 : memref<1x128xi32, #tpu.memory_space<hbm>> -> memref<128xi32, #tpu.memory_space<hbm>>
    %dma_start3A_106 = tpu.memref_slice %arg2[%dma_start3A_103, %mul3A_2] : memref<199x4096xi32, #tpu.memory_space<hbm>> -> memref<1x128xi32, #tpu.memory_space<hbm>>
    %dma_start3A_107 = tpu.memref_squeeze %dma_start3A_106 : memref<1x128xi32, #tpu.memory_space<hbm>> -> memref<128xi32, #tpu.memory_space<hbm>>
    tpu.enqueue_dma source(%dma_start3A_107 : memref<128xi32, #tpu.memory_space<hbm>>) target(%arg7 : memref<128xi32, #tpu.memory_space<vmem>>) target_semaphore(%arg28 : memref<!tpu.dma_semaphore, #tpu.memory_space<semaphore_mem>>)
    %dma_wait3A_108 = arith.constant 4 : i32
    %dma_wait3A_109 = tpu.memref_slice %arg2[%dma_wait3A_108, %mul3A_2] : memref<199x4096xi32, #tpu.memory_space<hbm>> -> memref<1x128xi32, #tpu.memory_space<hbm>>
    %dma_wait3A_110 = tpu.memref_squeeze %dma_wait3A_109 : memref<1x128xi32, #tpu.memory_space<hbm>> -> memref<128xi32, #tpu.memory_space<hbm>>
    %dma_wait3A_111 = tpu.memref_slice %arg2[%dma_wait3A_108, %mul3A_2] : memref<199x4096xi32, #tpu.memory_space<hbm>> -> memref<1x128xi32, #tpu.memory_space<hbm>>
    %dma_wait3A_112 = tpu.memref_squeeze %dma_wait3A_111 : memref<1x128xi32, #tpu.memory_space<hbm>> -> memref<128xi32, #tpu.memory_space<hbm>>
    tpu.wait_dma2 semaphore(%arg27 : memref<!tpu.dma_semaphore, #tpu.memory_space<semaphore_mem>>) src(%dma_wait3A_112 : memref<128xi32, #tpu.memory_space<hbm>>) dst(%arg6 : memref<128xi32, #tpu.memory_space<vmem>>)
    %dma_start3A_113 = arith.constant 0 : i32
    %dma_start3A_114 = arith.constant 0 : i32
    %dma_start3A_115 = tpu.memref_slice %arg3[%dma_start3A_113, %dma_start3A_114] : memref<100000x64xf32, #tpu.memory_space<hbm>> -> memref<100000x64xf32, #tpu.memory_space<hbm>>
    tpu.enqueue_indirect_dma source(%dma_start3A_115 : memref<100000x64xf32, #tpu.memory_space<hbm>>) target(%arg10 : memref<128x64xf32, #tpu.memory_space<vmem>>) offsets(%arg6 : memref<128xi32, #tpu.memory_space<vmem>>) semaphore(%arg19 : memref<!tpu.dma_semaphore, #tpu.memory_space<semaphore_mem>>)
    %iota3A_116 = tpu.iota {dimensions = array<i32: 0>} : vector<16xi32>
    %broadcast_in_dim3A_117 = arith.constant 1 : i32
    %broadcast_in_dim3A_118 = vector.broadcast %broadcast_in_dim3A_117 : i32 to vector<16xi32>
    %add3A_119 = arith.constant 0 : i32
    %add3A_120 = vector.broadcast %add3A_119 : i32 to vector<16xi32>
    %add3A_121 = arith.addi %iota3A_116, %add3A_120 : vector<16xi32>
    %add3A_122 = arith.constant 16 : i32
    %add3A_123 = vector.broadcast %add3A_122 : i32 to vector<16xi32>
    %add3A_124 = arith.addi %iota3A_116, %add3A_123 : vector<16xi32>
    %add3A_125 = arith.constant 32 : i32
    %add3A_126 = vector.broadcast %add3A_125 : i32 to vector<16xi32>
    %add3A_127 = arith.addi %iota3A_116, %add3A_126 : vector<16xi32>
    %add3A_128 = arith.constant 48 : i32
    %add3A_129 = vector.broadcast %add3A_128 : i32 to vector<16xi32>
    %add3A_130 = arith.addi %iota3A_116, %add3A_129 : vector<16xi32>
    %add3A_131 = arith.constant 64 : i32
    %add3A_132 = vector.broadcast %add3A_131 : i32 to vector<16xi32>
    %add3A_133 = arith.addi %iota3A_116, %add3A_132 : vector<16xi32>
    %add3A_134 = arith.constant 80 : i32
    %add3A_135 = vector.broadcast %add3A_134 : i32 to vector<16xi32>
    %add3A_136 = arith.addi %iota3A_116, %add3A_135 : vector<16xi32>
    %add3A_137 = arith.constant 96 : i32
    %add3A_138 = vector.broadcast %add3A_137 : i32 to vector<16xi32>
    %add3A_139 = arith.addi %iota3A_116, %add3A_138 : vector<16xi32>
    %add3A_140 = arith.constant 112 : i32
    %add3A_141 = vector.broadcast %add3A_140 : i32 to vector<16xi32>
    %add3A_142 = arith.addi %iota3A_116, %add3A_141 : vector<16xi32>
    %scan3A_143 = arith.constant 0 : i32
    %scan3A_144 = arith.constant 0 : i32
    %scan3A_145 = arith.constant 64 : i32
    %scan3A_146 = arith.addi %scan3A_144, %scan3A_145 : i32
    %scan3A_147 = arith.constant 1 : i32
    %scan3A_148 = scf.for %scan3A_467 = %scan3A_144 to %scan3A_146 step %scan3A_147 iter_args(%scan3A_468 = %scan3A_143) -> (i32)  : i32 {
      %shift_right_arithmetic3A = arith.constant 4 : i32
      %shift_right_arithmetic3A_469 = arith.shrsi %scan3A_467, %shift_right_arithmetic3A : i32
      %shift_left3A = arith.constant 4 : i32
      %shift_left3A_470 = arith.shli %shift_right_arithmetic3A_469, %shift_left3A : i32
      %add3A_471 = vector.broadcast %scan3A_467 : i32 to vector<16xi32>
      %add3A_472 = arith.addi %iota3A_116, %add3A_471 : vector<16xi32>
      %and3A = arith.constant 15 : i32
      %and3A_473 = vector.broadcast %and3A : i32 to vector<16xi32>
      %and3A_474 = arith.andi %add3A_472, %and3A_473 : vector<16xi32>
      %add3A_475 = vector.broadcast %shift_left3A_470 : i32 to vector<16xi32>
      %add3A_476 = arith.addi %add3A_475, %and3A_474 : vector<16xi32>
      %gather3A = tpu.vector_load_idx %arg18[%broadcast_in_dim3A_118, %add3A_476] : memref<199x64xf32, #tpu.memory_space<vmem>>[vector<16xi32>, vector<16xi32>], vector<16xf32>,
      %shift_right_arithmetic3A_477 = arith.constant 3 : i32
      %shift_right_arithmetic3A_478 = vector.broadcast %shift_right_arithmetic3A_477 : i32 to vector<16xi32>
      %shift_right_arithmetic3A_479 = arith.shrsi %add3A_476, %shift_right_arithmetic3A_478 : vector<16xi32>
      %and3A_480 = arith.constant 0 : i32
      %and3A_481 = vector.broadcast %and3A_480 : i32 to vector<16xi32>
      %and3A_482 = arith.andi %iota3A_116, %and3A_481 : vector<16xi32>
      %and3A_483 = arith.constant 7 : i32
      %and3A_484 = vector.broadcast %and3A_483 : i32 to vector<16xi32>
      %and3A_485 = arith.andi %add3A_476, %and3A_484 : vector<16xi32>
      %gather3A_486 = tpu.vector_load_idx %arg11[%add3A_121, %add3A_476] : memref<128x64xf32, #tpu.memory_space<vmem>>[vector<16xi32>, vector<16xi32>], vector<16xf32>,
      %add3A_487 = arith.addf %gather3A_486, %gather3A : vector<16xf32>
      tpu.vector_store_idx %arg15[%shift_right_arithmetic3A_479, %and3A_482, %and3A_485, %add3A_121], %add3A_487 : memref<8x1x8x128xf32, #tpu.memory_space<vmem>>[vector<16xi32>, vector<16xi32>, vector<16xi32>, vector<16xi32>], vector<16xf32>,
      %gather3A_488 = tpu.vector_load_idx %arg11[%add3A_124, %add3A_476] : memref<128x64xf32, #tpu.memory_space<vmem>>[vector<16xi32>, vector<16xi32>], vector<16xf32>,
      %add3A_489 = arith.addf %gather3A_488, %gather3A : vector<16xf32>
      tpu.vector_store_idx %arg15[%shift_right_arithmetic3A_479, %and3A_482, %and3A_485, %add3A_124], %add3A_489 : memref<8x1x8x128xf32, #tpu.memory_space<vmem>>[vector<16xi32>, vector<16xi32>, vector<16xi32>, vector<16xi32>], vector<16xf32>,
      %gather3A_490 = tpu.vector_load_idx %arg11[%add3A_127, %add3A_476] : memref<128x64xf32, #tpu.memory_space<vmem>>[vector<16xi32>, vector<16xi32>], vector<16xf32>,
      %add3A_491 = arith.addf %gather3A_490, %gather3A : vector<16xf32>
      tpu.vector_store_idx %arg15[%shift_right_arithmetic3A_479, %and3A_482, %and3A_485, %add3A_127], %add3A_491 : memref<8x1x8x128xf32, #tpu.memory_space<vmem>>[vector<16xi32>, vector<16xi32>, vector<16xi32>, vector<16xi32>], vector<16xf32>,
      %gather3A_492 = tpu.vector_load_idx %arg11[%add3A_130, %add3A_476] : memref<128x64xf32, #tpu.memory_space<vmem>>[vector<16xi32>, vector<16xi32>], vector<16xf32>,
      %add3A_493 = arith.addf %gather3A_492, %gather3A : vector<16xf32>
      tpu.vector_store_idx %arg15[%shift_right_arithmetic3A_479, %and3A_482, %and3A_485, %add3A_130], %add3A_493 : memref<8x1x8x128xf32, #tpu.memory_space<vmem>>[vector<16xi32>, vector<16xi32>, vector<16xi32>, vector<16xi32>], vector<16xf32>,
      %gather3A_494 = tpu.vector_load_idx %arg11[%add3A_133, %add3A_476] : memref<128x64xf32, #tpu.memory_space<vmem>>[vector<16xi32>, vector<16xi32>], vector<16xf32>,
      %add3A_495 = arith.addf %gather3A_494, %gather3A : vector<16xf32>
      tpu.vector_store_idx %arg15[%shift_right_arithmetic3A_479, %and3A_482, %and3A_485, %add3A_133], %add3A_495 : memref<8x1x8x128xf32, #tpu.memory_space<vmem>>[vector<16xi32>, vector<16xi32>, vector<16xi32>, vector<16xi32>], vector<16xf32>,
      %gather3A_496 = tpu.vector_load_idx %arg11[%add3A_136, %add3A_476] : memref<128x64xf32, #tpu.memory_space<vmem>>[vector<16xi32>, vector<16xi32>], vector<16xf32>,
      %add3A_497 = arith.addf %gather3A_496, %gather3A : vector<16xf32>
      tpu.vector_store_idx %arg15[%shift_right_arithmetic3A_479, %and3A_482, %and3A_485, %add3A_136], %add3A_497 : memref<8x1x8x128xf32, #tpu.memory_space<vmem>>[vector<16xi32>, vector<16xi32>, vector<16xi32>, vector<16xi32>], vector<16xf32>,
      %gather3A_498 = tpu.vector_load_idx %arg11[%add3A_139, %add3A_476] : memref<128x64xf32, #tpu.memory_space<vmem>>[vector<16xi32>, vector<16xi32>], vector<16xf32>,
      %add3A_499 = arith.addf %gather3A_498, %gather3A : vector<16xf32>
      tpu.vector_store_idx %arg15[%shift_right_arithmetic3A_479, %and3A_482, %and3A_485, %add3A_139], %add3A_499 : memref<8x1x8x128xf32, #tpu.memory_space<vmem>>[vector<16xi32>, vector<16xi32>, vector<16xi32>, vector<16xi32>], vector<16xf32>,
      %gather3A_500 = tpu.vector_load_idx %arg11[%add3A_142, %add3A_476] : memref<128x64xf32, #tpu.memory_space<vmem>>[vector<16xi32>, vector<16xi32>], vector<16xf32>,
      %add3A_501 = arith.addf %gather3A_500, %gather3A : vector<16xf32>
      tpu.vector_store_idx %arg15[%shift_right_arithmetic3A_479, %and3A_482, %and3A_485, %add3A_142], %add3A_501 : memref<8x1x8x128xf32, #tpu.memory_space<vmem>>[vector<16xi32>, vector<16xi32>, vector<16xi32>, vector<16xi32>], vector<16xf32>,
      %scan3A_502 = arith.constant 0 : i32
      scf.yield %scan3A_502 : i32
    }
    %scan3A_149 = arith.constant 64 : i32
    %dma_start3A_150 = arith.constant 8 : i32
    %dma_start3A_151 = arith.constant 0 : i32
    %dma_start3A_152 = arith.constant 0 : i32
    %dma_start3A_153 = tpu.memref_slice %arg5[%dma_start3A_150, %add3A, %dma_start3A_151, %dma_start3A_152] : memref<1592x32x8x128xf32, #tpu.memory_space<hbm>> -> memref<8x1x8x128xf32, #tpu.memory_space<hbm>>
    %dma_start3A_154 = arith.constant 8 : i32
    %dma_start3A_155 = arith.constant 0 : i32
    %dma_start3A_156 = arith.constant 0 : i32
    %dma_start3A_157 = tpu.memref_slice %arg5[%dma_start3A_154, %add3A, %dma_start3A_155, %dma_start3A_156] : memref<1592x32x8x128xf32, #tpu.memory_space<hbm>> -> memref<8x1x8x128xf32, #tpu.memory_space<hbm>>
    tpu.enqueue_dma source(%arg15 : memref<8x1x8x128xf32, #tpu.memory_space<vmem>>) target(%dma_start3A_157 : memref<8x1x8x128xf32, #tpu.memory_space<hbm>>) target_semaphore(%arg24 : memref<!tpu.dma_semaphore, #tpu.memory_space<semaphore_mem>>)
    %dma_wait3A_158 = arith.constant 0 : i32
    %dma_wait3A_159 = arith.constant 0 : i32
    %dma_wait3A_160 = tpu.memref_slice %arg3[%dma_wait3A_158, %dma_wait3A_159] : memref<100000x64xf32, #tpu.memory_space<hbm>> -> memref<100000x64xf32, #tpu.memory_space<hbm>>
    tpu.wait_indirect_dma semaphore(%arg21 : memref<!tpu.dma_semaphore, #tpu.memory_space<semaphore_mem>>) src(%dma_wait3A_160 : memref<100000x64xf32, #tpu.memory_space<hbm>>) dst(%arg12 : memref<128x64xf32, #tpu.memory_space<vmem>>)
    %dma_start3A_161 = arith.constant 6 : i32
    %dma_start3A_162 = tpu.memref_slice %arg2[%dma_start3A_161, %mul3A_2] : memref<199x4096xi32, #tpu.memory_space<hbm>> -> memref<1x128xi32, #tpu.memory_space<hbm>>
    %dma_start3A_163 = tpu.memref_squeeze %dma_start3A_162 : memref<1x128xi32, #tpu.memory_space<hbm>> -> memref<128xi32, #tpu.memory_space<hbm>>
    %dma_start3A_164 = tpu.memref_slice %arg2[%dma_start3A_161, %mul3A_2] : memref<199x4096xi32, #tpu.memory_space<hbm>> -> memref<1x128xi32, #tpu.memory_space<hbm>>
    %dma_start3A_165 = tpu.memref_squeeze %dma_start3A_164 : memref<1x128xi32, #tpu.memory_space<hbm>> -> memref<128xi32, #tpu.memory_space<hbm>>
    tpu.enqueue_dma source(%dma_start3A_165 : memref<128xi32, #tpu.memory_space<hbm>>) target(%arg8 : memref<128xi32, #tpu.memory_space<vmem>>) target_semaphore(%arg29 : memref<!tpu.dma_semaphore, #tpu.memory_space<semaphore_mem>>)
    %dma_wait3A_166 = arith.constant 5 : i32
    %dma_wait3A_167 = tpu.memref_slice %arg2[%dma_wait3A_166, %mul3A_2] : memref<199x4096xi32, #tpu.memory_space<hbm>> -> memref<1x128xi32, #tpu.memory_space<hbm>>
    %dma_wait3A_168 = tpu.memref_squeeze %dma_wait3A_167 : memref<1x128xi32, #tpu.memory_space<hbm>> -> memref<128xi32, #tpu.memory_space<hbm>>
    %dma_wait3A_169 = tpu.memref_slice %arg2[%dma_wait3A_166, %mul3A_2] : memref<199x4096xi32, #tpu.memory_space<hbm>> -> memref<1x128xi32, #tpu.memory_space<hbm>>
    %dma_wait3A_170 = tpu.memref_squeeze %dma_wait3A_169 : memref<1x128xi32, #tpu.memory_space<hbm>> -> memref<128xi32, #tpu.memory_space<hbm>>
    tpu.wait_dma2 semaphore(%arg28 : memref<!tpu.dma_semaphore, #tpu.memory_space<semaphore_mem>>) src(%dma_wait3A_170 : memref<128xi32, #tpu.memory_space<hbm>>) dst(%arg7 : memref<128xi32, #tpu.memory_space<vmem>>)
    %dma_start3A_171 = arith.constant 0 : i32
    %dma_start3A_172 = arith.constant 0 : i32
    %dma_start3A_173 = tpu.memref_slice %arg3[%dma_start3A_171, %dma_start3A_172] : memref<100000x64xf32, #tpu.memory_space<hbm>> -> memref<100000x64xf32, #tpu.memory_space<hbm>>
    tpu.enqueue_indirect_dma source(%dma_start3A_173 : memref<100000x64xf32, #tpu.memory_space<hbm>>) target(%arg11 : memref<128x64xf32, #tpu.memory_space<vmem>>) offsets(%arg7 : memref<128xi32, #tpu.memory_space<vmem>>) semaphore(%arg20 : memref<!tpu.dma_semaphore, #tpu.memory_space<semaphore_mem>>)
    %iota3A_174 = tpu.iota {dimensions = array<i32: 0>} : vector<16xi32>
    %broadcast_in_dim3A_175 = arith.constant 2 : i32
    %broadcast_in_dim3A_176 = vector.broadcast %broadcast_in_dim3A_175 : i32 to vector<16xi32>
    %add3A_177 = arith.constant 0 : i32
    %add3A_178 = vector.broadcast %add3A_177 : i32 to vector<16xi32>
    %add3A_179 = arith.addi %iota3A_174, %add3A_178 : vector<16xi32>
    %add3A_180 = arith.constant 16 : i32
    %add3A_181 = vector.broadcast %add3A_180 : i32 to vector<16xi32>
    %add3A_182 = arith.addi %iota3A_174, %add3A_181 : vector<16xi32>
    %add3A_183 = arith.constant 32 : i32
    %add3A_184 = vector.broadcast %add3A_183 : i32 to vector<16xi32>
    %add3A_185 = arith.addi %iota3A_174, %add3A_184 : vector<16xi32>
    %add3A_186 = arith.constant 48 : i32
    %add3A_187 = vector.broadcast %add3A_186 : i32 to vector<16xi32>
    %add3A_188 = arith.addi %iota3A_174, %add3A_187 : vector<16xi32>
    %add3A_189 = arith.constant 64 : i32
    %add3A_190 = vector.broadcast %add3A_189 : i32 to vector<16xi32>
    %add3A_191 = arith.addi %iota3A_174, %add3A_190 : vector<16xi32>
    %add3A_192 = arith.constant 80 : i32
    %add3A_193 = vector.broadcast %add3A_192 : i32 to vector<16xi32>
    %add3A_194 = arith.addi %iota3A_174, %add3A_193 : vector<16xi32>
    %add3A_195 = arith.constant 96 : i32
    %add3A_196 = vector.broadcast %add3A_195 : i32 to vector<16xi32>
    %add3A_197 = arith.addi %iota3A_174, %add3A_196 : vector<16xi32>
    %add3A_198 = arith.constant 112 : i32
    %add3A_199 = vector.broadcast %add3A_198 : i32 to vector<16xi32>
    %add3A_200 = arith.addi %iota3A_174, %add3A_199 : vector<16xi32>
    %scan3A_201 = arith.constant 0 : i32
    %scan3A_202 = arith.constant 0 : i32
    %scan3A_203 = arith.constant 64 : i32
    %scan3A_204 = arith.addi %scan3A_202, %scan3A_203 : i32
    %scan3A_205 = arith.constant 1 : i32
    %scan3A_206 = scf.for %scan3A_467 = %scan3A_202 to %scan3A_204 step %scan3A_205 iter_args(%scan3A_468 = %scan3A_201) -> (i32)  : i32 {
      %shift_right_arithmetic3A = arith.constant 4 : i32
      %shift_right_arithmetic3A_469 = arith.shrsi %scan3A_467, %shift_right_arithmetic3A : i32
      %shift_left3A = arith.constant 4 : i32
      %shift_left3A_470 = arith.shli %shift_right_arithmetic3A_469, %shift_left3A : i32
      %add3A_471 = vector.broadcast %scan3A_467 : i32 to vector<16xi32>
      %add3A_472 = arith.addi %iota3A_174, %add3A_471 : vector<16xi32>
      %and3A = arith.constant 15 : i32
      %and3A_473 = vector.broadcast %and3A : i32 to vector<16xi32>
      %and3A_474 = arith.andi %add3A_472, %and3A_473 : vector<16xi32>
      %add3A_475 = vector.broadcast %shift_left3A_470 : i32 to vector<16xi32>
      %add3A_476 = arith.addi %add3A_475, %and3A_474 : vector<16xi32>
      %gather3A = tpu.vector_load_idx %arg18[%broadcast_in_dim3A_176, %add3A_476] : memref<199x64xf32, #tpu.memory_space<vmem>>[vector<16xi32>, vector<16xi32>], vector<16xf32>,
      %shift_right_arithmetic3A_477 = arith.constant 3 : i32
      %shift_right_arithmetic3A_478 = vector.broadcast %shift_right_arithmetic3A_477 : i32 to vector<16xi32>
      %shift_right_arithmetic3A_479 = arith.shrsi %add3A_476, %shift_right_arithmetic3A_478 : vector<16xi32>
      %and3A_480 = arith.constant 0 : i32
      %and3A_481 = vector.broadcast %and3A_480 : i32 to vector<16xi32>
      %and3A_482 = arith.andi %iota3A_174, %and3A_481 : vector<16xi32>
      %and3A_483 = arith.constant 7 : i32
      %and3A_484 = vector.broadcast %and3A_483 : i32 to vector<16xi32>
      %and3A_485 = arith.andi %add3A_476, %and3A_484 : vector<16xi32>
      %gather3A_486 = tpu.vector_load_idx %arg12[%add3A_179, %add3A_476] : memref<128x64xf32, #tpu.memory_space<vmem>>[vector<16xi32>, vector<16xi32>], vector<16xf32>,
      %add3A_487 = arith.addf %gather3A_486, %gather3A : vector<16xf32>
      tpu.vector_store_idx %arg16[%shift_right_arithmetic3A_479, %and3A_482, %and3A_485, %add3A_179], %add3A_487 : memref<8x1x8x128xf32, #tpu.memory_space<vmem>>[vector<16xi32>, vector<16xi32>, vector<16xi32>, vector<16xi32>], vector<16xf32>,
      %gather3A_488 = tpu.vector_load_idx %arg12[%add3A_182, %add3A_476] : memref<128x64xf32, #tpu.memory_space<vmem>>[vector<16xi32>, vector<16xi32>], vector<16xf32>,
      %add3A_489 = arith.addf %gather3A_488, %gather3A : vector<16xf32>
      tpu.vector_store_idx %arg16[%shift_right_arithmetic3A_479, %and3A_482, %and3A_485, %add3A_182], %add3A_489 : memref<8x1x8x128xf32, #tpu.memory_space<vmem>>[vector<16xi32>, vector<16xi32>, vector<16xi32>, vector<16xi32>], vector<16xf32>,
      %gather3A_490 = tpu.vector_load_idx %arg12[%add3A_185, %add3A_476] : memref<128x64xf32, #tpu.memory_space<vmem>>[vector<16xi32>, vector<16xi32>], vector<16xf32>,
      %add3A_491 = arith.addf %gather3A_490, %gather3A : vector<16xf32>
      tpu.vector_store_idx %arg16[%shift_right_arithmetic3A_479, %and3A_482, %and3A_485, %add3A_185], %add3A_491 : memref<8x1x8x128xf32, #tpu.memory_space<vmem>>[vector<16xi32>, vector<16xi32>, vector<16xi32>, vector<16xi32>], vector<16xf32>,
      %gather3A_492 = tpu.vector_load_idx %arg12[%add3A_188, %add3A_476] : memref<128x64xf32, #tpu.memory_space<vmem>>[vector<16xi32>, vector<16xi32>], vector<16xf32>,
      %add3A_493 = arith.addf %gather3A_492, %gather3A : vector<16xf32>
      tpu.vector_store_idx %arg16[%shift_right_arithmetic3A_479, %and3A_482, %and3A_485, %add3A_188], %add3A_493 : memref<8x1x8x128xf32, #tpu.memory_space<vmem>>[vector<16xi32>, vector<16xi32>, vector<16xi32>, vector<16xi32>], vector<16xf32>,
      %gather3A_494 = tpu.vector_load_idx %arg12[%add3A_191, %add3A_476] : memref<128x64xf32, #tpu.memory_space<vmem>>[vector<16xi32>, vector<16xi32>], vector<16xf32>,
      %add3A_495 = arith.addf %gather3A_494, %gather3A : vector<16xf32>
      tpu.vector_store_idx %arg16[%shift_right_arithmetic3A_479, %and3A_482, %and3A_485, %add3A_191], %add3A_495 : memref<8x1x8x128xf32, #tpu.memory_space<vmem>>[vector<16xi32>, vector<16xi32>, vector<16xi32>, vector<16xi32>], vector<16xf32>,
      %gather3A_496 = tpu.vector_load_idx %arg12[%add3A_194, %add3A_476] : memref<128x64xf32, #tpu.memory_space<vmem>>[vector<16xi32>, vector<16xi32>], vector<16xf32>,
      %add3A_497 = arith.addf %gather3A_496, %gather3A : vector<16xf32>
      tpu.vector_store_idx %arg16[%shift_right_arithmetic3A_479, %and3A_482, %and3A_485, %add3A_194], %add3A_497 : memref<8x1x8x128xf32, #tpu.memory_space<vmem>>[vector<16xi32>, vector<16xi32>, vector<16xi32>, vector<16xi32>], vector<16xf32>,
      %gather3A_498 = tpu.vector_load_idx %arg12[%add3A_197, %add3A_476] : memref<128x64xf32, #tpu.memory_space<vmem>>[vector<16xi32>, vector<16xi32>], vector<16xf32>,
      %add3A_499 = arith.addf %gather3A_498, %gather3A : vector<16xf32>
      tpu.vector_store_idx %arg16[%shift_right_arithmetic3A_479, %and3A_482, %and3A_485, %add3A_197], %add3A_499 : memref<8x1x8x128xf32, #tpu.memory_space<vmem>>[vector<16xi32>, vector<16xi32>, vector<16xi32>, vector<16xi32>], vector<16xf32>,
      %gather3A_500 = tpu.vector_load_idx %arg12[%add3A_200, %add3A_476] : memref<128x64xf32, #tpu.memory_space<vmem>>[vector<16xi32>, vector<16xi32>], vector<16xf32>,
      %add3A_501 = arith.addf %gather3A_500, %gather3A : vector<16xf32>
      tpu.vector_store_idx %arg16[%shift_right_arithmetic3A_479, %and3A_482, %and3A_485, %add3A_200], %add3A_501 : memref<8x1x8x128xf32, #tpu.memory_space<vmem>>[vector<16xi32>, vector<16xi32>, vector<16xi32>, vector<16xi32>], vector<16xf32>,
      %scan3A_502 = arith.constant 0 : i32
      scf.yield %scan3A_502 : i32
    }
    %scan3A_207 = arith.constant 64 : i32
    %dma_start3A_208 = arith.constant 16 : i32
    %dma_start3A_209 = arith.constant 0 : i32
    %dma_start3A_210 = arith.constant 0 : i32
    %dma_start3A_211 = tpu.memref_slice %arg5[%dma_start3A_208, %add3A, %dma_start3A_209, %dma_start3A_210] : memref<1592x32x8x128xf32, #tpu.memory_space<hbm>> -> memref<8x1x8x128xf32, #tpu.memory_space<hbm>>
    %dma_start3A_212 = arith.constant 16 : i32
    %dma_start3A_213 = arith.constant 0 : i32
    %dma_start3A_214 = arith.constant 0 : i32
    %dma_start3A_215 = tpu.memref_slice %arg5[%dma_start3A_212, %add3A, %dma_start3A_213, %dma_start3A_214] : memref<1592x32x8x128xf32, #tpu.memory_space<hbm>> -> memref<8x1x8x128xf32, #tpu.memory_space<hbm>>
    tpu.enqueue_dma source(%arg16 : memref<8x1x8x128xf32, #tpu.memory_space<vmem>>) target(%dma_start3A_215 : memref<8x1x8x128xf32, #tpu.memory_space<hbm>>) target_semaphore(%arg25 : memref<!tpu.dma_semaphore, #tpu.memory_space<semaphore_mem>>)
    %scan3A_216 = arith.constant 0 : i32
    %scan3A_217 = arith.constant 0 : i32
    %scan3A_218 = arith.constant 48 : i32
    %scan3A_219 = arith.addi %scan3A_217, %scan3A_218 : i32
    %scan3A_220 = arith.constant 1 : i32
    %scan3A_221 = scf.for %scan3A_467 = %scan3A_217 to %scan3A_219 step %scan3A_220 iter_args(%scan3A_468 = %scan3A_216) -> (i32)  : i32 {
      %mul3A_469 = arith.constant 4 : i32
      %mul3A_470 = arith.muli %mul3A_469, %scan3A_467 : i32
      %add3A_471 = arith.constant 3 : i32
      %add3A_472 = arith.addi %add3A_471, %mul3A_470 : i32
      %dma_wait3A_473 = arith.constant 0 : i32
      %dma_wait3A_474 = arith.constant 0 : i32
      %dma_wait3A_475 = tpu.memref_slice %arg3[%dma_wait3A_473, %dma_wait3A_474] : memref<100000x64xf32, #tpu.memory_space<hbm>> -> memref<100000x64xf32, #tpu.memory_space<hbm>>
      tpu.wait_indirect_dma semaphore(%arg22 : memref<!tpu.dma_semaphore, #tpu.memory_space<semaphore_mem>>) src(%dma_wait3A_475 : memref<100000x64xf32, #tpu.memory_space<hbm>>) dst(%arg13 : memref<128x64xf32, #tpu.memory_space<vmem>>)
      %add3A_476 = arith.constant 4 : i32
      %add3A_477 = arith.addi %add3A_472, %add3A_476 : i32
      %dma_start3A_478 = tpu.memref_slice %arg2[%add3A_477, %mul3A_2] : memref<199x4096xi32, #tpu.memory_space<hbm>> -> memref<1x128xi32, #tpu.memory_space<hbm>>
      %dma_start3A_479 = tpu.memref_squeeze %dma_start3A_478 : memref<1x128xi32, #tpu.memory_space<hbm>> -> memref<128xi32, #tpu.memory_space<hbm>>
      %dma_start3A_480 = tpu.memref_slice %arg2[%add3A_477, %mul3A_2] : memref<199x4096xi32, #tpu.memory_space<hbm>> -> memref<1x128xi32, #tpu.memory_space<hbm>>
      %dma_start3A_481 = tpu.memref_squeeze %dma_start3A_480 : memref<1x128xi32, #tpu.memory_space<hbm>> -> memref<128xi32, #tpu.memory_space<hbm>>
      tpu.enqueue_dma source(%dma_start3A_481 : memref<128xi32, #tpu.memory_space<hbm>>) target(%arg9 : memref<128xi32, #tpu.memory_space<vmem>>) target_semaphore(%arg30 : memref<!tpu.dma_semaphore, #tpu.memory_space<semaphore_mem>>)
      %sub3A = arith.constant 3 : i32
      %sub3A_482 = arith.subi %add3A_472, %sub3A : i32
      %mul3A_483 = arith.constant 8 : i32
      %mul3A_484 = arith.muli %sub3A_482, %mul3A_483 : i32
      %dma_wait3A_485 = arith.constant 0 : i32
      %dma_wait3A_486 = arith.constant 0 : i32
      %dma_wait3A_487 = tpu.memref_slice %arg5[%mul3A_484, %add3A, %dma_wait3A_485, %dma_wait3A_486] : memref<1592x32x8x128xf32, #tpu.memory_space<hbm>> -> memref<8x1x8x128xf32, #tpu.memory_space<hbm>>
      %dma_wait3A_488 = arith.constant 0 : i32
      %dma_wait3A_489 = arith.constant 0 : i32
      %dma_wait3A_490 = tpu.memref_slice %arg5[%mul3A_484, %add3A, %dma_wait3A_488, %dma_wait3A_489] : memref<1592x32x8x128xf32, #tpu.memory_space<hbm>> -> memref<8x1x8x128xf32, #tpu.memory_space<hbm>>
      tpu.wait_dma2 semaphore(%arg23 : memref<!tpu.dma_semaphore, #tpu.memory_space<semaphore_mem>>) src(%arg14 : memref<8x1x8x128xf32, #tpu.memory_space<vmem>>) dst(%dma_wait3A_490 : memref<8x1x8x128xf32, #tpu.memory_space<hbm>>)
      %add3A_491 = arith.constant 3 : i32
      %add3A_492 = arith.addi %add3A_472, %add3A_491 : i32
      %dma_wait3A_493 = tpu.memref_slice %arg2[%add3A_492, %mul3A_2] : memref<199x4096xi32, #tpu.memory_space<hbm>> -> memref<1x128xi32, #tpu.memory_space<hbm>>
      %dma_wait3A_494 = tpu.memref_squeeze %dma_wait3A_493 : memref<1x128xi32, #tpu.memory_space<hbm>> -> memref<128xi32, #tpu.memory_space<hbm>>
      %dma_wait3A_495 = tpu.memref_slice %arg2[%add3A_492, %mul3A_2] : memref<199x4096xi32, #tpu.memory_space<hbm>> -> memref<1x128xi32, #tpu.memory_space<hbm>>
      %dma_wait3A_496 = tpu.memref_squeeze %dma_wait3A_495 : memref<1x128xi32, #tpu.memory_space<hbm>> -> memref<128xi32, #tpu.memory_space<hbm>>
      tpu.wait_dma2 semaphore(%arg29 : memref<!tpu.dma_semaphore, #tpu.memory_space<semaphore_mem>>) src(%dma_wait3A_496 : memref<128xi32, #tpu.memory_space<hbm>>) dst(%arg8 : memref<128xi32, #tpu.memory_space<vmem>>)
      %dma_start3A_497 = arith.constant 0 : i32
      %dma_start3A_498 = arith.constant 0 : i32
      %dma_start3A_499 = tpu.memref_slice %arg3[%dma_start3A_497, %dma_start3A_498] : memref<100000x64xf32, #tpu.memory_space<hbm>> -> memref<100000x64xf32, #tpu.memory_space<hbm>>
      tpu.enqueue_indirect_dma source(%dma_start3A_499 : memref<100000x64xf32, #tpu.memory_space<hbm>>) target(%arg12 : memref<128x64xf32, #tpu.memory_space<vmem>>) offsets(%arg8 : memref<128xi32, #tpu.memory_space<vmem>>) semaphore(%arg21 : memref<!tpu.dma_semaphore, #tpu.memory_space<semaphore_mem>>)
      %iota3A_500 = tpu.iota {dimensions = array<i32: 0>} : vector<16xi32>
      %broadcast_in_dim3A_501 = vector.broadcast %add3A_472 : i32 to vector<16xi32>
      %add3A_502 = arith.constant 0 : i32
      %add3A_503 = vector.broadcast %add3A_502 : i32 to vector<16xi32>
      %add3A_504 = arith.addi %iota3A_500, %add3A_503 : vector<16xi32>
      %add3A_505 = arith.constant 16 : i32
      %add3A_506 = vector.broadcast %add3A_505 : i32 to vector<16xi32>
      %add3A_507 = arith.addi %iota3A_500, %add3A_506 : vector<16xi32>
      %add3A_508 = arith.constant 32 : i32
      %add3A_509 = vector.broadcast %add3A_508 : i32 to vector<16xi32>
      %add3A_510 = arith.addi %iota3A_500, %add3A_509 : vector<16xi32>
      %add3A_511 = arith.constant 48 : i32
      %add3A_512 = vector.broadcast %add3A_511 : i32 to vector<16xi32>
      %add3A_513 = arith.addi %iota3A_500, %add3A_512 : vector<16xi32>
      %add3A_514 = arith.constant 64 : i32
      %add3A_515 = vector.broadcast %add3A_514 : i32 to vector<16xi32>
      %add3A_516 = arith.addi %iota3A_500, %add3A_515 : vector<16xi32>
      %add3A_517 = arith.constant 80 : i32
      %add3A_518 = vector.broadcast %add3A_517 : i32 to vector<16xi32>
      %add3A_519 = arith.addi %iota3A_500, %add3A_518 : vector<16xi32>
      %add3A_520 = arith.constant 96 : i32
      %add3A_521 = vector.broadcast %add3A_520 : i32 to vector<16xi32>
      %add3A_522 = arith.addi %iota3A_500, %add3A_521 : vector<16xi32>
      %add3A_523 = arith.constant 112 : i32
      %add3A_524 = vector.broadcast %add3A_523 : i32 to vector<16xi32>
      %add3A_525 = arith.addi %iota3A_500, %add3A_524 : vector<16xi32>
      %scan3A_526 = arith.constant 0 : i32
      %scan3A_527 = arith.constant 0 : i32
      %scan3A_528 = arith.constant 64 : i32
      %scan3A_529 = arith.addi %scan3A_527, %scan3A_528 : i32
      %scan3A_530 = arith.constant 1 : i32
      %scan3A_531 = scf.for %scan3A_755 = %scan3A_527 to %scan3A_529 step %scan3A_530 iter_args(%scan3A_756 = %scan3A_526) -> (i32)  : i32 {
        %shift_right_arithmetic3A = arith.constant 4 : i32
        %shift_right_arithmetic3A_757 = arith.shrsi %scan3A_755, %shift_right_arithmetic3A : i32
        %shift_left3A = arith.constant 4 : i32
        %shift_left3A_758 = arith.shli %shift_right_arithmetic3A_757, %shift_left3A : i32
        %add3A_759 = vector.broadcast %scan3A_755 : i32 to vector<16xi32>
        %add3A_760 = arith.addi %iota3A_500, %add3A_759 : vector<16xi32>
        %and3A = arith.constant 15 : i32
        %and3A_761 = vector.broadcast %and3A : i32 to vector<16xi32>
        %and3A_762 = arith.andi %add3A_760, %and3A_761 : vector<16xi32>
        %add3A_763 = vector.broadcast %shift_left3A_758 : i32 to vector<16xi32>
        %add3A_764 = arith.addi %add3A_763, %and3A_762 : vector<16xi32>
        %gather3A = tpu.vector_load_idx %arg18[%broadcast_in_dim3A_501, %add3A_764] : memref<199x64xf32, #tpu.memory_space<vmem>>[vector<16xi32>, vector<16xi32>], vector<16xf32>,
        %shift_right_arithmetic3A_765 = arith.constant 3 : i32
        %shift_right_arithmetic3A_766 = vector.broadcast %shift_right_arithmetic3A_765 : i32 to vector<16xi32>
        %shift_right_arithmetic3A_767 = arith.shrsi %add3A_764, %shift_right_arithmetic3A_766 : vector<16xi32>
        %and3A_768 = arith.constant 0 : i32
        %and3A_769 = vector.broadcast %and3A_768 : i32 to vector<16xi32>
        %and3A_770 = arith.andi %iota3A_500, %and3A_769 : vector<16xi32>
        %and3A_771 = arith.constant 7 : i32
        %and3A_772 = vector.broadcast %and3A_771 : i32 to vector<16xi32>
        %and3A_773 = arith.andi %add3A_764, %and3A_772 : vector<16xi32>
        %gather3A_774 = tpu.vector_load_idx %arg13[%add3A_504, %add3A_764] : memref<128x64xf32, #tpu.memory_space<vmem>>[vector<16xi32>, vector<16xi32>], vector<16xf32>,
        %add3A_775 = arith.addf %gather3A_774, %gather3A : vector<16xf32>
        tpu.vector_store_idx %arg17[%shift_right_arithmetic3A_767, %and3A_770, %and3A_773, %add3A_504], %add3A_775 : memref<8x1x8x128xf32, #tpu.memory_space<vmem>>[vector<16xi32>, vector<16xi32>, vector<16xi32>, vector<16xi32>], vector<16xf32>,
        %gather3A_776 = tpu.vector_load_idx %arg13[%add3A_507, %add3A_764] : memref<128x64xf32, #tpu.memory_space<vmem>>[vector<16xi32>, vector<16xi32>], vector<16xf32>,
        %add3A_777 = arith.addf %gather3A_776, %gather3A : vector<16xf32>
        tpu.vector_store_idx %arg17[%shift_right_arithmetic3A_767, %and3A_770, %and3A_773, %add3A_507], %add3A_777 : memref<8x1x8x128xf32, #tpu.memory_space<vmem>>[vector<16xi32>, vector<16xi32>, vector<16xi32>, vector<16xi32>], vector<16xf32>,
        %gather3A_778 = tpu.vector_load_idx %arg13[%add3A_510, %add3A_764] : memref<128x64xf32, #tpu.memory_space<vmem>>[vector<16xi32>, vector<16xi32>], vector<16xf32>,
        %add3A_779 = arith.addf %gather3A_778, %gather3A : vector<16xf32>
        tpu.vector_store_idx %arg17[%shift_right_arithmetic3A_767, %and3A_770, %and3A_773, %add3A_510], %add3A_779 : memref<8x1x8x128xf32, #tpu.memory_space<vmem>>[vector<16xi32>, vector<16xi32>, vector<16xi32>, vector<16xi32>], vector<16xf32>,
        %gather3A_780 = tpu.vector_load_idx %arg13[%add3A_513, %add3A_764] : memref<128x64xf32, #tpu.memory_space<vmem>>[vector<16xi32>, vector<16xi32>], vector<16xf32>,
        %add3A_781 = arith.addf %gather3A_780, %gather3A : vector<16xf32>
        tpu.vector_store_idx %arg17[%shift_right_arithmetic3A_767, %and3A_770, %and3A_773, %add3A_513], %add3A_781 : memref<8x1x8x128xf32, #tpu.memory_space<vmem>>[vector<16xi32>, vector<16xi32>, vector<16xi32>, vector<16xi32>], vector<16xf32>,
        %gather3A_782 = tpu.vector_load_idx %arg13[%add3A_516, %add3A_764] : memref<128x64xf32, #tpu.memory_space<vmem>>[vector<16xi32>, vector<16xi32>], vector<16xf32>,
        %add3A_783 = arith.addf %gather3A_782, %gather3A : vector<16xf32>
        tpu.vector_store_idx %arg17[%shift_right_arithmetic3A_767, %and3A_770, %and3A_773, %add3A_516], %add3A_783 : memref<8x1x8x128xf32, #tpu.memory_space<vmem>>[vector<16xi32>, vector<16xi32>, vector<16xi32>, vector<16xi32>], vector<16xf32>,
        %gather3A_784 = tpu.vector_load_idx %arg13[%add3A_519, %add3A_764] : memref<128x64xf32, #tpu.memory_space<vmem>>[vector<16xi32>, vector<16xi32>], vector<16xf32>,
        %add3A_785 = arith.addf %gather3A_784, %gather3A : vector<16xf32>
        tpu.vector_store_idx %arg17[%shift_right_arithmetic3A_767, %and3A_770, %and3A_773, %add3A_519], %add3A_785 : memref<8x1x8x128xf32, #tpu.memory_space<vmem>>[vector<16xi32>, vector<16xi32>, vector<16xi32>, vector<16xi32>], vector<16xf32>,
        %gather3A_786 = tpu.vector_load_idx %arg13[%add3A_522, %add3A_764] : memref<128x64xf32, #tpu.memory_space<vmem>>[vector<16xi32>, vector<16xi32>], vector<16xf32>,
        %add3A_787 = arith.addf %gather3A_786, %gather3A : vector<16xf32>
        tpu.vector_store_idx %arg17[%shift_right_arithmetic3A_767, %and3A_770, %and3A_773, %add3A_522], %add3A_787 : memref<8x1x8x128xf32, #tpu.memory_space<vmem>>[vector<16xi32>, vector<16xi32>, vector<16xi32>, vector<16xi32>], vector<16xf32>,
        %gather3A_788 = tpu.vector_load_idx %arg13[%add3A_525, %add3A_764] : memref<128x64xf32, #tpu.memory_space<vmem>>[vector<16xi32>, vector<16xi32>], vector<16xf32>,
        %add3A_789 = arith.addf %gather3A_788, %gather3A : vector<16xf32>
        tpu.vector_store_idx %arg17[%shift_right_arithmetic3A_767, %and3A_770, %and3A_773, %add3A_525], %add3A_789 : memref<8x1x8x128xf32, #tpu.memory_space<vmem>>[vector<16xi32>, vector<16xi32>, vector<16xi32>, vector<16xi32>], vector<16xf32>,
        %scan3A_790 = arith.constant 0 : i32
        scf.yield %scan3A_790 : i32
      }
      %scan3A_532 = arith.constant 64 : i32
      %mul3A_533 = arith.constant 8 : i32
      %mul3A_534 = arith.muli %add3A_472, %mul3A_533 : i32
      %dma_start3A_535 = arith.constant 0 : i32
      %dma_start3A_536 = arith.constant 0 : i32
      %dma_start3A_537 = tpu.memref_slice %arg5[%mul3A_534, %add3A, %dma_start3A_535, %dma_start3A_536] : memref<1592x32x8x128xf32, #tpu.memory_space<hbm>> -> memref<8x1x8x128xf32, #tpu.memory_space<hbm>>
      %dma_start3A_538 = arith.constant 0 : i32
      %dma_start3A_539 = arith.constant 0 : i32
      %dma_start3A_540 = tpu.memref_slice %arg5[%mul3A_534, %add3A, %dma_start3A_538, %dma_start3A_539] : memref<1592x32x8x128xf32, #tpu.memory_space<hbm>> -> memref<8x1x8x128xf32, #tpu.memory_space<hbm>>
      tpu.enqueue_dma source(%arg17 : memref<8x1x8x128xf32, #tpu.memory_space<vmem>>) target(%dma_start3A_540 : memref<8x1x8x128xf32, #tpu.memory_space<hbm>>) target_semaphore(%arg26 : memref<!tpu.dma_semaphore, #tpu.memory_space<semaphore_mem>>)
      %add3A_541 = arith.constant 1 : i32
      %add3A_542 = arith.addi %add3A_472, %add3A_541 : i32
      %dma_wait3A_543 = arith.constant 0 : i32
      %dma_wait3A_544 = arith.constant 0 : i32
      %dma_wait3A_545 = tpu.memref_slice %arg3[%dma_wait3A_543, %dma_wait3A_544] : memref<100000x64xf32, #tpu.memory_space<hbm>> -> memref<100000x64xf32, #tpu.memory_space<hbm>>
      tpu.wait_indirect_dma semaphore(%arg19 : memref<!tpu.dma_semaphore, #tpu.memory_space<semaphore_mem>>) src(%dma_wait3A_545 : memref<100000x64xf32, #tpu.memory_space<hbm>>) dst(%arg10 : memref<128x64xf32, #tpu.memory_space<vmem>>)
      %add3A_546 = arith.constant 4 : i32
      %add3A_547 = arith.addi %add3A_542, %add3A_546 : i32
      %dma_start3A_548 = tpu.memref_slice %arg2[%add3A_547, %mul3A_2] : memref<199x4096xi32, #tpu.memory_space<hbm>> -> memref<1x128xi32, #tpu.memory_space<hbm>>
      %dma_start3A_549 = tpu.memref_squeeze %dma_start3A_548 : memref<1x128xi32, #tpu.memory_space<hbm>> -> memref<128xi32, #tpu.memory_space<hbm>>
      %dma_start3A_550 = tpu.memref_slice %arg2[%add3A_547, %mul3A_2] : memref<199x4096xi32, #tpu.memory_space<hbm>> -> memref<1x128xi32, #tpu.memory_space<hbm>>
      %dma_start3A_551 = tpu.memref_squeeze %dma_start3A_550 : memref<1x128xi32, #tpu.memory_space<hbm>> -> memref<128xi32, #tpu.memory_space<hbm>>
      tpu.enqueue_dma source(%dma_start3A_551 : memref<128xi32, #tpu.memory_space<hbm>>) target(%arg6 : memref<128xi32, #tpu.memory_space<vmem>>) target_semaphore(%arg27 : memref<!tpu.dma_semaphore, #tpu.memory_space<semaphore_mem>>)
      %sub3A_552 = arith.constant 3 : i32
      %sub3A_553 = arith.subi %add3A_542, %sub3A_552 : i32
      %mul3A_554 = arith.constant 8 : i32
      %mul3A_555 = arith.muli %sub3A_553, %mul3A_554 : i32
      %dma_wait3A_556 = arith.constant 0 : i32
      %dma_wait3A_557 = arith.constant 0 : i32
      %dma_wait3A_558 = tpu.memref_slice %arg5[%mul3A_555, %add3A, %dma_wait3A_556, %dma_wait3A_557] : memref<1592x32x8x128xf32, #tpu.memory_space<hbm>> -> memref<8x1x8x128xf32, #tpu.memory_space<hbm>>
      %dma_wait3A_559 = arith.constant 0 : i32
      %dma_wait3A_560 = arith.constant 0 : i32
      %dma_wait3A_561 = tpu.memref_slice %arg5[%mul3A_555, %add3A, %dma_wait3A_559, %dma_wait3A_560] : memref<1592x32x8x128xf32, #tpu.memory_space<hbm>> -> memref<8x1x8x128xf32, #tpu.memory_space<hbm>>
      tpu.wait_dma2 semaphore(%arg24 : memref<!tpu.dma_semaphore, #tpu.memory_space<semaphore_mem>>) src(%arg15 : memref<8x1x8x128xf32, #tpu.memory_space<vmem>>) dst(%dma_wait3A_561 : memref<8x1x8x128xf32, #tpu.memory_space<hbm>>)
      %add3A_562 = arith.constant 3 : i32
      %add3A_563 = arith.addi %add3A_542, %add3A_562 : i32
      %dma_wait3A_564 = tpu.memref_slice %arg2[%add3A_563, %mul3A_2] : memref<199x4096xi32, #tpu.memory_space<hbm>> -> memref<1x128xi32, #tpu.memory_space<hbm>>
      %dma_wait3A_565 = tpu.memref_squeeze %dma_wait3A_564 : memref<1x128xi32, #tpu.memory_space<hbm>> -> memref<128xi32, #tpu.memory_space<hbm>>
      %dma_wait3A_566 = tpu.memref_slice %arg2[%add3A_563, %mul3A_2] : memref<199x4096xi32, #tpu.memory_space<hbm>> -> memref<1x128xi32, #tpu.memory_space<hbm>>
      %dma_wait3A_567 = tpu.memref_squeeze %dma_wait3A_566 : memref<1x128xi32, #tpu.memory_space<hbm>> -> memref<128xi32, #tpu.memory_space<hbm>>
      tpu.wait_dma2 semaphore(%arg30 : memref<!tpu.dma_semaphore, #tpu.memory_space<semaphore_mem>>) src(%dma_wait3A_567 : memref<128xi32, #tpu.memory_space<hbm>>) dst(%arg9 : memref<128xi32, #tpu.memory_space<vmem>>)
      %dma_start3A_568 = arith.constant 0 : i32
      %dma_start3A_569 = arith.constant 0 : i32
      %dma_start3A_570 = tpu.memref_slice %arg3[%dma_start3A_568, %dma_start3A_569] : memref<100000x64xf32, #tpu.memory_space<hbm>> -> memref<100000x64xf32, #tpu.memory_space<hbm>>
      tpu.enqueue_indirect_dma source(%dma_start3A_570 : memref<100000x64xf32, #tpu.memory_space<hbm>>) target(%arg13 : memref<128x64xf32, #tpu.memory_space<vmem>>) offsets(%arg9 : memref<128xi32, #tpu.memory_space<vmem>>) semaphore(%arg22 : memref<!tpu.dma_semaphore, #tpu.memory_space<semaphore_mem>>)
      %iota3A_571 = tpu.iota {dimensions = array<i32: 0>} : vector<16xi32>
      %broadcast_in_dim3A_572 = vector.broadcast %add3A_542 : i32 to vector<16xi32>
      %add3A_573 = arith.constant 0 : i32
      %add3A_574 = vector.broadcast %add3A_573 : i32 to vector<16xi32>
      %add3A_575 = arith.addi %iota3A_571, %add3A_574 : vector<16xi32>
      %add3A_576 = arith.constant 16 : i32
      %add3A_577 = vector.broadcast %add3A_576 : i32 to vector<16xi32>
      %add3A_578 = arith.addi %iota3A_571, %add3A_577 : vector<16xi32>
      %add3A_579 = arith.constant 32 : i32
      %add3A_580 = vector.broadcast %add3A_579 : i32 to vector<16xi32>
      %add3A_581 = arith.addi %iota3A_571, %add3A_580 : vector<16xi32>
      %add3A_582 = arith.constant 48 : i32
      %add3A_583 = vector.broadcast %add3A_582 : i32 to vector<16xi32>
      %add3A_584 = arith.addi %iota3A_571, %add3A_583 : vector<16xi32>
      %add3A_585 = arith.constant 64 : i32
      %add3A_586 = vector.broadcast %add3A_585 : i32 to vector<16xi32>
      %add3A_587 = arith.addi %iota3A_571, %add3A_586 : vector<16xi32>
      %add3A_588 = arith.constant 80 : i32
      %add3A_589 = vector.broadcast %add3A_588 : i32 to vector<16xi32>
      %add3A_590 = arith.addi %iota3A_571, %add3A_589 : vector<16xi32>
      %add3A_591 = arith.constant 96 : i32
      %add3A_592 = vector.broadcast %add3A_591 : i32 to vector<16xi32>
      %add3A_593 = arith.addi %iota3A_571, %add3A_592 : vector<16xi32>
      %add3A_594 = arith.constant 112 : i32
      %add3A_595 = vector.broadcast %add3A_594 : i32 to vector<16xi32>
      %add3A_596 = arith.addi %iota3A_571, %add3A_595 : vector<16xi32>
      %scan3A_597 = arith.constant 0 : i32
      %scan3A_598 = arith.constant 0 : i32
      %scan3A_599 = arith.constant 64 : i32
      %scan3A_600 = arith.addi %scan3A_598, %scan3A_599 : i32
      %scan3A_601 = arith.constant 1 : i32
      %scan3A_602 = scf.for %scan3A_755 = %scan3A_598 to %scan3A_600 step %scan3A_601 iter_args(%scan3A_756 = %scan3A_597) -> (i32)  : i32 {
        %shift_right_arithmetic3A = arith.constant 4 : i32
        %shift_right_arithmetic3A_757 = arith.shrsi %scan3A_755, %shift_right_arithmetic3A : i32
        %shift_left3A = arith.constant 4 : i32
        %shift_left3A_758 = arith.shli %shift_right_arithmetic3A_757, %shift_left3A : i32
        %add3A_759 = vector.broadcast %scan3A_755 : i32 to vector<16xi32>
        %add3A_760 = arith.addi %iota3A_571, %add3A_759 : vector<16xi32>
        %and3A = arith.constant 15 : i32
        %and3A_761 = vector.broadcast %and3A : i32 to vector<16xi32>
        %and3A_762 = arith.andi %add3A_760, %and3A_761 : vector<16xi32>
        %add3A_763 = vector.broadcast %shift_left3A_758 : i32 to vector<16xi32>
        %add3A_764 = arith.addi %add3A_763, %and3A_762 : vector<16xi32>
        %gather3A = tpu.vector_load_idx %arg18[%broadcast_in_dim3A_572, %add3A_764] : memref<199x64xf32, #tpu.memory_space<vmem>>[vector<16xi32>, vector<16xi32>], vector<16xf32>,
        %shift_right_arithmetic3A_765 = arith.constant 3 : i32
        %shift_right_arithmetic3A_766 = vector.broadcast %shift_right_arithmetic3A_765 : i32 to vector<16xi32>
        %shift_right_arithmetic3A_767 = arith.shrsi %add3A_764, %shift_right_arithmetic3A_766 : vector<16xi32>
        %and3A_768 = arith.constant 0 : i32
        %and3A_769 = vector.broadcast %and3A_768 : i32 to vector<16xi32>
        %and3A_770 = arith.andi %iota3A_571, %and3A_769 : vector<16xi32>
        %and3A_771 = arith.constant 7 : i32
        %and3A_772 = vector.broadcast %and3A_771 : i32 to vector<16xi32>
        %and3A_773 = arith.andi %add3A_764, %and3A_772 : vector<16xi32>
        %gather3A_774 = tpu.vector_load_idx %arg10[%add3A_575, %add3A_764] : memref<128x64xf32, #tpu.memory_space<vmem>>[vector<16xi32>, vector<16xi32>], vector<16xf32>,
        %add3A_775 = arith.addf %gather3A_774, %gather3A : vector<16xf32>
        tpu.vector_store_idx %arg14[%shift_right_arithmetic3A_767, %and3A_770, %and3A_773, %add3A_575], %add3A_775 : memref<8x1x8x128xf32, #tpu.memory_space<vmem>>[vector<16xi32>, vector<16xi32>, vector<16xi32>, vector<16xi32>], vector<16xf32>,
        %gather3A_776 = tpu.vector_load_idx %arg10[%add3A_578, %add3A_764] : memref<128x64xf32, #tpu.memory_space<vmem>>[vector<16xi32>, vector<16xi32>], vector<16xf32>,
        %add3A_777 = arith.addf %gather3A_776, %gather3A : vector<16xf32>
        tpu.vector_store_idx %arg14[%shift_right_arithmetic3A_767, %and3A_770, %and3A_773, %add3A_578], %add3A_777 : memref<8x1x8x128xf32, #tpu.memory_space<vmem>>[vector<16xi32>, vector<16xi32>, vector<16xi32>, vector<16xi32>], vector<16xf32>,
        %gather3A_778 = tpu.vector_load_idx %arg10[%add3A_581, %add3A_764] : memref<128x64xf32, #tpu.memory_space<vmem>>[vector<16xi32>, vector<16xi32>], vector<16xf32>,
        %add3A_779 = arith.addf %gather3A_778, %gather3A : vector<16xf32>
        tpu.vector_store_idx %arg14[%shift_right_arithmetic3A_767, %and3A_770, %and3A_773, %add3A_581], %add3A_779 : memref<8x1x8x128xf32, #tpu.memory_space<vmem>>[vector<16xi32>, vector<16xi32>, vector<16xi32>, vector<16xi32>], vector<16xf32>,
        %gather3A_780 = tpu.vector_load_idx %arg10[%add3A_584, %add3A_764] : memref<128x64xf32, #tpu.memory_space<vmem>>[vector<16xi32>, vector<16xi32>], vector<16xf32>,
        %add3A_781 = arith.addf %gather3A_780, %gather3A : vector<16xf32>
        tpu.vector_store_idx %arg14[%shift_right_arithmetic3A_767, %and3A_770, %and3A_773, %add3A_584], %add3A_781 : memref<8x1x8x128xf32, #tpu.memory_space<vmem>>[vector<16xi32>, vector<16xi32>, vector<16xi32>, vector<16xi32>], vector<16xf32>,
        %gather3A_782 = tpu.vector_load_idx %arg10[%add3A_587, %add3A_764] : memref<128x64xf32, #tpu.memory_space<vmem>>[vector<16xi32>, vector<16xi32>], vector<16xf32>,
        %add3A_783 = arith.addf %gather3A_782, %gather3A : vector<16xf32>
        tpu.vector_store_idx %arg14[%shift_right_arithmetic3A_767, %and3A_770, %and3A_773, %add3A_587], %add3A_783 : memref<8x1x8x128xf32, #tpu.memory_space<vmem>>[vector<16xi32>, vector<16xi32>, vector<16xi32>, vector<16xi32>], vector<16xf32>,
        %gather3A_784 = tpu.vector_load_idx %arg10[%add3A_590, %add3A_764] : memref<128x64xf32, #tpu.memory_space<vmem>>[vector<16xi32>, vector<16xi32>], vector<16xf32>,
        %add3A_785 = arith.addf %gather3A_784, %gather3A : vector<16xf32>
        tpu.vector_store_idx %arg14[%shift_right_arithmetic3A_767, %and3A_770, %and3A_773, %add3A_590], %add3A_785 : memref<8x1x8x128xf32, #tpu.memory_space<vmem>>[vector<16xi32>, vector<16xi32>, vector<16xi32>, vector<16xi32>], vector<16xf32>,
        %gather3A_786 = tpu.vector_load_idx %arg10[%add3A_593, %add3A_764] : memref<128x64xf32, #tpu.memory_space<vmem>>[vector<16xi32>, vector<16xi32>], vector<16xf32>,
        %add3A_787 = arith.addf %gather3A_786, %gather3A : vector<16xf32>
        tpu.vector_store_idx %arg14[%shift_right_arithmetic3A_767, %and3A_770, %and3A_773, %add3A_593], %add3A_787 : memref<8x1x8x128xf32, #tpu.memory_space<vmem>>[vector<16xi32>, vector<16xi32>, vector<16xi32>, vector<16xi32>], vector<16xf32>,
        %gather3A_788 = tpu.vector_load_idx %arg10[%add3A_596, %add3A_764] : memref<128x64xf32, #tpu.memory_space<vmem>>[vector<16xi32>, vector<16xi32>], vector<16xf32>,
        %add3A_789 = arith.addf %gather3A_788, %gather3A : vector<16xf32>
        tpu.vector_store_idx %arg14[%shift_right_arithmetic3A_767, %and3A_770, %and3A_773, %add3A_596], %add3A_789 : memref<8x1x8x128xf32, #tpu.memory_space<vmem>>[vector<16xi32>, vector<16xi32>, vector<16xi32>, vector<16xi32>], vector<16xf32>,
        %scan3A_790 = arith.constant 0 : i32
        scf.yield %scan3A_790 : i32
      }
      %scan3A_603 = arith.constant 64 : i32
      %mul3A_604 = arith.constant 8 : i32
      %mul3A_605 = arith.muli %add3A_542, %mul3A_604 : i32
      %dma_start3A_606 = arith.constant 0 : i32
      %dma_start3A_607 = arith.constant 0 : i32
      %dma_start3A_608 = tpu.memref_slice %arg5[%mul3A_605, %add3A, %dma_start3A_606, %dma_start3A_607] : memref<1592x32x8x128xf32, #tpu.memory_space<hbm>> -> memref<8x1x8x128xf32, #tpu.memory_space<hbm>>
      %dma_start3A_609 = arith.constant 0 : i32
      %dma_start3A_610 = arith.constant 0 : i32
      %dma_start3A_611 = tpu.memref_slice %arg5[%mul3A_605, %add3A, %dma_start3A_609, %dma_start3A_610] : memref<1592x32x8x128xf32, #tpu.memory_space<hbm>> -> memref<8x1x8x128xf32, #tpu.memory_space<hbm>>
      tpu.enqueue_dma source(%arg14 : memref<8x1x8x128xf32, #tpu.memory_space<vmem>>) target(%dma_start3A_611 : memref<8x1x8x128xf32, #tpu.memory_space<hbm>>) target_semaphore(%arg23 : memref<!tpu.dma_semaphore, #tpu.memory_space<semaphore_mem>>)
      %add3A_612 = arith.constant 2 : i32
      %add3A_613 = arith.addi %add3A_472, %add3A_612 : i32
      %dma_wait3A_614 = arith.constant 0 : i32
      %dma_wait3A_615 = arith.constant 0 : i32
      %dma_wait3A_616 = tpu.memref_slice %arg3[%dma_wait3A_614, %dma_wait3A_615] : memref<100000x64xf32, #tpu.memory_space<hbm>> -> memref<100000x64xf32, #tpu.memory_space<hbm>>
      tpu.wait_indirect_dma semaphore(%arg20 : memref<!tpu.dma_semaphore, #tpu.memory_space<semaphore_mem>>) src(%dma_wait3A_616 : memref<100000x64xf32, #tpu.memory_space<hbm>>) dst(%arg11 : memref<128x64xf32, #tpu.memory_space<vmem>>)
      %add3A_617 = arith.constant 4 : i32
      %add3A_618 = arith.addi %add3A_613, %add3A_617 : i32
      %dma_start3A_619 = tpu.memref_slice %arg2[%add3A_618, %mul3A_2] : memref<199x4096xi32, #tpu.memory_space<hbm>> -> memref<1x128xi32, #tpu.memory_space<hbm>>
      %dma_start3A_620 = tpu.memref_squeeze %dma_start3A_619 : memref<1x128xi32, #tpu.memory_space<hbm>> -> memref<128xi32, #tpu.memory_space<hbm>>
      %dma_start3A_621 = tpu.memref_slice %arg2[%add3A_618, %mul3A_2] : memref<199x4096xi32, #tpu.memory_space<hbm>> -> memref<1x128xi32, #tpu.memory_space<hbm>>
      %dma_start3A_622 = tpu.memref_squeeze %dma_start3A_621 : memref<1x128xi32, #tpu.memory_space<hbm>> -> memref<128xi32, #tpu.memory_space<hbm>>
      tpu.enqueue_dma source(%dma_start3A_622 : memref<128xi32, #tpu.memory_space<hbm>>) target(%arg7 : memref<128xi32, #tpu.memory_space<vmem>>) target_semaphore(%arg28 : memref<!tpu.dma_semaphore, #tpu.memory_space<semaphore_mem>>)
      %sub3A_623 = arith.constant 3 : i32
      %sub3A_624 = arith.subi %add3A_613, %sub3A_623 : i32
      %mul3A_625 = arith.constant 8 : i32
      %mul3A_626 = arith.muli %sub3A_624, %mul3A_625 : i32
      %dma_wait3A_627 = arith.constant 0 : i32
      %dma_wait3A_628 = arith.constant 0 : i32
      %dma_wait3A_629 = tpu.memref_slice %arg5[%mul3A_626, %add3A, %dma_wait3A_627, %dma_wait3A_628] : memref<1592x32x8x128xf32, #tpu.memory_space<hbm>> -> memref<8x1x8x128xf32, #tpu.memory_space<hbm>>
      %dma_wait3A_630 = arith.constant 0 : i32
      %dma_wait3A_631 = arith.constant 0 : i32
      %dma_wait3A_632 = tpu.memref_slice %arg5[%mul3A_626, %add3A, %dma_wait3A_630, %dma_wait3A_631] : memref<1592x32x8x128xf32, #tpu.memory_space<hbm>> -> memref<8x1x8x128xf32, #tpu.memory_space<hbm>>
      tpu.wait_dma2 semaphore(%arg25 : memref<!tpu.dma_semaphore, #tpu.memory_space<semaphore_mem>>) src(%arg16 : memref<8x1x8x128xf32, #tpu.memory_space<vmem>>) dst(%dma_wait3A_632 : memref<8x1x8x128xf32, #tpu.memory_space<hbm>>)
      %add3A_633 = arith.constant 3 : i32
      %add3A_634 = arith.addi %add3A_613, %add3A_633 : i32
      %dma_wait3A_635 = tpu.memref_slice %arg2[%add3A_634, %mul3A_2] : memref<199x4096xi32, #tpu.memory_space<hbm>> -> memref<1x128xi32, #tpu.memory_space<hbm>>
      %dma_wait3A_636 = tpu.memref_squeeze %dma_wait3A_635 : memref<1x128xi32, #tpu.memory_space<hbm>> -> memref<128xi32, #tpu.memory_space<hbm>>
      %dma_wait3A_637 = tpu.memref_slice %arg2[%add3A_634, %mul3A_2] : memref<199x4096xi32, #tpu.memory_space<hbm>> -> memref<1x128xi32, #tpu.memory_space<hbm>>
      %dma_wait3A_638 = tpu.memref_squeeze %dma_wait3A_637 : memref<1x128xi32, #tpu.memory_space<hbm>> -> memref<128xi32, #tpu.memory_space<hbm>>
      tpu.wait_dma2 semaphore(%arg27 : memref<!tpu.dma_semaphore, #tpu.memory_space<semaphore_mem>>) src(%dma_wait3A_638 : memref<128xi32, #tpu.memory_space<hbm>>) dst(%arg6 : memref<128xi32, #tpu.memory_space<vmem>>)
      %dma_start3A_639 = arith.constant 0 : i32
      %dma_start3A_640 = arith.constant 0 : i32
      %dma_start3A_641 = tpu.memref_slice %arg3[%dma_start3A_639, %dma_start3A_640] : memref<100000x64xf32, #tpu.memory_space<hbm>> -> memref<100000x64xf32, #tpu.memory_space<hbm>>
      tpu.enqueue_indirect_dma source(%dma_start3A_641 : memref<100000x64xf32, #tpu.memory_space<hbm>>) target(%arg10 : memref<128x64xf32, #tpu.memory_space<vmem>>) offsets(%arg6 : memref<128xi32, #tpu.memory_space<vmem>>) semaphore(%arg19 : memref<!tpu.dma_semaphore, #tpu.memory_space<semaphore_mem>>)
      %iota3A_642 = tpu.iota {dimensions = array<i32: 0>} : vector<16xi32>
      %broadcast_in_dim3A_643 = vector.broadcast %add3A_613 : i32 to vector<16xi32>
      %add3A_644 = arith.constant 0 : i32
      %add3A_645 = vector.broadcast %add3A_644 : i32 to vector<16xi32>
      %add3A_646 = arith.addi %iota3A_642, %add3A_645 : vector<16xi32>
      %add3A_647 = arith.constant 16 : i32
      %add3A_648 = vector.broadcast %add3A_647 : i32 to vector<16xi32>
      %add3A_649 = arith.addi %iota3A_642, %add3A_648 : vector<16xi32>
      %add3A_650 = arith.constant 32 : i32
      %add3A_651 = vector.broadcast %add3A_650 : i32 to vector<16xi32>
      %add3A_652 = arith.addi %iota3A_642, %add3A_651 : vector<16xi32>
      %add3A_653 = arith.constant 48 : i32
      %add3A_654 = vector.broadcast %add3A_653 : i32 to vector<16xi32>
      %add3A_655 = arith.addi %iota3A_642, %add3A_654 : vector<16xi32>
      %add3A_656 = arith.constant 64 : i32
      %add3A_657 = vector.broadcast %add3A_656 : i32 to vector<16xi32>
      %add3A_658 = arith.addi %iota3A_642, %add3A_657 : vector<16xi32>
      %add3A_659 = arith.constant 80 : i32
      %add3A_660 = vector.broadcast %add3A_659 : i32 to vector<16xi32>
      %add3A_661 = arith.addi %iota3A_642, %add3A_660 : vector<16xi32>
      %add3A_662 = arith.constant 96 : i32
      %add3A_663 = vector.broadcast %add3A_662 : i32 to vector<16xi32>
      %add3A_664 = arith.addi %iota3A_642, %add3A_663 : vector<16xi32>
      %add3A_665 = arith.constant 112 : i32
      %add3A_666 = vector.broadcast %add3A_665 : i32 to vector<16xi32>
      %add3A_667 = arith.addi %iota3A_642, %add3A_666 : vector<16xi32>
      %scan3A_668 = arith.constant 0 : i32
      %scan3A_669 = arith.constant 0 : i32
      %scan3A_670 = arith.constant 64 : i32
      %scan3A_671 = arith.addi %scan3A_669, %scan3A_670 : i32
      %scan3A_672 = arith.constant 1 : i32
      %scan3A_673 = scf.for %scan3A_755 = %scan3A_669 to %scan3A_671 step %scan3A_672 iter_args(%scan3A_756 = %scan3A_668) -> (i32)  : i32 {
        %shift_right_arithmetic3A = arith.constant 4 : i32
        %shift_right_arithmetic3A_757 = arith.shrsi %scan3A_755, %shift_right_arithmetic3A : i32
        %shift_left3A = arith.constant 4 : i32
        %shift_left3A_758 = arith.shli %shift_right_arithmetic3A_757, %shift_left3A : i32
        %add3A_759 = vector.broadcast %scan3A_755 : i32 to vector<16xi32>
        %add3A_760 = arith.addi %iota3A_642, %add3A_759 : vector<16xi32>
        %and3A = arith.constant 15 : i32
        %and3A_761 = vector.broadcast %and3A : i32 to vector<16xi32>
        %and3A_762 = arith.andi %add3A_760, %and3A_761 : vector<16xi32>
        %add3A_763 = vector.broadcast %shift_left3A_758 : i32 to vector<16xi32>
        %add3A_764 = arith.addi %add3A_763, %and3A_762 : vector<16xi32>
        %gather3A = tpu.vector_load_idx %arg18[%broadcast_in_dim3A_643, %add3A_764] : memref<199x64xf32, #tpu.memory_space<vmem>>[vector<16xi32>, vector<16xi32>], vector<16xf32>,
        %shift_right_arithmetic3A_765 = arith.constant 3 : i32
        %shift_right_arithmetic3A_766 = vector.broadcast %shift_right_arithmetic3A_765 : i32 to vector<16xi32>
        %shift_right_arithmetic3A_767 = arith.shrsi %add3A_764, %shift_right_arithmetic3A_766 : vector<16xi32>
        %and3A_768 = arith.constant 0 : i32
        %and3A_769 = vector.broadcast %and3A_768 : i32 to vector<16xi32>
        %and3A_770 = arith.andi %iota3A_642, %and3A_769 : vector<16xi32>
        %and3A_771 = arith.constant 7 : i32
        %and3A_772 = vector.broadcast %and3A_771 : i32 to vector<16xi32>
        %and3A_773 = arith.andi %add3A_764, %and3A_772 : vector<16xi32>
        %gather3A_774 = tpu.vector_load_idx %arg11[%add3A_646, %add3A_764] : memref<128x64xf32, #tpu.memory_space<vmem>>[vector<16xi32>, vector<16xi32>], vector<16xf32>,
        %add3A_775 = arith.addf %gather3A_774, %gather3A : vector<16xf32>
        tpu.vector_store_idx %arg15[%shift_right_arithmetic3A_767, %and3A_770, %and3A_773, %add3A_646], %add3A_775 : memref<8x1x8x128xf32, #tpu.memory_space<vmem>>[vector<16xi32>, vector<16xi32>, vector<16xi32>, vector<16xi32>], vector<16xf32>,
        %gather3A_776 = tpu.vector_load_idx %arg11[%add3A_649, %add3A_764] : memref<128x64xf32, #tpu.memory_space<vmem>>[vector<16xi32>, vector<16xi32>], vector<16xf32>,
        %add3A_777 = arith.addf %gather3A_776, %gather3A : vector<16xf32>
        tpu.vector_store_idx %arg15[%shift_right_arithmetic3A_767, %and3A_770, %and3A_773, %add3A_649], %add3A_777 : memref<8x1x8x128xf32, #tpu.memory_space<vmem>>[vector<16xi32>, vector<16xi32>, vector<16xi32>, vector<16xi32>], vector<16xf32>,
        %gather3A_778 = tpu.vector_load_idx %arg11[%add3A_652, %add3A_764] : memref<128x64xf32, #tpu.memory_space<vmem>>[vector<16xi32>, vector<16xi32>], vector<16xf32>,
        %add3A_779 = arith.addf %gather3A_778, %gather3A : vector<16xf32>
        tpu.vector_store_idx %arg15[%shift_right_arithmetic3A_767, %and3A_770, %and3A_773, %add3A_652], %add3A_779 : memref<8x1x8x128xf32, #tpu.memory_space<vmem>>[vector<16xi32>, vector<16xi32>, vector<16xi32>, vector<16xi32>], vector<16xf32>,
        %gather3A_780 = tpu.vector_load_idx %arg11[%add3A_655, %add3A_764] : memref<128x64xf32, #tpu.memory_space<vmem>>[vector<16xi32>, vector<16xi32>], vector<16xf32>,
        %add3A_781 = arith.addf %gather3A_780, %gather3A : vector<16xf32>
        tpu.vector_store_idx %arg15[%shift_right_arithmetic3A_767, %and3A_770, %and3A_773, %add3A_655], %add3A_781 : memref<8x1x8x128xf32, #tpu.memory_space<vmem>>[vector<16xi32>, vector<16xi32>, vector<16xi32>, vector<16xi32>], vector<16xf32>,
        %gather3A_782 = tpu.vector_load_idx %arg11[%add3A_658, %add3A_764] : memref<128x64xf32, #tpu.memory_space<vmem>>[vector<16xi32>, vector<16xi32>], vector<16xf32>,
        %add3A_783 = arith.addf %gather3A_782, %gather3A : vector<16xf32>
        tpu.vector_store_idx %arg15[%shift_right_arithmetic3A_767, %and3A_770, %and3A_773, %add3A_658], %add3A_783 : memref<8x1x8x128xf32, #tpu.memory_space<vmem>>[vector<16xi32>, vector<16xi32>, vector<16xi32>, vector<16xi32>], vector<16xf32>,
        %gather3A_784 = tpu.vector_load_idx %arg11[%add3A_661, %add3A_764] : memref<128x64xf32, #tpu.memory_space<vmem>>[vector<16xi32>, vector<16xi32>], vector<16xf32>,
        %add3A_785 = arith.addf %gather3A_784, %gather3A : vector<16xf32>
        tpu.vector_store_idx %arg15[%shift_right_arithmetic3A_767, %and3A_770, %and3A_773, %add3A_661], %add3A_785 : memref<8x1x8x128xf32, #tpu.memory_space<vmem>>[vector<16xi32>, vector<16xi32>, vector<16xi32>, vector<16xi32>], vector<16xf32>,
        %gather3A_786 = tpu.vector_load_idx %arg11[%add3A_664, %add3A_764] : memref<128x64xf32, #tpu.memory_space<vmem>>[vector<16xi32>, vector<16xi32>], vector<16xf32>,
        %add3A_787 = arith.addf %gather3A_786, %gather3A : vector<16xf32>
        tpu.vector_store_idx %arg15[%shift_right_arithmetic3A_767, %and3A_770, %and3A_773, %add3A_664], %add3A_787 : memref<8x1x8x128xf32, #tpu.memory_space<vmem>>[vector<16xi32>, vector<16xi32>, vector<16xi32>, vector<16xi32>], vector<16xf32>,
        %gather3A_788 = tpu.vector_load_idx %arg11[%add3A_667, %add3A_764] : memref<128x64xf32, #tpu.memory_space<vmem>>[vector<16xi32>, vector<16xi32>], vector<16xf32>,
        %add3A_789 = arith.addf %gather3A_788, %gather3A : vector<16xf32>
        tpu.vector_store_idx %arg15[%shift_right_arithmetic3A_767, %and3A_770, %and3A_773, %add3A_667], %add3A_789 : memref<8x1x8x128xf32, #tpu.memory_space<vmem>>[vector<16xi32>, vector<16xi32>, vector<16xi32>, vector<16xi32>], vector<16xf32>,
        %scan3A_790 = arith.constant 0 : i32
        scf.yield %scan3A_790 : i32
      }
      %scan3A_674 = arith.constant 64 : i32
      %mul3A_675 = arith.constant 8 : i32
      %mul3A_676 = arith.muli %add3A_613, %mul3A_675 : i32
      %dma_start3A_677 = arith.constant 0 : i32
      %dma_start3A_678 = arith.constant 0 : i32
      %dma_start3A_679 = tpu.memref_slice %arg5[%mul3A_676, %add3A, %dma_start3A_677, %dma_start3A_678] : memref<1592x32x8x128xf32, #tpu.memory_space<hbm>> -> memref<8x1x8x128xf32, #tpu.memory_space<hbm>>
      %dma_start3A_680 = arith.constant 0 : i32
      %dma_start3A_681 = arith.constant 0 : i32
      %dma_start3A_682 = tpu.memref_slice %arg5[%mul3A_676, %add3A, %dma_start3A_680, %dma_start3A_681] : memref<1592x32x8x128xf32, #tpu.memory_space<hbm>> -> memref<8x1x8x128xf32, #tpu.memory_space<hbm>>
      tpu.enqueue_dma source(%arg15 : memref<8x1x8x128xf32, #tpu.memory_space<vmem>>) target(%dma_start3A_682 : memref<8x1x8x128xf32, #tpu.memory_space<hbm>>) target_semaphore(%arg24 : memref<!tpu.dma_semaphore, #tpu.memory_space<semaphore_mem>>)
      %add3A_683 = arith.constant 3 : i32
      %add3A_684 = arith.addi %add3A_472, %add3A_683 : i32
      %dma_wait3A_685 = arith.constant 0 : i32
      %dma_wait3A_686 = arith.constant 0 : i32
      %dma_wait3A_687 = tpu.memref_slice %arg3[%dma_wait3A_685, %dma_wait3A_686] : memref<100000x64xf32, #tpu.memory_space<hbm>> -> memref<100000x64xf32, #tpu.memory_space<hbm>>
      tpu.wait_indirect_dma semaphore(%arg21 : memref<!tpu.dma_semaphore, #tpu.memory_space<semaphore_mem>>) src(%dma_wait3A_687 : memref<100000x64xf32, #tpu.memory_space<hbm>>) dst(%arg12 : memref<128x64xf32, #tpu.memory_space<vmem>>)
      %add3A_688 = arith.constant 4 : i32
      %add3A_689 = arith.addi %add3A_684, %add3A_688 : i32
      %dma_start3A_690 = tpu.memref_slice %arg2[%add3A_689, %mul3A_2] : memref<199x4096xi32, #tpu.memory_space<hbm>> -> memref<1x128xi32, #tpu.memory_space<hbm>>
      %dma_start3A_691 = tpu.memref_squeeze %dma_start3A_690 : memref<1x128xi32, #tpu.memory_space<hbm>> -> memref<128xi32, #tpu.memory_space<hbm>>
      %dma_start3A_692 = tpu.memref_slice %arg2[%add3A_689, %mul3A_2] : memref<199x4096xi32, #tpu.memory_space<hbm>> -> memref<1x128xi32, #tpu.memory_space<hbm>>
      %dma_start3A_693 = tpu.memref_squeeze %dma_start3A_692 : memref<1x128xi32, #tpu.memory_space<hbm>> -> memref<128xi32, #tpu.memory_space<hbm>>
      tpu.enqueue_dma source(%dma_start3A_693 : memref<128xi32, #tpu.memory_space<hbm>>) target(%arg8 : memref<128xi32, #tpu.memory_space<vmem>>) target_semaphore(%arg29 : memref<!tpu.dma_semaphore, #tpu.memory_space<semaphore_mem>>)
      %sub3A_694 = arith.constant 3 : i32
      %sub3A_695 = arith.subi %add3A_684, %sub3A_694 : i32
      %mul3A_696 = arith.constant 8 : i32
      %mul3A_697 = arith.muli %sub3A_695, %mul3A_696 : i32
      %dma_wait3A_698 = arith.constant 0 : i32
      %dma_wait3A_699 = arith.constant 0 : i32
      %dma_wait3A_700 = tpu.memref_slice %arg5[%mul3A_697, %add3A, %dma_wait3A_698, %dma_wait3A_699] : memref<1592x32x8x128xf32, #tpu.memory_space<hbm>> -> memref<8x1x8x128xf32, #tpu.memory_space<hbm>>
      %dma_wait3A_701 = arith.constant 0 : i32
      %dma_wait3A_702 = arith.constant 0 : i32
      %dma_wait3A_703 = tpu.memref_slice %arg5[%mul3A_697, %add3A, %dma_wait3A_701, %dma_wait3A_702] : memref<1592x32x8x128xf32, #tpu.memory_space<hbm>> -> memref<8x1x8x128xf32, #tpu.memory_space<hbm>>
      tpu.wait_dma2 semaphore(%arg26 : memref<!tpu.dma_semaphore, #tpu.memory_space<semaphore_mem>>) src(%arg17 : memref<8x1x8x128xf32, #tpu.memory_space<vmem>>) dst(%dma_wait3A_703 : memref<8x1x8x128xf32, #tpu.memory_space<hbm>>)
      %add3A_704 = arith.constant 3 : i32
      %add3A_705 = arith.addi %add3A_684, %add3A_704 : i32
      %dma_wait3A_706 = tpu.memref_slice %arg2[%add3A_705, %mul3A_2] : memref<199x4096xi32, #tpu.memory_space<hbm>> -> memref<1x128xi32, #tpu.memory_space<hbm>>
      %dma_wait3A_707 = tpu.memref_squeeze %dma_wait3A_706 : memref<1x128xi32, #tpu.memory_space<hbm>> -> memref<128xi32, #tpu.memory_space<hbm>>
      %dma_wait3A_708 = tpu.memref_slice %arg2[%add3A_705, %mul3A_2] : memref<199x4096xi32, #tpu.memory_space<hbm>> -> memref<1x128xi32, #tpu.memory_space<hbm>>
      %dma_wait3A_709 = tpu.memref_squeeze %dma_wait3A_708 : memref<1x128xi32, #tpu.memory_space<hbm>> -> memref<128xi32, #tpu.memory_space<hbm>>
      tpu.wait_dma2 semaphore(%arg28 : memref<!tpu.dma_semaphore, #tpu.memory_space<semaphore_mem>>) src(%dma_wait3A_709 : memref<128xi32, #tpu.memory_space<hbm>>) dst(%arg7 : memref<128xi32, #tpu.memory_space<vmem>>)
      %dma_start3A_710 = arith.constant 0 : i32
      %dma_start3A_711 = arith.constant 0 : i32
      %dma_start3A_712 = tpu.memref_slice %arg3[%dma_start3A_710, %dma_start3A_711] : memref<100000x64xf32, #tpu.memory_space<hbm>> -> memref<100000x64xf32, #tpu.memory_space<hbm>>
      tpu.enqueue_indirect_dma source(%dma_start3A_712 : memref<100000x64xf32, #tpu.memory_space<hbm>>) target(%arg11 : memref<128x64xf32, #tpu.memory_space<vmem>>) offsets(%arg7 : memref<128xi32, #tpu.memory_space<vmem>>) semaphore(%arg20 : memref<!tpu.dma_semaphore, #tpu.memory_space<semaphore_mem>>)
      %iota3A_713 = tpu.iota {dimensions = array<i32: 0>} : vector<16xi32>
      %broadcast_in_dim3A_714 = vector.broadcast %add3A_684 : i32 to vector<16xi32>
      %add3A_715 = arith.constant 0 : i32
      %add3A_716 = vector.broadcast %add3A_715 : i32 to vector<16xi32>
      %add3A_717 = arith.addi %iota3A_713, %add3A_716 : vector<16xi32>
      %add3A_718 = arith.constant 16 : i32
      %add3A_719 = vector.broadcast %add3A_718 : i32 to vector<16xi32>
      %add3A_720 = arith.addi %iota3A_713, %add3A_719 : vector<16xi32>
      %add3A_721 = arith.constant 32 : i32
      %add3A_722 = vector.broadcast %add3A_721 : i32 to vector<16xi32>
      %add3A_723 = arith.addi %iota3A_713, %add3A_722 : vector<16xi32>
      %add3A_724 = arith.constant 48 : i32
      %add3A_725 = vector.broadcast %add3A_724 : i32 to vector<16xi32>
      %add3A_726 = arith.addi %iota3A_713, %add3A_725 : vector<16xi32>
      %add3A_727 = arith.constant 64 : i32
      %add3A_728 = vector.broadcast %add3A_727 : i32 to vector<16xi32>
      %add3A_729 = arith.addi %iota3A_713, %add3A_728 : vector<16xi32>
      %add3A_730 = arith.constant 80 : i32
      %add3A_731 = vector.broadcast %add3A_730 : i32 to vector<16xi32>
      %add3A_732 = arith.addi %iota3A_713, %add3A_731 : vector<16xi32>
      %add3A_733 = arith.constant 96 : i32
      %add3A_734 = vector.broadcast %add3A_733 : i32 to vector<16xi32>
      %add3A_735 = arith.addi %iota3A_713, %add3A_734 : vector<16xi32>
      %add3A_736 = arith.constant 112 : i32
      %add3A_737 = vector.broadcast %add3A_736 : i32 to vector<16xi32>
      %add3A_738 = arith.addi %iota3A_713, %add3A_737 : vector<16xi32>
      %scan3A_739 = arith.constant 0 : i32
      %scan3A_740 = arith.constant 0 : i32
      %scan3A_741 = arith.constant 64 : i32
      %scan3A_742 = arith.addi %scan3A_740, %scan3A_741 : i32
      %scan3A_743 = arith.constant 1 : i32
      %scan3A_744 = scf.for %scan3A_755 = %scan3A_740 to %scan3A_742 step %scan3A_743 iter_args(%scan3A_756 = %scan3A_739) -> (i32)  : i32 {
        %shift_right_arithmetic3A = arith.constant 4 : i32
        %shift_right_arithmetic3A_757 = arith.shrsi %scan3A_755, %shift_right_arithmetic3A : i32
        %shift_left3A = arith.constant 4 : i32
        %shift_left3A_758 = arith.shli %shift_right_arithmetic3A_757, %shift_left3A : i32
        %add3A_759 = vector.broadcast %scan3A_755 : i32 to vector<16xi32>
        %add3A_760 = arith.addi %iota3A_713, %add3A_759 : vector<16xi32>
        %and3A = arith.constant 15 : i32
        %and3A_761 = vector.broadcast %and3A : i32 to vector<16xi32>
        %and3A_762 = arith.andi %add3A_760, %and3A_761 : vector<16xi32>
        %add3A_763 = vector.broadcast %shift_left3A_758 : i32 to vector<16xi32>
        %add3A_764 = arith.addi %add3A_763, %and3A_762 : vector<16xi32>
        %gather3A = tpu.vector_load_idx %arg18[%broadcast_in_dim3A_714, %add3A_764] : memref<199x64xf32, #tpu.memory_space<vmem>>[vector<16xi32>, vector<16xi32>], vector<16xf32>,
        %shift_right_arithmetic3A_765 = arith.constant 3 : i32
        %shift_right_arithmetic3A_766 = vector.broadcast %shift_right_arithmetic3A_765 : i32 to vector<16xi32>
        %shift_right_arithmetic3A_767 = arith.shrsi %add3A_764, %shift_right_arithmetic3A_766 : vector<16xi32>
        %and3A_768 = arith.constant 0 : i32
        %and3A_769 = vector.broadcast %and3A_768 : i32 to vector<16xi32>
        %and3A_770 = arith.andi %iota3A_713, %and3A_769 : vector<16xi32>
        %and3A_771 = arith.constant 7 : i32
        %and3A_772 = vector.broadcast %and3A_771 : i32 to vector<16xi32>
        %and3A_773 = arith.andi %add3A_764, %and3A_772 : vector<16xi32>
        %gather3A_774 = tpu.vector_load_idx %arg12[%add3A_717, %add3A_764] : memref<128x64xf32, #tpu.memory_space<vmem>>[vector<16xi32>, vector<16xi32>], vector<16xf32>,
        %add3A_775 = arith.addf %gather3A_774, %gather3A : vector<16xf32>
        tpu.vector_store_idx %arg16[%shift_right_arithmetic3A_767, %and3A_770, %and3A_773, %add3A_717], %add3A_775 : memref<8x1x8x128xf32, #tpu.memory_space<vmem>>[vector<16xi32>, vector<16xi32>, vector<16xi32>, vector<16xi32>], vector<16xf32>,
        %gather3A_776 = tpu.vector_load_idx %arg12[%add3A_720, %add3A_764] : memref<128x64xf32, #tpu.memory_space<vmem>>[vector<16xi32>, vector<16xi32>], vector<16xf32>,
        %add3A_777 = arith.addf %gather3A_776, %gather3A : vector<16xf32>
        tpu.vector_store_idx %arg16[%shift_right_arithmetic3A_767, %and3A_770, %and3A_773, %add3A_720], %add3A_777 : memref<8x1x8x128xf32, #tpu.memory_space<vmem>>[vector<16xi32>, vector<16xi32>, vector<16xi32>, vector<16xi32>], vector<16xf32>,
        %gather3A_778 = tpu.vector_load_idx %arg12[%add3A_723, %add3A_764] : memref<128x64xf32, #tpu.memory_space<vmem>>[vector<16xi32>, vector<16xi32>], vector<16xf32>,
        %add3A_779 = arith.addf %gather3A_778, %gather3A : vector<16xf32>
        tpu.vector_store_idx %arg16[%shift_right_arithmetic3A_767, %and3A_770, %and3A_773, %add3A_723], %add3A_779 : memref<8x1x8x128xf32, #tpu.memory_space<vmem>>[vector<16xi32>, vector<16xi32>, vector<16xi32>, vector<16xi32>], vector<16xf32>,
        %gather3A_780 = tpu.vector_load_idx %arg12[%add3A_726, %add3A_764] : memref<128x64xf32, #tpu.memory_space<vmem>>[vector<16xi32>, vector<16xi32>], vector<16xf32>,
        %add3A_781 = arith.addf %gather3A_780, %gather3A : vector<16xf32>
        tpu.vector_store_idx %arg16[%shift_right_arithmetic3A_767, %and3A_770, %and3A_773, %add3A_726], %add3A_781 : memref<8x1x8x128xf32, #tpu.memory_space<vmem>>[vector<16xi32>, vector<16xi32>, vector<16xi32>, vector<16xi32>], vector<16xf32>,
        %gather3A_782 = tpu.vector_load_idx %arg12[%add3A_729, %add3A_764] : memref<128x64xf32, #tpu.memory_space<vmem>>[vector<16xi32>, vector<16xi32>], vector<16xf32>,
        %add3A_783 = arith.addf %gather3A_782, %gather3A : vector<16xf32>
        tpu.vector_store_idx %arg16[%shift_right_arithmetic3A_767, %and3A_770, %and3A_773, %add3A_729], %add3A_783 : memref<8x1x8x128xf32, #tpu.memory_space<vmem>>[vector<16xi32>, vector<16xi32>, vector<16xi32>, vector<16xi32>], vector<16xf32>,
        %gather3A_784 = tpu.vector_load_idx %arg12[%add3A_732, %add3A_764] : memref<128x64xf32, #tpu.memory_space<vmem>>[vector<16xi32>, vector<16xi32>], vector<16xf32>,
        %add3A_785 = arith.addf %gather3A_784, %gather3A : vector<16xf32>
        tpu.vector_store_idx %arg16[%shift_right_arithmetic3A_767, %and3A_770, %and3A_773, %add3A_732], %add3A_785 : memref<8x1x8x128xf32, #tpu.memory_space<vmem>>[vector<16xi32>, vector<16xi32>, vector<16xi32>, vector<16xi32>], vector<16xf32>,
        %gather3A_786 = tpu.vector_load_idx %arg12[%add3A_735, %add3A_764] : memref<128x64xf32, #tpu.memory_space<vmem>>[vector<16xi32>, vector<16xi32>], vector<16xf32>,
        %add3A_787 = arith.addf %gather3A_786, %gather3A : vector<16xf32>
        tpu.vector_store_idx %arg16[%shift_right_arithmetic3A_767, %and3A_770, %and3A_773, %add3A_735], %add3A_787 : memref<8x1x8x128xf32, #tpu.memory_space<vmem>>[vector<16xi32>, vector<16xi32>, vector<16xi32>, vector<16xi32>], vector<16xf32>,
        %gather3A_788 = tpu.vector_load_idx %arg12[%add3A_738, %add3A_764] : memref<128x64xf32, #tpu.memory_space<vmem>>[vector<16xi32>, vector<16xi32>], vector<16xf32>,
        %add3A_789 = arith.addf %gather3A_788, %gather3A : vector<16xf32>
        tpu.vector_store_idx %arg16[%shift_right_arithmetic3A_767, %and3A_770, %and3A_773, %add3A_738], %add3A_789 : memref<8x1x8x128xf32, #tpu.memory_space<vmem>>[vector<16xi32>, vector<16xi32>, vector<16xi32>, vector<16xi32>], vector<16xf32>,
        %scan3A_790 = arith.constant 0 : i32
        scf.yield %scan3A_790 : i32
      }
      %scan3A_745 = arith.constant 64 : i32
      %mul3A_746 = arith.constant 8 : i32
      %mul3A_747 = arith.muli %add3A_684, %mul3A_746 : i32
      %dma_start3A_748 = arith.constant 0 : i32
      %dma_start3A_749 = arith.constant 0 : i32
      %dma_start3A_750 = tpu.memref_slice %arg5[%mul3A_747, %add3A, %dma_start3A_748, %dma_start3A_749] : memref<1592x32x8x128xf32, #tpu.memory_space<hbm>> -> memref<8x1x8x128xf32, #tpu.memory_space<hbm>>
      %dma_start3A_751 = arith.constant 0 : i32
      %dma_start3A_752 = arith.constant 0 : i32
      %dma_start3A_753 = tpu.memref_slice %arg5[%mul3A_747, %add3A, %dma_start3A_751, %dma_start3A_752] : memref<1592x32x8x128xf32, #tpu.memory_space<hbm>> -> memref<8x1x8x128xf32, #tpu.memory_space<hbm>>
      tpu.enqueue_dma source(%arg16 : memref<8x1x8x128xf32, #tpu.memory_space<vmem>>) target(%dma_start3A_753 : memref<8x1x8x128xf32, #tpu.memory_space<hbm>>) target_semaphore(%arg25 : memref<!tpu.dma_semaphore, #tpu.memory_space<semaphore_mem>>)
      %scan3A_754 = arith.constant 0 : i32
      scf.yield %scan3A_754 : i32
    }
    %scan3A_222 = arith.constant 48 : i32
    %dma_wait3A_223 = arith.constant 0 : i32
    %dma_wait3A_224 = arith.constant 0 : i32
    %dma_wait3A_225 = tpu.memref_slice %arg3[%dma_wait3A_223, %dma_wait3A_224] : memref<100000x64xf32, #tpu.memory_space<hbm>> -> memref<100000x64xf32, #tpu.memory_space<hbm>>
    tpu.wait_indirect_dma semaphore(%arg22 : memref<!tpu.dma_semaphore, #tpu.memory_space<semaphore_mem>>) src(%dma_wait3A_225 : memref<100000x64xf32, #tpu.memory_space<hbm>>) dst(%arg13 : memref<128x64xf32, #tpu.memory_space<vmem>>)
    %dma_wait3A_226 = arith.constant 1536 : i32
    %dma_wait3A_227 = arith.constant 0 : i32
    %dma_wait3A_228 = arith.constant 0 : i32
    %dma_wait3A_229 = tpu.memref_slice %arg5[%dma_wait3A_226, %add3A, %dma_wait3A_227, %dma_wait3A_228] : memref<1592x32x8x128xf32, #tpu.memory_space<hbm>> -> memref<8x1x8x128xf32, #tpu.memory_space<hbm>>
    %dma_wait3A_230 = arith.constant 1536 : i32
    %dma_wait3A_231 = arith.constant 0 : i32
    %dma_wait3A_232 = arith.constant 0 : i32
    %dma_wait3A_233 = tpu.memref_slice %arg5[%dma_wait3A_230, %add3A, %dma_wait3A_231, %dma_wait3A_232] : memref<1592x32x8x128xf32, #tpu.memory_space<hbm>> -> memref<8x1x8x128xf32, #tpu.memory_space<hbm>>
    tpu.wait_dma2 semaphore(%arg23 : memref<!tpu.dma_semaphore, #tpu.memory_space<semaphore_mem>>) src(%arg14 : memref<8x1x8x128xf32, #tpu.memory_space<vmem>>) dst(%dma_wait3A_233 : memref<8x1x8x128xf32, #tpu.memory_space<hbm>>)
    %dma_wait3A_234 = arith.constant 198 : i32
    %dma_wait3A_235 = tpu.memref_slice %arg2[%dma_wait3A_234, %mul3A_2] : memref<199x4096xi32, #tpu.memory_space<hbm>> -> memref<1x128xi32, #tpu.memory_space<hbm>>
    %dma_wait3A_236 = tpu.memref_squeeze %dma_wait3A_235 : memref<1x128xi32, #tpu.memory_space<hbm>> -> memref<128xi32, #tpu.memory_space<hbm>>
    %dma_wait3A_237 = tpu.memref_slice %arg2[%dma_wait3A_234, %mul3A_2] : memref<199x4096xi32, #tpu.memory_space<hbm>> -> memref<1x128xi32, #tpu.memory_space<hbm>>
    %dma_wait3A_238 = tpu.memref_squeeze %dma_wait3A_237 : memref<1x128xi32, #tpu.memory_space<hbm>> -> memref<128xi32, #tpu.memory_space<hbm>>
    tpu.wait_dma2 semaphore(%arg29 : memref<!tpu.dma_semaphore, #tpu.memory_space<semaphore_mem>>) src(%dma_wait3A_238 : memref<128xi32, #tpu.memory_space<hbm>>) dst(%arg8 : memref<128xi32, #tpu.memory_space<vmem>>)
    %dma_start3A_239 = arith.constant 0 : i32
    %dma_start3A_240 = arith.constant 0 : i32
    %dma_start3A_241 = tpu.memref_slice %arg3[%dma_start3A_239, %dma_start3A_240] : memref<100000x64xf32, #tpu.memory_space<hbm>> -> memref<100000x64xf32, #tpu.memory_space<hbm>>
    tpu.enqueue_indirect_dma source(%dma_start3A_241 : memref<100000x64xf32, #tpu.memory_space<hbm>>) target(%arg12 : memref<128x64xf32, #tpu.memory_space<vmem>>) offsets(%arg8 : memref<128xi32, #tpu.memory_space<vmem>>) semaphore(%arg21 : memref<!tpu.dma_semaphore, #tpu.memory_space<semaphore_mem>>)
    %iota3A_242 = tpu.iota {dimensions = array<i32: 0>} : vector<16xi32>
    %broadcast_in_dim3A_243 = arith.constant 195 : i32
    %broadcast_in_dim3A_244 = vector.broadcast %broadcast_in_dim3A_243 : i32 to vector<16xi32>
    %add3A_245 = arith.constant 0 : i32
    %add3A_246 = vector.broadcast %add3A_245 : i32 to vector<16xi32>
    %add3A_247 = arith.addi %iota3A_242, %add3A_246 : vector<16xi32>
    %add3A_248 = arith.constant 16 : i32
    %add3A_249 = vector.broadcast %add3A_248 : i32 to vector<16xi32>
    %add3A_250 = arith.addi %iota3A_242, %add3A_249 : vector<16xi32>
    %add3A_251 = arith.constant 32 : i32
    %add3A_252 = vector.broadcast %add3A_251 : i32 to vector<16xi32>
    %add3A_253 = arith.addi %iota3A_242, %add3A_252 : vector<16xi32>
    %add3A_254 = arith.constant 48 : i32
    %add3A_255 = vector.broadcast %add3A_254 : i32 to vector<16xi32>
    %add3A_256 = arith.addi %iota3A_242, %add3A_255 : vector<16xi32>
    %add3A_257 = arith.constant 64 : i32
    %add3A_258 = vector.broadcast %add3A_257 : i32 to vector<16xi32>
    %add3A_259 = arith.addi %iota3A_242, %add3A_258 : vector<16xi32>
    %add3A_260 = arith.constant 80 : i32
    %add3A_261 = vector.broadcast %add3A_260 : i32 to vector<16xi32>
    %add3A_262 = arith.addi %iota3A_242, %add3A_261 : vector<16xi32>
    %add3A_263 = arith.constant 96 : i32
    %add3A_264 = vector.broadcast %add3A_263 : i32 to vector<16xi32>
    %add3A_265 = arith.addi %iota3A_242, %add3A_264 : vector<16xi32>
    %add3A_266 = arith.constant 112 : i32
    %add3A_267 = vector.broadcast %add3A_266 : i32 to vector<16xi32>
    %add3A_268 = arith.addi %iota3A_242, %add3A_267 : vector<16xi32>
    %scan3A_269 = arith.constant 0 : i32
    %scan3A_270 = arith.constant 0 : i32
    %scan3A_271 = arith.constant 64 : i32
    %scan3A_272 = arith.addi %scan3A_270, %scan3A_271 : i32
    %scan3A_273 = arith.constant 1 : i32
    %scan3A_274 = scf.for %scan3A_467 = %scan3A_270 to %scan3A_272 step %scan3A_273 iter_args(%scan3A_468 = %scan3A_269) -> (i32)  : i32 {
      %shift_right_arithmetic3A = arith.constant 4 : i32
      %shift_right_arithmetic3A_469 = arith.shrsi %scan3A_467, %shift_right_arithmetic3A : i32
      %shift_left3A = arith.constant 4 : i32
      %shift_left3A_470 = arith.shli %shift_right_arithmetic3A_469, %shift_left3A : i32
      %add3A_471 = vector.broadcast %scan3A_467 : i32 to vector<16xi32>
      %add3A_472 = arith.addi %iota3A_242, %add3A_471 : vector<16xi32>
      %and3A = arith.constant 15 : i32
      %and3A_473 = vector.broadcast %and3A : i32 to vector<16xi32>
      %and3A_474 = arith.andi %add3A_472, %and3A_473 : vector<16xi32>
      %add3A_475 = vector.broadcast %shift_left3A_470 : i32 to vector<16xi32>
      %add3A_476 = arith.addi %add3A_475, %and3A_474 : vector<16xi32>
      %gather3A = tpu.vector_load_idx %arg18[%broadcast_in_dim3A_244, %add3A_476] : memref<199x64xf32, #tpu.memory_space<vmem>>[vector<16xi32>, vector<16xi32>], vector<16xf32>,
      %shift_right_arithmetic3A_477 = arith.constant 3 : i32
      %shift_right_arithmetic3A_478 = vector.broadcast %shift_right_arithmetic3A_477 : i32 to vector<16xi32>
      %shift_right_arithmetic3A_479 = arith.shrsi %add3A_476, %shift_right_arithmetic3A_478 : vector<16xi32>
      %and3A_480 = arith.constant 0 : i32
      %and3A_481 = vector.broadcast %and3A_480 : i32 to vector<16xi32>
      %and3A_482 = arith.andi %iota3A_242, %and3A_481 : vector<16xi32>
      %and3A_483 = arith.constant 7 : i32
      %and3A_484 = vector.broadcast %and3A_483 : i32 to vector<16xi32>
      %and3A_485 = arith.andi %add3A_476, %and3A_484 : vector<16xi32>
      %gather3A_486 = tpu.vector_load_idx %arg13[%add3A_247, %add3A_476] : memref<128x64xf32, #tpu.memory_space<vmem>>[vector<16xi32>, vector<16xi32>], vector<16xf32>,
      %add3A_487 = arith.addf %gather3A_486, %gather3A : vector<16xf32>
      tpu.vector_store_idx %arg17[%shift_right_arithmetic3A_479, %and3A_482, %and3A_485, %add3A_247], %add3A_487 : memref<8x1x8x128xf32, #tpu.memory_space<vmem>>[vector<16xi32>, vector<16xi32>, vector<16xi32>, vector<16xi32>], vector<16xf32>,
      %gather3A_488 = tpu.vector_load_idx %arg13[%add3A_250, %add3A_476] : memref<128x64xf32, #tpu.memory_space<vmem>>[vector<16xi32>, vector<16xi32>], vector<16xf32>,
      %add3A_489 = arith.addf %gather3A_488, %gather3A : vector<16xf32>
      tpu.vector_store_idx %arg17[%shift_right_arithmetic3A_479, %and3A_482, %and3A_485, %add3A_250], %add3A_489 : memref<8x1x8x128xf32, #tpu.memory_space<vmem>>[vector<16xi32>, vector<16xi32>, vector<16xi32>, vector<16xi32>], vector<16xf32>,
      %gather3A_490 = tpu.vector_load_idx %arg13[%add3A_253, %add3A_476] : memref<128x64xf32, #tpu.memory_space<vmem>>[vector<16xi32>, vector<16xi32>], vector<16xf32>,
      %add3A_491 = arith.addf %gather3A_490, %gather3A : vector<16xf32>
      tpu.vector_store_idx %arg17[%shift_right_arithmetic3A_479, %and3A_482, %and3A_485, %add3A_253], %add3A_491 : memref<8x1x8x128xf32, #tpu.memory_space<vmem>>[vector<16xi32>, vector<16xi32>, vector<16xi32>, vector<16xi32>], vector<16xf32>,
      %gather3A_492 = tpu.vector_load_idx %arg13[%add3A_256, %add3A_476] : memref<128x64xf32, #tpu.memory_space<vmem>>[vector<16xi32>, vector<16xi32>], vector<16xf32>,
      %add3A_493 = arith.addf %gather3A_492, %gather3A : vector<16xf32>
      tpu.vector_store_idx %arg17[%shift_right_arithmetic3A_479, %and3A_482, %and3A_485, %add3A_256], %add3A_493 : memref<8x1x8x128xf32, #tpu.memory_space<vmem>>[vector<16xi32>, vector<16xi32>, vector<16xi32>, vector<16xi32>], vector<16xf32>,
      %gather3A_494 = tpu.vector_load_idx %arg13[%add3A_259, %add3A_476] : memref<128x64xf32, #tpu.memory_space<vmem>>[vector<16xi32>, vector<16xi32>], vector<16xf32>,
      %add3A_495 = arith.addf %gather3A_494, %gather3A : vector<16xf32>
      tpu.vector_store_idx %arg17[%shift_right_arithmetic3A_479, %and3A_482, %and3A_485, %add3A_259], %add3A_495 : memref<8x1x8x128xf32, #tpu.memory_space<vmem>>[vector<16xi32>, vector<16xi32>, vector<16xi32>, vector<16xi32>], vector<16xf32>,
      %gather3A_496 = tpu.vector_load_idx %arg13[%add3A_262, %add3A_476] : memref<128x64xf32, #tpu.memory_space<vmem>>[vector<16xi32>, vector<16xi32>], vector<16xf32>,
      %add3A_497 = arith.addf %gather3A_496, %gather3A : vector<16xf32>
      tpu.vector_store_idx %arg17[%shift_right_arithmetic3A_479, %and3A_482, %and3A_485, %add3A_262], %add3A_497 : memref<8x1x8x128xf32, #tpu.memory_space<vmem>>[vector<16xi32>, vector<16xi32>, vector<16xi32>, vector<16xi32>], vector<16xf32>,
      %gather3A_498 = tpu.vector_load_idx %arg13[%add3A_265, %add3A_476] : memref<128x64xf32, #tpu.memory_space<vmem>>[vector<16xi32>, vector<16xi32>], vector<16xf32>,
      %add3A_499 = arith.addf %gather3A_498, %gather3A : vector<16xf32>
      tpu.vector_store_idx %arg17[%shift_right_arithmetic3A_479, %and3A_482, %and3A_485, %add3A_265], %add3A_499 : memref<8x1x8x128xf32, #tpu.memory_space<vmem>>[vector<16xi32>, vector<16xi32>, vector<16xi32>, vector<16xi32>], vector<16xf32>,
      %gather3A_500 = tpu.vector_load_idx %arg13[%add3A_268, %add3A_476] : memref<128x64xf32, #tpu.memory_space<vmem>>[vector<16xi32>, vector<16xi32>], vector<16xf32>,
      %add3A_501 = arith.addf %gather3A_500, %gather3A : vector<16xf32>
      tpu.vector_store_idx %arg17[%shift_right_arithmetic3A_479, %and3A_482, %and3A_485, %add3A_268], %add3A_501 : memref<8x1x8x128xf32, #tpu.memory_space<vmem>>[vector<16xi32>, vector<16xi32>, vector<16xi32>, vector<16xi32>], vector<16xf32>,
      %scan3A_502 = arith.constant 0 : i32
      scf.yield %scan3A_502 : i32
    }
    %scan3A_275 = arith.constant 64 : i32
    %dma_start3A_276 = arith.constant 1560 : i32
    %dma_start3A_277 = arith.constant 0 : i32
    %dma_start3A_278 = arith.constant 0 : i32
    %dma_start3A_279 = tpu.memref_slice %arg5[%dma_start3A_276, %add3A, %dma_start3A_277, %dma_start3A_278] : memref<1592x32x8x128xf32, #tpu.memory_space<hbm>> -> memref<8x1x8x128xf32, #tpu.memory_space<hbm>>
    %dma_start3A_280 = arith.constant 1560 : i32
    %dma_start3A_281 = arith.constant 0 : i32
    %dma_start3A_282 = arith.constant 0 : i32
    %dma_start3A_283 = tpu.memref_slice %arg5[%dma_start3A_280, %add3A, %dma_start3A_281, %dma_start3A_282] : memref<1592x32x8x128xf32, #tpu.memory_space<hbm>> -> memref<8x1x8x128xf32, #tpu.memory_space<hbm>>
    tpu.enqueue_dma source(%arg17 : memref<8x1x8x128xf32, #tpu.memory_space<vmem>>) target(%dma_start3A_283 : memref<8x1x8x128xf32, #tpu.memory_space<hbm>>) target_semaphore(%arg26 : memref<!tpu.dma_semaphore, #tpu.memory_space<semaphore_mem>>)
    %dma_wait3A_284 = arith.constant 0 : i32
    %dma_wait3A_285 = arith.constant 0 : i32
    %dma_wait3A_286 = tpu.memref_slice %arg3[%dma_wait3A_284, %dma_wait3A_285] : memref<100000x64xf32, #tpu.memory_space<hbm>> -> memref<100000x64xf32, #tpu.memory_space<hbm>>
    tpu.wait_indirect_dma semaphore(%arg19 : memref<!tpu.dma_semaphore, #tpu.memory_space<semaphore_mem>>) src(%dma_wait3A_286 : memref<100000x64xf32, #tpu.memory_space<hbm>>) dst(%arg10 : memref<128x64xf32, #tpu.memory_space<vmem>>)
    %dma_wait3A_287 = arith.constant 1544 : i32
    %dma_wait3A_288 = arith.constant 0 : i32
    %dma_wait3A_289 = arith.constant 0 : i32
    %dma_wait3A_290 = tpu.memref_slice %arg5[%dma_wait3A_287, %add3A, %dma_wait3A_288, %dma_wait3A_289] : memref<1592x32x8x128xf32, #tpu.memory_space<hbm>> -> memref<8x1x8x128xf32, #tpu.memory_space<hbm>>
    %dma_wait3A_291 = arith.constant 1544 : i32
    %dma_wait3A_292 = arith.constant 0 : i32
    %dma_wait3A_293 = arith.constant 0 : i32
    %dma_wait3A_294 = tpu.memref_slice %arg5[%dma_wait3A_291, %add3A, %dma_wait3A_292, %dma_wait3A_293] : memref<1592x32x8x128xf32, #tpu.memory_space<hbm>> -> memref<8x1x8x128xf32, #tpu.memory_space<hbm>>
    tpu.wait_dma2 semaphore(%arg24 : memref<!tpu.dma_semaphore, #tpu.memory_space<semaphore_mem>>) src(%arg15 : memref<8x1x8x128xf32, #tpu.memory_space<vmem>>) dst(%dma_wait3A_294 : memref<8x1x8x128xf32, #tpu.memory_space<hbm>>)
    %iota3A_295 = tpu.iota {dimensions = array<i32: 0>} : vector<16xi32>
    %broadcast_in_dim3A_296 = arith.constant 196 : i32
    %broadcast_in_dim3A_297 = vector.broadcast %broadcast_in_dim3A_296 : i32 to vector<16xi32>
    %add3A_298 = arith.constant 0 : i32
    %add3A_299 = vector.broadcast %add3A_298 : i32 to vector<16xi32>
    %add3A_300 = arith.addi %iota3A_295, %add3A_299 : vector<16xi32>
    %add3A_301 = arith.constant 16 : i32
    %add3A_302 = vector.broadcast %add3A_301 : i32 to vector<16xi32>
    %add3A_303 = arith.addi %iota3A_295, %add3A_302 : vector<16xi32>
    %add3A_304 = arith.constant 32 : i32
    %add3A_305 = vector.broadcast %add3A_304 : i32 to vector<16xi32>
    %add3A_306 = arith.addi %iota3A_295, %add3A_305 : vector<16xi32>
    %add3A_307 = arith.constant 48 : i32
    %add3A_308 = vector.broadcast %add3A_307 : i32 to vector<16xi32>
    %add3A_309 = arith.addi %iota3A_295, %add3A_308 : vector<16xi32>
    %add3A_310 = arith.constant 64 : i32
    %add3A_311 = vector.broadcast %add3A_310 : i32 to vector<16xi32>
    %add3A_312 = arith.addi %iota3A_295, %add3A_311 : vector<16xi32>
    %add3A_313 = arith.constant 80 : i32
    %add3A_314 = vector.broadcast %add3A_313 : i32 to vector<16xi32>
    %add3A_315 = arith.addi %iota3A_295, %add3A_314 : vector<16xi32>
    %add3A_316 = arith.constant 96 : i32
    %add3A_317 = vector.broadcast %add3A_316 : i32 to vector<16xi32>
    %add3A_318 = arith.addi %iota3A_295, %add3A_317 : vector<16xi32>
    %add3A_319 = arith.constant 112 : i32
    %add3A_320 = vector.broadcast %add3A_319 : i32 to vector<16xi32>
    %add3A_321 = arith.addi %iota3A_295, %add3A_320 : vector<16xi32>
    %scan3A_322 = arith.constant 0 : i32
    %scan3A_323 = arith.constant 0 : i32
    %scan3A_324 = arith.constant 64 : i32
    %scan3A_325 = arith.addi %scan3A_323, %scan3A_324 : i32
    %scan3A_326 = arith.constant 1 : i32
    %scan3A_327 = scf.for %scan3A_467 = %scan3A_323 to %scan3A_325 step %scan3A_326 iter_args(%scan3A_468 = %scan3A_322) -> (i32)  : i32 {
      %shift_right_arithmetic3A = arith.constant 4 : i32
      %shift_right_arithmetic3A_469 = arith.shrsi %scan3A_467, %shift_right_arithmetic3A : i32
      %shift_left3A = arith.constant 4 : i32
      %shift_left3A_470 = arith.shli %shift_right_arithmetic3A_469, %shift_left3A : i32
      %add3A_471 = vector.broadcast %scan3A_467 : i32 to vector<16xi32>
      %add3A_472 = arith.addi %iota3A_295, %add3A_471 : vector<16xi32>
      %and3A = arith.constant 15 : i32
      %and3A_473 = vector.broadcast %and3A : i32 to vector<16xi32>
      %and3A_474 = arith.andi %add3A_472, %and3A_473 : vector<16xi32>
      %add3A_475 = vector.broadcast %shift_left3A_470 : i32 to vector<16xi32>
      %add3A_476 = arith.addi %add3A_475, %and3A_474 : vector<16xi32>
      %gather3A = tpu.vector_load_idx %arg18[%broadcast_in_dim3A_297, %add3A_476] : memref<199x64xf32, #tpu.memory_space<vmem>>[vector<16xi32>, vector<16xi32>], vector<16xf32>,
      %shift_right_arithmetic3A_477 = arith.constant 3 : i32
      %shift_right_arithmetic3A_478 = vector.broadcast %shift_right_arithmetic3A_477 : i32 to vector<16xi32>
      %shift_right_arithmetic3A_479 = arith.shrsi %add3A_476, %shift_right_arithmetic3A_478 : vector<16xi32>
      %and3A_480 = arith.constant 0 : i32
      %and3A_481 = vector.broadcast %and3A_480 : i32 to vector<16xi32>
      %and3A_482 = arith.andi %iota3A_295, %and3A_481 : vector<16xi32>
      %and3A_483 = arith.constant 7 : i32
      %and3A_484 = vector.broadcast %and3A_483 : i32 to vector<16xi32>
      %and3A_485 = arith.andi %add3A_476, %and3A_484 : vector<16xi32>
      %gather3A_486 = tpu.vector_load_idx %arg10[%add3A_300, %add3A_476] : memref<128x64xf32, #tpu.memory_space<vmem>>[vector<16xi32>, vector<16xi32>], vector<16xf32>,
      %add3A_487 = arith.addf %gather3A_486, %gather3A : vector<16xf32>
      tpu.vector_store_idx %arg14[%shift_right_arithmetic3A_479, %and3A_482, %and3A_485, %add3A_300], %add3A_487 : memref<8x1x8x128xf32, #tpu.memory_space<vmem>>[vector<16xi32>, vector<16xi32>, vector<16xi32>, vector<16xi32>], vector<16xf32>,
      %gather3A_488 = tpu.vector_load_idx %arg10[%add3A_303, %add3A_476] : memref<128x64xf32, #tpu.memory_space<vmem>>[vector<16xi32>, vector<16xi32>], vector<16xf32>,
      %add3A_489 = arith.addf %gather3A_488, %gather3A : vector<16xf32>
      tpu.vector_store_idx %arg14[%shift_right_arithmetic3A_479, %and3A_482, %and3A_485, %add3A_303], %add3A_489 : memref<8x1x8x128xf32, #tpu.memory_space<vmem>>[vector<16xi32>, vector<16xi32>, vector<16xi32>, vector<16xi32>], vector<16xf32>,
      %gather3A_490 = tpu.vector_load_idx %arg10[%add3A_306, %add3A_476] : memref<128x64xf32, #tpu.memory_space<vmem>>[vector<16xi32>, vector<16xi32>], vector<16xf32>,
      %add3A_491 = arith.addf %gather3A_490, %gather3A : vector<16xf32>
      tpu.vector_store_idx %arg14[%shift_right_arithmetic3A_479, %and3A_482, %and3A_485, %add3A_306], %add3A_491 : memref<8x1x8x128xf32, #tpu.memory_space<vmem>>[vector<16xi32>, vector<16xi32>, vector<16xi32>, vector<16xi32>], vector<16xf32>,
      %gather3A_492 = tpu.vector_load_idx %arg10[%add3A_309, %add3A_476] : memref<128x64xf32, #tpu.memory_space<vmem>>[vector<16xi32>, vector<16xi32>], vector<16xf32>,
      %add3A_493 = arith.addf %gather3A_492, %gather3A : vector<16xf32>
      tpu.vector_store_idx %arg14[%shift_right_arithmetic3A_479, %and3A_482, %and3A_485, %add3A_309], %add3A_493 : memref<8x1x8x128xf32, #tpu.memory_space<vmem>>[vector<16xi32>, vector<16xi32>, vector<16xi32>, vector<16xi32>], vector<16xf32>,
      %gather3A_494 = tpu.vector_load_idx %arg10[%add3A_312, %add3A_476] : memref<128x64xf32, #tpu.memory_space<vmem>>[vector<16xi32>, vector<16xi32>], vector<16xf32>,
      %add3A_495 = arith.addf %gather3A_494, %gather3A : vector<16xf32>
      tpu.vector_store_idx %arg14[%shift_right_arithmetic3A_479, %and3A_482, %and3A_485, %add3A_312], %add3A_495 : memref<8x1x8x128xf32, #tpu.memory_space<vmem>>[vector<16xi32>, vector<16xi32>, vector<16xi32>, vector<16xi32>], vector<16xf32>,
      %gather3A_496 = tpu.vector_load_idx %arg10[%add3A_315, %add3A_476] : memref<128x64xf32, #tpu.memory_space<vmem>>[vector<16xi32>, vector<16xi32>], vector<16xf32>,
      %add3A_497 = arith.addf %gather3A_496, %gather3A : vector<16xf32>
      tpu.vector_store_idx %arg14[%shift_right_arithmetic3A_479, %and3A_482, %and3A_485, %add3A_315], %add3A_497 : memref<8x1x8x128xf32, #tpu.memory_space<vmem>>[vector<16xi32>, vector<16xi32>, vector<16xi32>, vector<16xi32>], vector<16xf32>,
      %gather3A_498 = tpu.vector_load_idx %arg10[%add3A_318, %add3A_476] : memref<128x64xf32, #tpu.memory_space<vmem>>[vector<16xi32>, vector<16xi32>], vector<16xf32>,
      %add3A_499 = arith.addf %gather3A_498, %gather3A : vector<16xf32>
      tpu.vector_store_idx %arg14[%shift_right_arithmetic3A_479, %and3A_482, %and3A_485, %add3A_318], %add3A_499 : memref<8x1x8x128xf32, #tpu.memory_space<vmem>>[vector<16xi32>, vector<16xi32>, vector<16xi32>, vector<16xi32>], vector<16xf32>,
      %gather3A_500 = tpu.vector_load_idx %arg10[%add3A_321, %add3A_476] : memref<128x64xf32, #tpu.memory_space<vmem>>[vector<16xi32>, vector<16xi32>], vector<16xf32>,
      %add3A_501 = arith.addf %gather3A_500, %gather3A : vector<16xf32>
      tpu.vector_store_idx %arg14[%shift_right_arithmetic3A_479, %and3A_482, %and3A_485, %add3A_321], %add3A_501 : memref<8x1x8x128xf32, #tpu.memory_space<vmem>>[vector<16xi32>, vector<16xi32>, vector<16xi32>, vector<16xi32>], vector<16xf32>,
      %scan3A_502 = arith.constant 0 : i32
      scf.yield %scan3A_502 : i32
    }
    %scan3A_328 = arith.constant 64 : i32
    %dma_start3A_329 = arith.constant 1568 : i32
    %dma_start3A_330 = arith.constant 0 : i32
    %dma_start3A_331 = arith.constant 0 : i32
    %dma_start3A_332 = tpu.memref_slice %arg5[%dma_start3A_329, %add3A, %dma_start3A_330, %dma_start3A_331] : memref<1592x32x8x128xf32, #tpu.memory_space<hbm>> -> memref<8x1x8x128xf32, #tpu.memory_space<hbm>>
    %dma_start3A_333 = arith.constant 1568 : i32
    %dma_start3A_334 = arith.constant 0 : i32
    %dma_start3A_335 = arith.constant 0 : i32
    %dma_start3A_336 = tpu.memref_slice %arg5[%dma_start3A_333, %add3A, %dma_start3A_334, %dma_start3A_335] : memref<1592x32x8x128xf32, #tpu.memory_space<hbm>> -> memref<8x1x8x128xf32, #tpu.memory_space<hbm>>
    tpu.enqueue_dma source(%arg14 : memref<8x1x8x128xf32, #tpu.memory_space<vmem>>) target(%dma_start3A_336 : memref<8x1x8x128xf32, #tpu.memory_space<hbm>>) target_semaphore(%arg23 : memref<!tpu.dma_semaphore, #tpu.memory_space<semaphore_mem>>)
    %dma_wait3A_337 = arith.constant 0 : i32
    %dma_wait3A_338 = arith.constant 0 : i32
    %dma_wait3A_339 = tpu.memref_slice %arg3[%dma_wait3A_337, %dma_wait3A_338] : memref<100000x64xf32, #tpu.memory_space<hbm>> -> memref<100000x64xf32, #tpu.memory_space<hbm>>
    tpu.wait_indirect_dma semaphore(%arg20 : memref<!tpu.dma_semaphore, #tpu.memory_space<semaphore_mem>>) src(%dma_wait3A_339 : memref<100000x64xf32, #tpu.memory_space<hbm>>) dst(%arg11 : memref<128x64xf32, #tpu.memory_space<vmem>>)
    %dma_wait3A_340 = arith.constant 1552 : i32
    %dma_wait3A_341 = arith.constant 0 : i32
    %dma_wait3A_342 = arith.constant 0 : i32
    %dma_wait3A_343 = tpu.memref_slice %arg5[%dma_wait3A_340, %add3A, %dma_wait3A_341, %dma_wait3A_342] : memref<1592x32x8x128xf32, #tpu.memory_space<hbm>> -> memref<8x1x8x128xf32, #tpu.memory_space<hbm>>
    %dma_wait3A_344 = arith.constant 1552 : i32
    %dma_wait3A_345 = arith.constant 0 : i32
    %dma_wait3A_346 = arith.constant 0 : i32
    %dma_wait3A_347 = tpu.memref_slice %arg5[%dma_wait3A_344, %add3A, %dma_wait3A_345, %dma_wait3A_346] : memref<1592x32x8x128xf32, #tpu.memory_space<hbm>> -> memref<8x1x8x128xf32, #tpu.memory_space<hbm>>
    tpu.wait_dma2 semaphore(%arg25 : memref<!tpu.dma_semaphore, #tpu.memory_space<semaphore_mem>>) src(%arg16 : memref<8x1x8x128xf32, #tpu.memory_space<vmem>>) dst(%dma_wait3A_347 : memref<8x1x8x128xf32, #tpu.memory_space<hbm>>)
    %iota3A_348 = tpu.iota {dimensions = array<i32: 0>} : vector<16xi32>
    %broadcast_in_dim3A_349 = arith.constant 197 : i32
    %broadcast_in_dim3A_350 = vector.broadcast %broadcast_in_dim3A_349 : i32 to vector<16xi32>
    %add3A_351 = arith.constant 0 : i32
    %add3A_352 = vector.broadcast %add3A_351 : i32 to vector<16xi32>
    %add3A_353 = arith.addi %iota3A_348, %add3A_352 : vector<16xi32>
    %add3A_354 = arith.constant 16 : i32
    %add3A_355 = vector.broadcast %add3A_354 : i32 to vector<16xi32>
    %add3A_356 = arith.addi %iota3A_348, %add3A_355 : vector<16xi32>
    %add3A_357 = arith.constant 32 : i32
    %add3A_358 = vector.broadcast %add3A_357 : i32 to vector<16xi32>
    %add3A_359 = arith.addi %iota3A_348, %add3A_358 : vector<16xi32>
    %add3A_360 = arith.constant 48 : i32
    %add3A_361 = vector.broadcast %add3A_360 : i32 to vector<16xi32>
    %add3A_362 = arith.addi %iota3A_348, %add3A_361 : vector<16xi32>
    %add3A_363 = arith.constant 64 : i32
    %add3A_364 = vector.broadcast %add3A_363 : i32 to vector<16xi32>
    %add3A_365 = arith.addi %iota3A_348, %add3A_364 : vector<16xi32>
    %add3A_366 = arith.constant 80 : i32
    %add3A_367 = vector.broadcast %add3A_366 : i32 to vector<16xi32>
    %add3A_368 = arith.addi %iota3A_348, %add3A_367 : vector<16xi32>
    %add3A_369 = arith.constant 96 : i32
    %add3A_370 = vector.broadcast %add3A_369 : i32 to vector<16xi32>
    %add3A_371 = arith.addi %iota3A_348, %add3A_370 : vector<16xi32>
    %add3A_372 = arith.constant 112 : i32
    %add3A_373 = vector.broadcast %add3A_372 : i32 to vector<16xi32>
    %add3A_374 = arith.addi %iota3A_348, %add3A_373 : vector<16xi32>
    %scan3A_375 = arith.constant 0 : i32
    %scan3A_376 = arith.constant 0 : i32
    %scan3A_377 = arith.constant 64 : i32
    %scan3A_378 = arith.addi %scan3A_376, %scan3A_377 : i32
    %scan3A_379 = arith.constant 1 : i32
    %scan3A_380 = scf.for %scan3A_467 = %scan3A_376 to %scan3A_378 step %scan3A_379 iter_args(%scan3A_468 = %scan3A_375) -> (i32)  : i32 {
      %shift_right_arithmetic3A = arith.constant 4 : i32
      %shift_right_arithmetic3A_469 = arith.shrsi %scan3A_467, %shift_right_arithmetic3A : i32
      %shift_left3A = arith.constant 4 : i32
      %shift_left3A_470 = arith.shli %shift_right_arithmetic3A_469, %shift_left3A : i32
      %add3A_471 = vector.broadcast %scan3A_467 : i32 to vector<16xi32>
      %add3A_472 = arith.addi %iota3A_348, %add3A_471 : vector<16xi32>
      %and3A = arith.constant 15 : i32
      %and3A_473 = vector.broadcast %and3A : i32 to vector<16xi32>
      %and3A_474 = arith.andi %add3A_472, %and3A_473 : vector<16xi32>
      %add3A_475 = vector.broadcast %shift_left3A_470 : i32 to vector<16xi32>
      %add3A_476 = arith.addi %add3A_475, %and3A_474 : vector<16xi32>
      %gather3A = tpu.vector_load_idx %arg18[%broadcast_in_dim3A_350, %add3A_476] : memref<199x64xf32, #tpu.memory_space<vmem>>[vector<16xi32>, vector<16xi32>], vector<16xf32>,
      %shift_right_arithmetic3A_477 = arith.constant 3 : i32
      %shift_right_arithmetic3A_478 = vector.broadcast %shift_right_arithmetic3A_477 : i32 to vector<16xi32>
      %shift_right_arithmetic3A_479 = arith.shrsi %add3A_476, %shift_right_arithmetic3A_478 : vector<16xi32>
      %and3A_480 = arith.constant 0 : i32
      %and3A_481 = vector.broadcast %and3A_480 : i32 to vector<16xi32>
      %and3A_482 = arith.andi %iota3A_348, %and3A_481 : vector<16xi32>
      %and3A_483 = arith.constant 7 : i32
      %and3A_484 = vector.broadcast %and3A_483 : i32 to vector<16xi32>
      %and3A_485 = arith.andi %add3A_476, %and3A_484 : vector<16xi32>
      %gather3A_486 = tpu.vector_load_idx %arg11[%add3A_353, %add3A_476] : memref<128x64xf32, #tpu.memory_space<vmem>>[vector<16xi32>, vector<16xi32>], vector<16xf32>,
      %add3A_487 = arith.addf %gather3A_486, %gather3A : vector<16xf32>
      tpu.vector_store_idx %arg15[%shift_right_arithmetic3A_479, %and3A_482, %and3A_485, %add3A_353], %add3A_487 : memref<8x1x8x128xf32, #tpu.memory_space<vmem>>[vector<16xi32>, vector<16xi32>, vector<16xi32>, vector<16xi32>], vector<16xf32>,
      %gather3A_488 = tpu.vector_load_idx %arg11[%add3A_356, %add3A_476] : memref<128x64xf32, #tpu.memory_space<vmem>>[vector<16xi32>, vector<16xi32>], vector<16xf32>,
      %add3A_489 = arith.addf %gather3A_488, %gather3A : vector<16xf32>
      tpu.vector_store_idx %arg15[%shift_right_arithmetic3A_479, %and3A_482, %and3A_485, %add3A_356], %add3A_489 : memref<8x1x8x128xf32, #tpu.memory_space<vmem>>[vector<16xi32>, vector<16xi32>, vector<16xi32>, vector<16xi32>], vector<16xf32>,
      %gather3A_490 = tpu.vector_load_idx %arg11[%add3A_359, %add3A_476] : memref<128x64xf32, #tpu.memory_space<vmem>>[vector<16xi32>, vector<16xi32>], vector<16xf32>,
      %add3A_491 = arith.addf %gather3A_490, %gather3A : vector<16xf32>
      tpu.vector_store_idx %arg15[%shift_right_arithmetic3A_479, %and3A_482, %and3A_485, %add3A_359], %add3A_491 : memref<8x1x8x128xf32, #tpu.memory_space<vmem>>[vector<16xi32>, vector<16xi32>, vector<16xi32>, vector<16xi32>], vector<16xf32>,
      %gather3A_492 = tpu.vector_load_idx %arg11[%add3A_362, %add3A_476] : memref<128x64xf32, #tpu.memory_space<vmem>>[vector<16xi32>, vector<16xi32>], vector<16xf32>,
      %add3A_493 = arith.addf %gather3A_492, %gather3A : vector<16xf32>
      tpu.vector_store_idx %arg15[%shift_right_arithmetic3A_479, %and3A_482, %and3A_485, %add3A_362], %add3A_493 : memref<8x1x8x128xf32, #tpu.memory_space<vmem>>[vector<16xi32>, vector<16xi32>, vector<16xi32>, vector<16xi32>], vector<16xf32>,
      %gather3A_494 = tpu.vector_load_idx %arg11[%add3A_365, %add3A_476] : memref<128x64xf32, #tpu.memory_space<vmem>>[vector<16xi32>, vector<16xi32>], vector<16xf32>,
      %add3A_495 = arith.addf %gather3A_494, %gather3A : vector<16xf32>
      tpu.vector_store_idx %arg15[%shift_right_arithmetic3A_479, %and3A_482, %and3A_485, %add3A_365], %add3A_495 : memref<8x1x8x128xf32, #tpu.memory_space<vmem>>[vector<16xi32>, vector<16xi32>, vector<16xi32>, vector<16xi32>], vector<16xf32>,
      %gather3A_496 = tpu.vector_load_idx %arg11[%add3A_368, %add3A_476] : memref<128x64xf32, #tpu.memory_space<vmem>>[vector<16xi32>, vector<16xi32>], vector<16xf32>,
      %add3A_497 = arith.addf %gather3A_496, %gather3A : vector<16xf32>
      tpu.vector_store_idx %arg15[%shift_right_arithmetic3A_479, %and3A_482, %and3A_485, %add3A_368], %add3A_497 : memref<8x1x8x128xf32, #tpu.memory_space<vmem>>[vector<16xi32>, vector<16xi32>, vector<16xi32>, vector<16xi32>], vector<16xf32>,
      %gather3A_498 = tpu.vector_load_idx %arg11[%add3A_371, %add3A_476] : memref<128x64xf32, #tpu.memory_space<vmem>>[vector<16xi32>, vector<16xi32>], vector<16xf32>,
      %add3A_499 = arith.addf %gather3A_498, %gather3A : vector<16xf32>
      tpu.vector_store_idx %arg15[%shift_right_arithmetic3A_479, %and3A_482, %and3A_485, %add3A_371], %add3A_499 : memref<8x1x8x128xf32, #tpu.memory_space<vmem>>[vector<16xi32>, vector<16xi32>, vector<16xi32>, vector<16xi32>], vector<16xf32>,
      %gather3A_500 = tpu.vector_load_idx %arg11[%add3A_374, %add3A_476] : memref<128x64xf32, #tpu.memory_space<vmem>>[vector<16xi32>, vector<16xi32>], vector<16xf32>,
      %add3A_501 = arith.addf %gather3A_500, %gather3A : vector<16xf32>
      tpu.vector_store_idx %arg15[%shift_right_arithmetic3A_479, %and3A_482, %and3A_485, %add3A_374], %add3A_501 : memref<8x1x8x128xf32, #tpu.memory_space<vmem>>[vector<16xi32>, vector<16xi32>, vector<16xi32>, vector<16xi32>], vector<16xf32>,
      %scan3A_502 = arith.constant 0 : i32
      scf.yield %scan3A_502 : i32
    }
    %scan3A_381 = arith.constant 64 : i32
    %dma_start3A_382 = arith.constant 1576 : i32
    %dma_start3A_383 = arith.constant 0 : i32
    %dma_start3A_384 = arith.constant 0 : i32
    %dma_start3A_385 = tpu.memref_slice %arg5[%dma_start3A_382, %add3A, %dma_start3A_383, %dma_start3A_384] : memref<1592x32x8x128xf32, #tpu.memory_space<hbm>> -> memref<8x1x8x128xf32, #tpu.memory_space<hbm>>
    %dma_start3A_386 = arith.constant 1576 : i32
    %dma_start3A_387 = arith.constant 0 : i32
    %dma_start3A_388 = arith.constant 0 : i32
    %dma_start3A_389 = tpu.memref_slice %arg5[%dma_start3A_386, %add3A, %dma_start3A_387, %dma_start3A_388] : memref<1592x32x8x128xf32, #tpu.memory_space<hbm>> -> memref<8x1x8x128xf32, #tpu.memory_space<hbm>>
    tpu.enqueue_dma source(%arg15 : memref<8x1x8x128xf32, #tpu.memory_space<vmem>>) target(%dma_start3A_389 : memref<8x1x8x128xf32, #tpu.memory_space<hbm>>) target_semaphore(%arg24 : memref<!tpu.dma_semaphore, #tpu.memory_space<semaphore_mem>>)
    %dma_wait3A_390 = arith.constant 0 : i32
    %dma_wait3A_391 = arith.constant 0 : i32
    %dma_wait3A_392 = tpu.memref_slice %arg3[%dma_wait3A_390, %dma_wait3A_391] : memref<100000x64xf32, #tpu.memory_space<hbm>> -> memref<100000x64xf32, #tpu.memory_space<hbm>>
    tpu.wait_indirect_dma semaphore(%arg21 : memref<!tpu.dma_semaphore, #tpu.memory_space<semaphore_mem>>) src(%dma_wait3A_392 : memref<100000x64xf32, #tpu.memory_space<hbm>>) dst(%arg12 : memref<128x64xf32, #tpu.memory_space<vmem>>)
    %dma_wait3A_393 = arith.constant 1560 : i32
    %dma_wait3A_394 = arith.constant 0 : i32
    %dma_wait3A_395 = arith.constant 0 : i32
    %dma_wait3A_396 = tpu.memref_slice %arg5[%dma_wait3A_393, %add3A, %dma_wait3A_394, %dma_wait3A_395] : memref<1592x32x8x128xf32, #tpu.memory_space<hbm>> -> memref<8x1x8x128xf32, #tpu.memory_space<hbm>>
    %dma_wait3A_397 = arith.constant 1560 : i32
    %dma_wait3A_398 = arith.constant 0 : i32
    %dma_wait3A_399 = arith.constant 0 : i32
    %dma_wait3A_400 = tpu.memref_slice %arg5[%dma_wait3A_397, %add3A, %dma_wait3A_398, %dma_wait3A_399] : memref<1592x32x8x128xf32, #tpu.memory_space<hbm>> -> memref<8x1x8x128xf32, #tpu.memory_space<hbm>>
    tpu.wait_dma2 semaphore(%arg26 : memref<!tpu.dma_semaphore, #tpu.memory_space<semaphore_mem>>) src(%arg17 : memref<8x1x8x128xf32, #tpu.memory_space<vmem>>) dst(%dma_wait3A_400 : memref<8x1x8x128xf32, #tpu.memory_space<hbm>>)
    %iota3A_401 = tpu.iota {dimensions = array<i32: 0>} : vector<16xi32>
    %broadcast_in_dim3A_402 = arith.constant 198 : i32
    %broadcast_in_dim3A_403 = vector.broadcast %broadcast_in_dim3A_402 : i32 to vector<16xi32>
    %add3A_404 = arith.constant 0 : i32
    %add3A_405 = vector.broadcast %add3A_404 : i32 to vector<16xi32>
    %add3A_406 = arith.addi %iota3A_401, %add3A_405 : vector<16xi32>
    %add3A_407 = arith.constant 16 : i32
    %add3A_408 = vector.broadcast %add3A_407 : i32 to vector<16xi32>
    %add3A_409 = arith.addi %iota3A_401, %add3A_408 : vector<16xi32>
    %add3A_410 = arith.constant 32 : i32
    %add3A_411 = vector.broadcast %add3A_410 : i32 to vector<16xi32>
    %add3A_412 = arith.addi %iota3A_401, %add3A_411 : vector<16xi32>
    %add3A_413 = arith.constant 48 : i32
    %add3A_414 = vector.broadcast %add3A_413 : i32 to vector<16xi32>
    %add3A_415 = arith.addi %iota3A_401, %add3A_414 : vector<16xi32>
    %add3A_416 = arith.constant 64 : i32
    %add3A_417 = vector.broadcast %add3A_416 : i32 to vector<16xi32>
    %add3A_418 = arith.addi %iota3A_401, %add3A_417 : vector<16xi32>
    %add3A_419 = arith.constant 80 : i32
    %add3A_420 = vector.broadcast %add3A_419 : i32 to vector<16xi32>
    %add3A_421 = arith.addi %iota3A_401, %add3A_420 : vector<16xi32>
    %add3A_422 = arith.constant 96 : i32
    %add3A_423 = vector.broadcast %add3A_422 : i32 to vector<16xi32>
    %add3A_424 = arith.addi %iota3A_401, %add3A_423 : vector<16xi32>
    %add3A_425 = arith.constant 112 : i32
    %add3A_426 = vector.broadcast %add3A_425 : i32 to vector<16xi32>
    %add3A_427 = arith.addi %iota3A_401, %add3A_426 : vector<16xi32>
    %scan3A_428 = arith.constant 0 : i32
    %scan3A_429 = arith.constant 0 : i32
    %scan3A_430 = arith.constant 64 : i32
    %scan3A_431 = arith.addi %scan3A_429, %scan3A_430 : i32
    %scan3A_432 = arith.constant 1 : i32
    %scan3A_433 = scf.for %scan3A_467 = %scan3A_429 to %scan3A_431 step %scan3A_432 iter_args(%scan3A_468 = %scan3A_428) -> (i32)  : i32 {
      %shift_right_arithmetic3A = arith.constant 4 : i32
      %shift_right_arithmetic3A_469 = arith.shrsi %scan3A_467, %shift_right_arithmetic3A : i32
      %shift_left3A = arith.constant 4 : i32
      %shift_left3A_470 = arith.shli %shift_right_arithmetic3A_469, %shift_left3A : i32
      %add3A_471 = vector.broadcast %scan3A_467 : i32 to vector<16xi32>
      %add3A_472 = arith.addi %iota3A_401, %add3A_471 : vector<16xi32>
      %and3A = arith.constant 15 : i32
      %and3A_473 = vector.broadcast %and3A : i32 to vector<16xi32>
      %and3A_474 = arith.andi %add3A_472, %and3A_473 : vector<16xi32>
      %add3A_475 = vector.broadcast %shift_left3A_470 : i32 to vector<16xi32>
      %add3A_476 = arith.addi %add3A_475, %and3A_474 : vector<16xi32>
      %gather3A = tpu.vector_load_idx %arg18[%broadcast_in_dim3A_403, %add3A_476] : memref<199x64xf32, #tpu.memory_space<vmem>>[vector<16xi32>, vector<16xi32>], vector<16xf32>,
      %shift_right_arithmetic3A_477 = arith.constant 3 : i32
      %shift_right_arithmetic3A_478 = vector.broadcast %shift_right_arithmetic3A_477 : i32 to vector<16xi32>
      %shift_right_arithmetic3A_479 = arith.shrsi %add3A_476, %shift_right_arithmetic3A_478 : vector<16xi32>
      %and3A_480 = arith.constant 0 : i32
      %and3A_481 = vector.broadcast %and3A_480 : i32 to vector<16xi32>
      %and3A_482 = arith.andi %iota3A_401, %and3A_481 : vector<16xi32>
      %and3A_483 = arith.constant 7 : i32
      %and3A_484 = vector.broadcast %and3A_483 : i32 to vector<16xi32>
      %and3A_485 = arith.andi %add3A_476, %and3A_484 : vector<16xi32>
      %gather3A_486 = tpu.vector_load_idx %arg12[%add3A_406, %add3A_476] : memref<128x64xf32, #tpu.memory_space<vmem>>[vector<16xi32>, vector<16xi32>], vector<16xf32>,
      %add3A_487 = arith.addf %gather3A_486, %gather3A : vector<16xf32>
      tpu.vector_store_idx %arg16[%shift_right_arithmetic3A_479, %and3A_482, %and3A_485, %add3A_406], %add3A_487 : memref<8x1x8x128xf32, #tpu.memory_space<vmem>>[vector<16xi32>, vector<16xi32>, vector<16xi32>, vector<16xi32>], vector<16xf32>,
      %gather3A_488 = tpu.vector_load_idx %arg12[%add3A_409, %add3A_476] : memref<128x64xf32, #tpu.memory_space<vmem>>[vector<16xi32>, vector<16xi32>], vector<16xf32>,
      %add3A_489 = arith.addf %gather3A_488, %gather3A : vector<16xf32>
      tpu.vector_store_idx %arg16[%shift_right_arithmetic3A_479, %and3A_482, %and3A_485, %add3A_409], %add3A_489 : memref<8x1x8x128xf32, #tpu.memory_space<vmem>>[vector<16xi32>, vector<16xi32>, vector<16xi32>, vector<16xi32>], vector<16xf32>,
      %gather3A_490 = tpu.vector_load_idx %arg12[%add3A_412, %add3A_476] : memref<128x64xf32, #tpu.memory_space<vmem>>[vector<16xi32>, vector<16xi32>], vector<16xf32>,
      %add3A_491 = arith.addf %gather3A_490, %gather3A : vector<16xf32>
      tpu.vector_store_idx %arg16[%shift_right_arithmetic3A_479, %and3A_482, %and3A_485, %add3A_412], %add3A_491 : memref<8x1x8x128xf32, #tpu.memory_space<vmem>>[vector<16xi32>, vector<16xi32>, vector<16xi32>, vector<16xi32>], vector<16xf32>,
      %gather3A_492 = tpu.vector_load_idx %arg12[%add3A_415, %add3A_476] : memref<128x64xf32, #tpu.memory_space<vmem>>[vector<16xi32>, vector<16xi32>], vector<16xf32>,
      %add3A_493 = arith.addf %gather3A_492, %gather3A : vector<16xf32>
      tpu.vector_store_idx %arg16[%shift_right_arithmetic3A_479, %and3A_482, %and3A_485, %add3A_415], %add3A_493 : memref<8x1x8x128xf32, #tpu.memory_space<vmem>>[vector<16xi32>, vector<16xi32>, vector<16xi32>, vector<16xi32>], vector<16xf32>,
      %gather3A_494 = tpu.vector_load_idx %arg12[%add3A_418, %add3A_476] : memref<128x64xf32, #tpu.memory_space<vmem>>[vector<16xi32>, vector<16xi32>], vector<16xf32>,
      %add3A_495 = arith.addf %gather3A_494, %gather3A : vector<16xf32>
      tpu.vector_store_idx %arg16[%shift_right_arithmetic3A_479, %and3A_482, %and3A_485, %add3A_418], %add3A_495 : memref<8x1x8x128xf32, #tpu.memory_space<vmem>>[vector<16xi32>, vector<16xi32>, vector<16xi32>, vector<16xi32>], vector<16xf32>,
      %gather3A_496 = tpu.vector_load_idx %arg12[%add3A_421, %add3A_476] : memref<128x64xf32, #tpu.memory_space<vmem>>[vector<16xi32>, vector<16xi32>], vector<16xf32>,
      %add3A_497 = arith.addf %gather3A_496, %gather3A : vector<16xf32>
      tpu.vector_store_idx %arg16[%shift_right_arithmetic3A_479, %and3A_482, %and3A_485, %add3A_421], %add3A_497 : memref<8x1x8x128xf32, #tpu.memory_space<vmem>>[vector<16xi32>, vector<16xi32>, vector<16xi32>, vector<16xi32>], vector<16xf32>,
      %gather3A_498 = tpu.vector_load_idx %arg12[%add3A_424, %add3A_476] : memref<128x64xf32, #tpu.memory_space<vmem>>[vector<16xi32>, vector<16xi32>], vector<16xf32>,
      %add3A_499 = arith.addf %gather3A_498, %gather3A : vector<16xf32>
      tpu.vector_store_idx %arg16[%shift_right_arithmetic3A_479, %and3A_482, %and3A_485, %add3A_424], %add3A_499 : memref<8x1x8x128xf32, #tpu.memory_space<vmem>>[vector<16xi32>, vector<16xi32>, vector<16xi32>, vector<16xi32>], vector<16xf32>,
      %gather3A_500 = tpu.vector_load_idx %arg12[%add3A_427, %add3A_476] : memref<128x64xf32, #tpu.memory_space<vmem>>[vector<16xi32>, vector<16xi32>], vector<16xf32>,
      %add3A_501 = arith.addf %gather3A_500, %gather3A : vector<16xf32>
      tpu.vector_store_idx %arg16[%shift_right_arithmetic3A_479, %and3A_482, %and3A_485, %add3A_427], %add3A_501 : memref<8x1x8x128xf32, #tpu.memory_space<vmem>>[vector<16xi32>, vector<16xi32>, vector<16xi32>, vector<16xi32>], vector<16xf32>,
      %scan3A_502 = arith.constant 0 : i32
      scf.yield %scan3A_502 : i32
    }
    %scan3A_434 = arith.constant 64 : i32
    %dma_start3A_435 = arith.constant 1584 : i32
    %dma_start3A_436 = arith.constant 0 : i32
    %dma_start3A_437 = arith.constant 0 : i32
    %dma_start3A_438 = tpu.memref_slice %arg5[%dma_start3A_435, %add3A, %dma_start3A_436, %dma_start3A_437] : memref<1592x32x8x128xf32, #tpu.memory_space<hbm>> -> memref<8x1x8x128xf32, #tpu.memory_space<hbm>>
    %dma_start3A_439 = arith.constant 1584 : i32
    %dma_start3A_440 = arith.constant 0 : i32
    %dma_start3A_441 = arith.constant 0 : i32
    %dma_start3A_442 = tpu.memref_slice %arg5[%dma_start3A_439, %add3A, %dma_start3A_440, %dma_start3A_441] : memref<1592x32x8x128xf32, #tpu.memory_space<hbm>> -> memref<8x1x8x128xf32, #tpu.memory_space<hbm>>
    tpu.enqueue_dma source(%arg16 : memref<8x1x8x128xf32, #tpu.memory_space<vmem>>) target(%dma_start3A_442 : memref<8x1x8x128xf32, #tpu.memory_space<hbm>>) target_semaphore(%arg25 : memref<!tpu.dma_semaphore, #tpu.memory_space<semaphore_mem>>)
    %dma_wait3A_443 = arith.constant 1568 : i32
    %dma_wait3A_444 = arith.constant 0 : i32
    %dma_wait3A_445 = arith.constant 0 : i32
    %dma_wait3A_446 = tpu.memref_slice %arg5[%dma_wait3A_443, %add3A, %dma_wait3A_444, %dma_wait3A_445] : memref<1592x32x8x128xf32, #tpu.memory_space<hbm>> -> memref<8x1x8x128xf32, #tpu.memory_space<hbm>>
    %dma_wait3A_447 = arith.constant 1568 : i32
    %dma_wait3A_448 = arith.constant 0 : i32
    %dma_wait3A_449 = arith.constant 0 : i32
    %dma_wait3A_450 = tpu.memref_slice %arg5[%dma_wait3A_447, %add3A, %dma_wait3A_448, %dma_wait3A_449] : memref<1592x32x8x128xf32, #tpu.memory_space<hbm>> -> memref<8x1x8x128xf32, #tpu.memory_space<hbm>>
    tpu.wait_dma2 semaphore(%arg23 : memref<!tpu.dma_semaphore, #tpu.memory_space<semaphore_mem>>) src(%arg14 : memref<8x1x8x128xf32, #tpu.memory_space<vmem>>) dst(%dma_wait3A_450 : memref<8x1x8x128xf32, #tpu.memory_space<hbm>>)
    %dma_wait3A_451 = arith.constant 1576 : i32
    %dma_wait3A_452 = arith.constant 0 : i32
    %dma_wait3A_453 = arith.constant 0 : i32
    %dma_wait3A_454 = tpu.memref_slice %arg5[%dma_wait3A_451, %add3A, %dma_wait3A_452, %dma_wait3A_453] : memref<1592x32x8x128xf32, #tpu.memory_space<hbm>> -> memref<8x1x8x128xf32, #tpu.memory_space<hbm>>
    %dma_wait3A_455 = arith.constant 1576 : i32
    %dma_wait3A_456 = arith.constant 0 : i32
    %dma_wait3A_457 = arith.constant 0 : i32
    %dma_wait3A_458 = tpu.memref_slice %arg5[%dma_wait3A_455, %add3A, %dma_wait3A_456, %dma_wait3A_457] : memref<1592x32x8x128xf32, #tpu.memory_space<hbm>> -> memref<8x1x8x128xf32, #tpu.memory_space<hbm>>
    tpu.wait_dma2 semaphore(%arg24 : memref<!tpu.dma_semaphore, #tpu.memory_space<semaphore_mem>>) src(%arg15 : memref<8x1x8x128xf32, #tpu.memory_space<vmem>>) dst(%dma_wait3A_458 : memref<8x1x8x128xf32, #tpu.memory_space<hbm>>)
    %dma_wait3A_459 = arith.constant 1584 : i32
    %dma_wait3A_460 = arith.constant 0 : i32
    %dma_wait3A_461 = arith.constant 0 : i32
    %dma_wait3A_462 = tpu.memref_slice %arg5[%dma_wait3A_459, %add3A, %dma_wait3A_460, %dma_wait3A_461] : memref<1592x32x8x128xf32, #tpu.memory_space<hbm>> -> memref<8x1x8x128xf32, #tpu.memory_space<hbm>>
    %dma_wait3A_463 = arith.constant 1584 : i32
    %dma_wait3A_464 = arith.constant 0 : i32
    %dma_wait3A_465 = arith.constant 0 : i32
    %dma_wait3A_466 = tpu.memref_slice %arg5[%dma_wait3A_463, %add3A, %dma_wait3A_464, %dma_wait3A_465] : memref<1592x32x8x128xf32, #tpu.memory_space<hbm>> -> memref<8x1x8x128xf32, #tpu.memory_space<hbm>>
    tpu.wait_dma2 semaphore(%arg25 : memref<!tpu.dma_semaphore, #tpu.memory_space<semaphore_mem>>) src(%arg16 : memref<8x1x8x128xf32, #tpu.memory_space<vmem>>) dst(%dma_wait3A_466 : memref<8x1x8x128xf32, #tpu.memory_space<hbm>>)
    return
  }
}

</mosaic_0001>

<sc_bundles>
// kernel: _run.3.cloned.1.call-start
scs
__scs_entry_jumppad:
0x0: {  	(pc) =	sbr.rel $0x88, $3  }
0x1: {  	(tag) =	ssettag $0x0;
	lr =	simm.s32 $0x1  }
0x2: {  	[smem:$0x3F9E] =	sst lr;
	_ =	strace $0xD0000000  }
0x3: {  	_ = 	snop  }
0x4: {  	_ = 	snop  }
0x5: {  	_ = 	snop  }
0x6: {  	_ = 	snop  }
0x7: {  	_ = 	snop  }
__scs_overlays_trampoline_lowered:
0x8: {  	[smem:$0x3FAD] =	sst s0  }
0x9: {  	[smem:$0x3FAE] =	sst s1  }
0xa: {  	[smem:$0x3FAF] =	sst s2  }
0xb: {  	[smem:$0x3FB0] =	sst s3  }
0xc: {  	[smem:$0x3FB1] =	sst s4  }
0xd: {  	[smem:$0x3FB2] =	sst s5  }
0xe: {  	[smem:$0x3FB3] =	sst s6  }
0xf: {  	[smem:$0x3FB4] =	sst s7  }
0x10: {  	[smem:$0x3FB5] =	sst s8  }
0x11: {  	[smem:$0x3FB6] =	sst s9;
	s0 =	simm.s32 @!p0 $0x0  }
0x12: {  	s1 =	sld [smem:$0x3F9C];
	s0 =	simm.s32 @p0 $0x1  }
0x13: {  	[smem:$0x3FB7] =	sst s0;
	s0 =	simm.s32 @!p1 $0x0  }
0x14: {  	s2 =	sld [smem:$0x3F9B];
	s0 =	simm.s32 @p1 $0x1  }
0x15: {  	[smem:$0x3FB8] =	sst s0;
	s0 =	simm.s32 @!p2 $0x0  }
0x16: {  	s3 =	sld [smem:$0x3FDB];
	s0 =	simm.s32 @p2 $0x1  }
0x17: {  	s4 =	simm.s32 $0x1BF5;
	[smem:$0x3FBA] =	sst s0  }
0x18: {  	s0 =	sld [smem:$0x3F9D];
	_ =	swait.ge [sflag:s4], $0x0  }
0x19: {  	s7 =	sld [smem:$0x3F9E]  }
0x1a: {  	s8 =	sadd.s32 $0xFFFFE003, lr  }
0x1b: {  	s9 =	sadd.s32 $0xFFFFFEF7, lr;
	s5 =	simm.s32 $0xFFFFFFFF;
	p2 =	slt.u32 s8, $0xFFFFF086  }
0x1c: {  	p1 =	slt.u32 s9, $0xF7A;
	s5 =	simm.s32 @!p2 $0x0  }
0x1d: {  	s5 =	simm.s32 @p1 $0x1;
	p0 =	seq.s32 s7, s2  }
0x1e: {  	s7 =	smul.u32 @!p0 $0xF7A, s2;
	p2 =	seq.s32 @!p0 s5, $0x0  }
0x1f: {  	s9 =	smul.u32 $0xF7A, s1;
	s8 =	simm.s32 @!p0 $0x1BF5;
	p2 =	por !p2, p0  }
0x20: {  	[sflag:s8] =	ssyncset.s32 @!p0 $0xFFFFF086;
	s6 =	sadd.s32 @!p0 s3, s7;
	s7 =	simm.s32 @!p0 $0x108  }
0x21: {  	s3 =	sadd.s32 s3, s9;
	s6 =	sadd.s32 @!p0 $0x88, s6;
	s7 =	simm.s32 @p2 $0x1082  }
0x22: {  	[simem:s7], [sflag:s8] =	dma.local @!p0 [hbm:s6], $0xF7A  }
0x23: {  	s9 =	sor.u32 $0xD0000000, s2;
	s6 =	simm.s32 $0x108;
	_ =	swait.ge @!p0 [sflag:s8], $0x0  }
0x24: {  	s3 =	sadd.s32 $0x88, s3;
	s6 =	simm.s32 @!p1 $0x1082;
	[sflag:s4] =	ssyncset.s32 $0xFFFFF086  }
0x25: {  	[simem:s6], [sflag:s4] =	dma.local [hbm:s3], $0xF7A  }
0x26: {  	[smem:$0x3F9E] =	sst s1;
	(tag) =	ssettag s2;
	_ =	strace s9  }
0x27: {  	s1 =	sld [smem:$0x3FAE]  }
0x28: {  	s2 =	sld [smem:$0x3FAF]  }
0x29: {  	s4 =	sld [smem:$0x3FB1]  }
0x2a: {  	p0 =	seq.s32 s5, $0x0;
	s5 =	sld [smem:$0x3FB2]  }
0x2b: {  	s6 =	sld [smem:$0x3FB3]  }
0x2c: {  	s7 =	sld [smem:$0x3FB4]  }
0x2d: {  	s3 =	simm.s32 $0x108;
	s8 =	sld [smem:$0x3FB5]  }
0x2e: {  	s3 =	simm.s32 @!p0 $0x1082;
	s9 =	sld [smem:$0x3FB6]  }
0x2f: {  	lr =	sadd.s32 s0, s3;
	s0 =	sld [smem:$0x3FAD]  }
0x30: {  	s3 =	sld [smem:$0x3FB0]  }
0x31: {  	[smem:$0x3FB9] =	sst s10  }
0x32: {  	s10 =	sld [smem:$0x3FB7];
	_ =	sdelay $0x3  }
0x33: {  	p0 =	seq.s32 s10, $0x1;
	s10 =	sld [smem:$0x3FB9];
	_ =	sdelay $0x3  }
0x34: {  	[smem:$0x3FB9] =	sst s10  }
0x35: {  	s10 =	sld [smem:$0x3FB8];
	_ =	sdelay $0x3  }
0x36: {  	p1 =	seq.s32 s10, $0x1;
	s10 =	sld [smem:$0x3FB9];
	_ =	sdelay $0x3  }
0x37: {  	[smem:$0x3FB9] =	sst s10  }
0x38: {  	s10 =	sld [smem:$0x3FBA]  }
0x39: {  	_ = 	snop;
	(pc) =	sbr.ind lr, $3  }
0x3a: {  	_ = 	snop  }
0x3b: {  	_ = 	snop  }
0x3c: {  	p2 =	seq.s32 s10, $0x1;
	s10 =	sld [smem:$0x3FB9]  }
0x3d: {  	_ =	shalt  }
0x3e: {  	_ =	shalt  }
0x3f: {  	_ =	shalt  }
0x40: {  	_ =	shalt  }
0x41: {  	_ =	shalt  }
0x42: {  	_ =	shalt  }
0x43: {  	_ =	shalt  }
0x44: {  	_ =	shalt  }
0x45: {  	_ =	shalt  }
0x46: {  	_ =	shalt  }
0x47: {  	_ =	shalt  }
0x48: {  	_ =	shalt  }
0x49: {  	_ =	shalt  }
0x4a: {  	_ =	shalt  }
0x4b: {  	_ =	shalt  }
0x4c: {  	_ =	shalt  }
0x4d: {  	_ =	shalt  }
0x4e: {  	_ =	shalt  }
0x4f: {  	_ =	shalt  }
0x50: {  	_ =	shalt  }
0x51: {  	_ =	shalt  }
0x52: {  	_ =	shalt  }
0x53: {  	_ =	shalt  }
0x54: {  	_ =	shalt  }
0x55: {  	_ =	shalt  }
0x56: {  	_ =	shalt  }
0x57: {  	_ =	shalt  }
0x58: {  	_ =	shalt  }
0x59: {  	_ =	shalt  }
0x5a: {  	_ =	shalt  }
0x5b: {  	_ =	shalt  }
0x5c: {  	_ =	shalt  }
0x5d: {  	_ =	shalt  }
0x5e: {  	_ =	shalt  }
0x5f: {  	_ =	shalt  }
0x60: {  	_ =	shalt  }
0x61: {  	_ =	shalt  }
0x62: {  	_ =	shalt  }
0x63: {  	_ =	shalt  }
0x64: {  	_ =	shalt  }
0x65: {  	_ =	shalt  }
0x66: {  	_ =	shalt  }
0x67: {  	_ =	shalt  }
0x68: {  	_ =	shalt  }
0x69: {  	_ =	shalt  }
0x6a: {  	_ =	shalt  }
0x6b: {  	_ =	shalt  }
0x6c: {  	_ =	shalt  }
0x6d: {  	_ =	shalt  }
0x6e: {  	_ =	shalt  }
0x6f: {  	_ =	shalt  }
0x70: {  	_ =	shalt  }
0x71: {  	_ =	shalt  }
0x72: {  	_ =	shalt  }
0x73: {  	_ =	shalt  }
0x74: {  	_ =	shalt  }
0x75: {  	_ =	shalt  }
0x76: {  	_ =	shalt  }
0x77: {  	_ =	shalt  }
0x78: {  	_ =	shalt  }
0x79: {  	_ =	shalt  }
0x7a: {  	_ =	shalt  }
0x7b: {  	_ =	shalt  }
0x7c: {  	_ =	shalt  }
0x7d: {  	_ =	shalt  }
0x7e: {  	_ =	shalt  }
0x7f: {  	_ =	shalt  }
0x80: {  	_ =	shalt  }
0x81: {  	_ =	shalt  }
0x82: {  	_ =	shalt  }
0x83: {  	_ =	shalt  }
0x84: {  	_ =	shalt  }
0x85: {  	_ =	shalt  }
0x86: {  	_ =	shalt  }
0x87: {  	_ =	shalt  }
.Lfunc_end0:
.L_simem_size_0:
called_computation_lowered:
.L_overlay_start_0:
0x88: {  	s2 =	sld [smem:$0x3FD9]  }
0x89: {  	s3 =	sld [smem:$0x3FFE];
	_ =	sdelay $0x1  }
0x8a: {  	s1 =	srdreg.scid  }
0x8b: {  	s0 =	sand.u32 $0x1, s1  }
0x8c: {  	s17 =	sshll.u32 s0, $0xA;
	s2 =	sadd.s32 s3, s2  }
0x8d: {  	s2 =	sadd.s32 s2, s17  }
0x8e: {  	[smem:$0x3FC5] =	sst s2  }
0x8f: {  	_ = 	snop  }
0x90: {  	s2 =	sld [smem:$0x3FD0];
	(tm) =	ssettm $0x1  }
0x91: {  	s18 =	sld [smem:$0x3FFB];
	_ =	sdelay $0x3  }
0x92: {  	_ =	strace s18  }
0x93: {  	s3 =	sld [smem:$0x3FFC];
	_ =	sdelay $0x3  }
0x94: {  	_ =	strace s3  }
0x95: {  	s3 =	sld [smem:$0x3FFD];
	_ =	sdelay $0x3  }
0x96: {  	_ =	strace s3  }
0x97: {  	_ =	strace $0x8FFFFFFF  }
0x98: {  	s19 =	sld [smem:$0x3FDB];
	_ =	sdelay $0x1  }
0x99: {  	s4 =	simm.s32 $_scs_section_size  }
0x9a: {  	s5 =	simm.s32 $_size__tile_overlayer_lowered;
	s6 =	simm.s32 $_tile_overlayer_lowered  }
0x9b: {  	s22 =	simm.s32 $0x1BFF;
	s21 =	sshll.u32 s6, $0x1;
	s3 =	sadd.s32 s4, s19  }
0x9c: {  	s7 =	simm.s32 $0x0;
	s20 =	sshll.u32 s5, $0x1;
	s5 =	sadd.s32 s21, s3  }
0x9d: {  	[timem:s7], [sflag:s22] =	dma.local [hbm:s5], s20  }
0x9e: {  	_ =	swait.ge [sflag:s22], s20  }
0x9f: {  	s4 =	ssub.s32 $0x0, s20;
	[sflag:s22] =	ssyncset.done $0x0  }
0xa0: {  	[sflag:s22] =	ssyncadd.s32 s4;
	_ =	sdelay $0x1  }
0xa1: {  	s23 =	simm.s32 $0x1B8B  }
0xa2: {  	_ =	swait.ge [sflag:s23], $0x1  }
0xa3: {  	[sflag:s23] =	ssyncset.done $0x0  }
0xa4: {  	s25 =	simm.s32 $0x1B8E;
	s24 =	sld [smem:$0x3FFE];
	[sflag:s23] =	ssyncadd.s32 $0xFFFFFFFF  }
0xa5: {  	s26 =	simm.s32 $execute0_lowered;
	[smem:$0x3FD2] =	sst s25  }
0xa6: {  	s5 =	sshll.u32 s26, $0x1;
	_ =	strace $0x80000046;
	[dreg:$0x1] =	wrdreg $0xFFFFFFFF  }
0xa7: {  	s28 =	simm.s32 $_size_execute0_lowered;
	s3 =	sadd.s32 s3, s5;
	[dreg:$0x0] =	wrdreg $0x0  }
0xa8: {  	s5 =	sshll.u32 s28, $0x1;
	[dreg:$0x2] =	wrdreg s3  }
0xa9: {  	[dreg:$0x3] =	wrdreg s5  }
0xaa: {  	[dreg:$0x4] =	wrdreg $0xC0  }
0xab: {  	_ =	task [dreg:s7], $0x5FFFF  }
0xac: {  	[dreg:$0x1] =	wrdreg $0xFFFFFFFF  }
0xad: {  	[dreg:$0x0] =	wrdreg $0x60  }
0xae: {  	[dreg:$0x2] =	wrdreg s24  }
0xaf: {  	[dreg:$0x3] =	wrdreg s2  }
0xb0: {  	[dreg:$0x4] =	wrdreg $0x9  }
0xb1: {  	_ =	task.clear_ibuf [dreg:s7], $0x5FFFF;
	_ =	strace $0x90000046  }
0xb2: {  	s29 =	simm.s32 $0x9;
	_ =	strace $0x80000048  }
0xb3: {  	_ =	swait.ge [sflag:s29], $0x1  }
0xb4: {  	[sflag:s29] =	ssyncadd.s32 $0xFFFFFFFF  }
0xb5: {  	_ =	strace $0x90000048  }
0xb6: {  	_ =	sfence  }
0xb7: {  	s30 =	sld [smem:$0x0];
	_ =	sdelay $0x2  }
0xb8: {  	s31 =	sshll.u32 s1, $0xD;
	s1 =	sshrl.u32 s1, $0x2  }
0xb9: {  	s3 =	sand.u32 $0x4000, s31;
	s1 =	sadd.s32 s1, s30  }
0xba: {  	s0 =	sor.u32 s3, s0;
	s1 =	sshll.u32 s1, $0x11  }
0xbb: {  	s0 =	sor.u32 s1, s0  }
0xbc: {  	s0 =	sadd.s32 $0x8F2B, s0  }
0xbd: {  	[sflag:s0] =	ssyncadd.remote.s32 $0x1  }
0xbe: {  	_ =	sfence.sel $0xFFFF  }
0xbf: {  	[dreg:$0x0] =	wrdreg $0xFFFFFFFF;
	(pc) =	sbr.abs _section_cstart, $3  }
0xc0: {  	[dreg:$0x1] =	wrdreg $0xFFFFFFFF  }
0xc1: {  	_ =	task.clear_ibuf [dreg:s7], $0x2FFFF;
	_ =	strace $0x9FFFFFFF  }
0xc2: {  	(tm) =	ssettm $0x7FFFFFFF  }
0xc3: {  	_ =	shalt  }
tec
execute0_lowered:
.L_overlay_start_1:
0x0: {  	(tag) =	ssettag $0x1  }
0x1: {  	s0 =	rddreg [dreg:$0x0]  }
0x2: {  	s1 =	rddreg [dreg:$0x1];
	s2 =	simm.s32 $0x0;
	s7 =	srdreg.scid  }
0x3: {  	s3 =	stileid.u32;
	[smem:$0x7FF] =	sst s2  }
0x4: {  	s2 =	sand.u32 $0x1, s7;
	s3 =	sshll.u32 s3, $0x1;
	s4 =	sadd.s32 $0xC00, s0  }
0x5: {  	s5 =	sadd.s32 $0x19A00, s0;
	s6 =	ssub.s32 $0x2, s2;
	s2 =	sor.u32 s2, s3  }
0x6: {  	s0 =	sadd.s32 $0x400, s0;
	_ =	strace $0x80000047;
	s7 =	sshll.u32 s2, $0x4  }
0x7: {  	[dreg:$0x3] =	wrdreg s0;
	s11 =	sshll.u32 s2, $0x7;
	s10 =	sadd.s32 s4, s7  }
0x8: {  	s20 =	sor.u32 $0x7000, s11;
	[dreg:$0x4] =	wrdreg s10  }
0x9: {  	s21 =	sor.u32 $0x8000, s11;
	[dreg:$0xe] =	wrdreg s20  }
0xa: {  	s22 =	sor.u32 $0x9000, s11;
	[dreg:$0xf] =	wrdreg s21  }
0xb: {  	s28 =	simm.s32 $0x80;
	s23 =	sor.u32 $0xA000, s11;
	[dreg:$0x10] =	wrdreg s22  }
0xc: {  	s30 =	simm.s32 $0x10200;
	s15 =	sadd.s32 s1, s11;
	[dreg:$0x11] =	wrdreg s23  }
0xd: {  	s31 =	simm.s32 $0x5;
	s7 =	sadd.s32 $0x200, s10;
	[dreg:$0x9] =	wrdreg s15  }
0xe: {  	s3 =	simm.s32 $0xE200;
	s12 =	sadd.s32 $0x400, s10;
	[dreg:$0x5] =	wrdreg s7  }
0xf: {  	s8 =	sshrl.u32 s6, $0x1;
	s13 =	sadd.s32 $0x600, s10;
	[dreg:$0x6] =	wrdreg s12  }
0x10: {  	s9 =	ssub.s32 s6, s8;
	s14 =	sadd.s32 $0x800, s10;
	[dreg:$0x7] =	wrdreg s13  }
0x11: {  	s8 =	simm.s32 $0x180;
	s16 =	sadd.s32 $0xA00, s10;
	[dreg:$0x8] =	wrdreg s14  }
0x12: {  	s11 =	simm.s32 $0x4200;
	s17 =	sadd.s32 $0x8000, s15;
	[dreg:$0xa] =	wrdreg s16  }
0x13: {  	s6 =	simm.s32 $0x0;
	s18 =	sadd.s32 $0xC00, s10;
	[dreg:$0xb] =	wrdreg s17  }
0x14: {  	s19 =	sadd.s32 $0x10000, s15;
	s24 =	sadd.s32 $0x618000, s15;
	[dreg:$0xc] =	wrdreg s18  }
0x15: {  	s25 =	sadd.s32 $0x620000, s15;
	s26 =	sadd.s32 $0x628000, s15;
	[dreg:$0xd] =	wrdreg s19  }
0x16: {  	s0 =	smax.u32 s9, $0x1;
	s29 =	sadd.s32 $0x630000, s15;
	[dreg:$0x12] =	wrdreg s24  }
0x17: {  	s20 =	simm.s32 $0x100;
	s9 =	simm.s32 $0x2200;
	[dreg:$0x13] =	wrdreg s25  }
0x18: {  	v0 =	vlaneseq.u32;
	s10 =	simm.s32 $0xB;
	s22 =	simm.s32 $0x400;
	[dreg:$0x14] =	wrdreg s26  }
0x19: {  	v1 =	vmul.u32 $0x40, v0;
	v3 =	vor.u32 $0x10, v0;
	v5 =	vor.u32 $0x20, v0;
	s23 =	simm.s32 $0x8000;
	s21 =	simm.s32 $0x0;
	[dreg:$0x15] =	wrdreg s0  }
0x1a: {  	v7 =	vor.u32 $0x30, v0;
	v9 =	vor.u32 $0x40, v0;
	v11 =	vor.u32 $0x50, v0;
	s13 =	sshll.u32 s2, $0xA;
	[dreg:$0x16] =	wrdreg s29;
	s2 =	simm.s32 $0x200  }
0x1b: {  	v13 =	vor.u32 $0x60, v0;
	v15 =	vor.u32 $0x70, v0;
	v2 =	vor.u32 $0x400, v1;
	s14 =	simm.s32 $0x1;
	s16 =	simm.s32 $0x6200;
	s17 =	simm.s32 $0x8200  }
0x1c: {  	v4 =	vor.u32 $0x800, v1;
	v6 =	vor.u32 $0xC00, v1;
	v8 =	vor.u32 $0x1000, v1;
	s24 =	simm.s32 $0x2;
	s25 =	simm.s32 $0xA200;
	s26 =	simm.s32 $0x3  }
0x1d: {  	v10 =	vor.u32 $0x1400, v1;
	v12 =	vor.u32 $0x1800, v1;
	v14 =	vor.u32 $0x1C00, v1;
	s7 =	simm.s32 $0xC200;
	s18 =	simm.s32 $0x6;
	s19 =	simm.s32 $0x7  }
.LBB2_1:
0x1e: {  	[dreg:$0x17] =	wrdreg s6  }
0x1f: {  	s6 =	simm.s32 $0x0;
	s0 =	rddreg [dreg:$0x4]  }
0x20: {  	[tilespmem:s6], [sflag:$0x9] =	stream.linear.gather [hbm4b:s0+s6], $0x80, $0x38;
	[tilespmem:$0x133C0] =	vst v63  }
0x21: {  	s15 =	rddreg [dreg:$0x5]  }
0x22: {  	[tilespmem:s28], [sflag:$0xA] =	stream.linear.gather [hbm4b:s15+s6], $0x80, $0x38;
	[tilespmem:$0x133C0] =	vst v63  }
0x23: {  	s29 =	rddreg [dreg:$0x6]  }
0x24: {  	[tilespmem:s20], [sflag:$0xB] =	stream.linear.gather [hbm4b:s29+s6], $0x80, $0x38;
	[tilespmem:$0x133C0] =	vst v63  }
0x25: {  	s12 =	rddreg [dreg:$0x3];
	s15 =	simm.s32 $0xD  }
0x26: {  	[tilespmem:s30], [sflag:$0xD] =	stream.linear.gather [hbm4b:s12+s6], $0x31C0, $0x38;
	[tilespmem:$0x133C0] =	vst v63  }
0x27: {  	_ =	swait.ge [sflag:s15], $0x31C0  }
0x28: {  	[sflag:s15] =	ssyncset.done $0x0  }
0x29: {  	s29 =	simm.s32 $0x9;
	[sflag:s15] =	ssyncadd.s32 $0xFFFFCE40  }
0x2a: {  	_ =	swait.ge [sflag:s29], $0x80  }
0x2b: {  	[sflag:s29] =	ssyncset.done $0x0  }
0x2c: {  	[sflag:s29] =	ssyncadd.s32 $0xFFFFFF80  }
0x2d: {  	[tilespmem:s2], [sflag:$0x1] =	stream.indirect.gather [hbm4b:s5+s28], $0x40, s6, s28, $0xb8;
	[tilespmem:$0x133C0] =	vst v63  }
0x2e: {  	s15 =	simm.s32 $0xA;
	s12 =	rddreg [dreg:$0x7]  }
0x2f: {  	[tilespmem:s8], [sflag:$0xC] =	stream.linear.gather [hbm4b:s12+s6], $0x80, $0x38;
	[tilespmem:$0x133C0] =	vst v63  }
0x30: {  	_ =	swait.ge [sflag:s15], $0x80  }
0x31: {  	[sflag:s15] =	ssyncset.done $0x0  }
0x32: {  	[sflag:s15] =	ssyncadd.s32 $0xFFFFFF80  }
0x33: {  	[tilespmem:s9], [sflag:$0x2] =	stream.indirect.gather [hbm4b:s5+s28], $0x40, s28, s28, $0xb8;
	[tilespmem:$0x133C0] =	vst v63  }
0x34: {  	_ =	swait.ge [sflag:s10], $0x80  }
0x35: {  	[sflag:s10] =	ssyncset.done $0x0  }
0x36: {  	[sflag:s10] =	ssyncadd.s32 $0xFFFFFF80  }
0x37: {  	v16 =	vadd.s32 s6, v0;
	[tilespmem:s11], [sflag:$0x3] =	stream.indirect.gather [hbm4b:s5+s28], $0x40, s20, s28, $0xb8;
	[tilespmem:$0x133C0] =	vst v63  }
0x38: {  	v17 =	vand.u32 $0xF, v16;
	s29 =	sand.u32 $0x30, s6;
	_ =	swait.ge [sflag:s14], $0x2000  }
0x39: {  	v17 =	vor.u32 s29, v17;
	[sflag:s14] =	ssyncset.done $0x0  }
0x3a: {  	v19 =	vand.u32 $0x7, v16;
	v18 =	vand.u32 $0x38, v17;
	s15 =	simm.s32 $0xC;
	s12 =	rddreg [dreg:$0x8];
	[sflag:s14] =	ssyncadd.s32 $0xFFFFE000  }
0x3b: {  	v18 =	vor.u32 v19, v18;
	[tilespmem:s6], [sflag:$0x9] =	stream.linear.gather [hbm4b:s12+s6], $0x80, $0x38;
	[tilespmem:$0x133C0] =	vst v63  }
0x3c: {  	v19 =	vor.u32 v1, v18;
	_ =	swait.ge [sflag:s15], $0x80  }
0x3d: {  	[sflag:s15] =	ssyncset.done $0x0  }
0x3e: {  	[sflag:s15] =	ssyncadd.s32 $0xFFFFFF80  }
0x3f: {  	[tilespmem:s16], [sflag:$0x4] =	stream.indirect.gather [hbm4b:s5+s28], $0x40, s8, s28, $0xb8;
	[tilespmem:$0x133C0] =	vst v63  }
0x40: {  	v16 =	vshll.u32 v16, $0x7;
	v17 =	vshll.u32 v17, $0x7;
	v20 =	vld.idx.msk [tilespmem:v18+s30+$0x0], $0xffff  }
0x41: {  	v16 =	vand.u32 $0x380, v16;
	v17 =	vand.u32 $0x1C00, v17;
	v19 =	vld.idx.msk [tilespmem:v19+s2+$0x0], $0xffff  }
0x42: {  	v16 =	vor.u32 v16, v17  }
0x43: {  	v17 =	vor.u32 v0, v16  }
0x44: {  	v21 =	vor.u32 v2, v18;
	_ =	sdelay $0x1  }
0x45: {  	v19 =	vadd.f32 v19, v20;
	_ =	sdelay $0x1  }
0x46: {  	[tilespmem:v17+s17+$0x0] =	vst.idx.msk $0xffff, v19  }
0x47: {  	v17 =	vld.idx.msk [tilespmem:v21+s2+$0x0], $0xffff;
	_ =	sdelay $0x1  }
0x48: {  	v19 =	vor.u32 v3, v16  }
0x49: {  	v21 =	vor.u32 v4, v18;
	_ =	sdelay $0x1  }
0x4a: {  	v17 =	vadd.f32 v17, v20;
	_ =	sdelay $0x1  }
0x4b: {  	[tilespmem:v19+s17+$0x0] =	vst.idx.msk $0xffff, v17  }
0x4c: {  	v17 =	vld.idx.msk [tilespmem:v21+s2+$0x0], $0xffff;
	_ =	sdelay $0x1  }
0x4d: {  	v19 =	vor.u32 v5, v16  }
0x4e: {  	v21 =	vor.u32 v6, v18;
	_ =	sdelay $0x1  }
0x4f: {  	v17 =	vadd.f32 v17, v20;
	_ =	sdelay $0x1  }
0x50: {  	[tilespmem:v19+s17+$0x0] =	vst.idx.msk $0xffff, v17  }
0x51: {  	v17 =	vld.idx.msk [tilespmem:v21+s2+$0x0], $0xffff;
	_ =	sdelay $0x1  }
0x52: {  	v19 =	vor.u32 v7, v16  }
0x53: {  	v21 =	vor.u32 v8, v18;
	_ =	sdelay $0x1  }
0x54: {  	v17 =	vadd.f32 v17, v20;
	_ =	sdelay $0x1  }
0x55: {  	[tilespmem:v19+s17+$0x0] =	vst.idx.msk $0xffff, v17  }
0x56: {  	v17 =	vld.idx.msk [tilespmem:v21+s2+$0x0], $0xffff;
	_ =	sdelay $0x1  }
0x57: {  	v19 =	vor.u32 v9, v16  }
0x58: {  	v21 =	vor.u32 v10, v18;
	_ =	sdelay $0x1  }
0x59: {  	v17 =	vadd.f32 v17, v20;
	_ =	sdelay $0x1  }
0x5a: {  	[tilespmem:v19+s17+$0x0] =	vst.idx.msk $0xffff, v17  }
0x5b: {  	v17 =	vld.idx.msk [tilespmem:v21+s2+$0x0], $0xffff;
	_ =	sdelay $0x1  }
0x5c: {  	v19 =	vor.u32 v11, v16  }
0x5d: {  	v21 =	vor.u32 v12, v18;
	_ =	sdelay $0x1  }
0x5e: {  	v17 =	vadd.f32 v17, v20;
	_ =	sdelay $0x1  }
0x5f: {  	[tilespmem:v19+s17+$0x0] =	vst.idx.msk $0xffff, v17  }
0x60: {  	v17 =	vld.idx.msk [tilespmem:v21+s2+$0x0], $0xffff;
	_ =	sdelay $0x1  }
0x61: {  	v19 =	vor.u32 v13, v16  }
0x62: {  	v18 =	vor.u32 v14, v18;
	_ =	sdelay $0x1  }
0x63: {  	v17 =	vadd.f32 v17, v20  }
0x64: {  	s29 =	simm.s32 $0x1  }
0x65: {  	[tilespmem:v19+s17+$0x0] =	vst.idx.msk $0xffff, v17;
	v17 =	vadd.s32 s29, v0  }
0x66: {  	s0 =	sand.u32 $0x30, s29;
	v21 =	vld.idx.msk [tilespmem:v18+s2+$0x0], $0xffff;
	v18 =	vand.u32 $0xF, v17  }
0x67: {  	v19 =	vshll.u32 v17, $0x7;
	v22 =	vor.u32 s0, v18  }
0x68: {  	v17 =	vand.u32 $0x7, v17;
	v18 =	vor.u32 v15, v16;
	v16 =	vand.u32 $0x38, v22  }
0x69: {  	v22 =	vshll.u32 v22, $0x7;
	v17 =	vor.u32 v17, v16  }
0x6a: {  	v16 =	vand.u32 $0x1C00, v22;
	v22 =	vand.u32 $0x380, v19;
	v19 =	vor.u32 v1, v17  }
0x6b: {  	s6 =	simm.s32 $0x2;
	v16 =	vor.u32 v22, v16;
	v20 =	vadd.f32 v21, v20  }
.LBB2_2:
0x6c: {  	_ = 	snop  }
0x6d: {  	p0 =	sne.s32 s6, $0x3F;
	s12 =	smov.u32 s6;
	s6 =	sadd.s32 $0x1, s6;
	[tilespmem:v18+s17+$0x0] =	vst.idx.msk $0xffff, v20  }
0x6e: {  	v20 =	vld.idx.msk [tilespmem:v17+s30+$0x0], $0xffff  }
0x6f: {  	v18 =	vld.idx.msk [tilespmem:v19+s2+$0x0], $0xffff;
	_ =	sdelay $0x2  }
0x70: {  	v19 =	vor.u32 v0, v16  }
0x71: {  	v21 =	vor.u32 v2, v17;
	_ =	sdelay $0x1  }
0x72: {  	v18 =	vadd.f32 v18, v20;
	_ =	sdelay $0x1  }
0x73: {  	[tilespmem:v19+s17+$0x0] =	vst.idx.msk $0xffff, v18  }
0x74: {  	v18 =	vld.idx.msk [tilespmem:v21+s2+$0x0], $0xffff;
	_ =	sdelay $0x2  }
0x75: {  	v19 =	vor.u32 v3, v16  }
0x76: {  	v21 =	vor.u32 v4, v17;
	_ =	sdelay $0x1  }
0x77: {  	v18 =	vadd.f32 v18, v20;
	_ =	sdelay $0x1  }
0x78: {  	[tilespmem:v19+s17+$0x0] =	vst.idx.msk $0xffff, v18  }
0x79: {  	v18 =	vld.idx.msk [tilespmem:v21+s2+$0x0], $0xffff;
	_ =	sdelay $0x2  }
0x7a: {  	v19 =	vor.u32 v5, v16  }
0x7b: {  	v21 =	vor.u32 v6, v17;
	_ =	sdelay $0x1  }
0x7c: {  	v18 =	vadd.f32 v18, v20;
	_ =	sdelay $0x1  }
0x7d: {  	[tilespmem:v19+s17+$0x0] =	vst.idx.msk $0xffff, v18  }
0x7e: {  	v18 =	vld.idx.msk [tilespmem:v21+s2+$0x0], $0xffff;
	_ =	sdelay $0x2  }
0x7f: {  	v19 =	vor.u32 v7, v16  }
0x80: {  	v21 =	vor.u32 v8, v17;
	_ =	sdelay $0x1  }
0x81: {  	v18 =	vadd.f32 v18, v20;
	_ =	sdelay $0x1  }
0x82: {  	[tilespmem:v19+s17+$0x0] =	vst.idx.msk $0xffff, v18  }
0x83: {  	v18 =	vld.idx.msk [tilespmem:v21+s2+$0x0], $0xffff;
	_ =	sdelay $0x2  }
0x84: {  	v19 =	vor.u32 v9, v16  }
0x85: {  	v21 =	vor.u32 v10, v17;
	_ =	sdelay $0x1  }
0x86: {  	v18 =	vadd.f32 v18, v20;
	_ =	sdelay $0x1  }
0x87: {  	[tilespmem:v19+s17+$0x0] =	vst.idx.msk $0xffff, v18  }
0x88: {  	v18 =	vld.idx.msk [tilespmem:v21+s2+$0x0], $0xffff;
	_ =	sdelay $0x2  }
0x89: {  	v19 =	vor.u32 v11, v16  }
0x8a: {  	v21 =	vor.u32 v12, v17;
	_ =	sdelay $0x1  }
0x8b: {  	v18 =	vadd.f32 v18, v20;
	_ =	sdelay $0x1  }
0x8c: {  	[tilespmem:v19+s17+$0x0] =	vst.idx.msk $0xffff, v18  }
0x8d: {  	v18 =	vld.idx.msk [tilespmem:v21+s2+$0x0], $0xffff;
	_ =	sdelay $0x2  }
0x8e: {  	v19 =	vor.u32 v13, v16  }
0x8f: {  	v17 =	vor.u32 v14, v17;
	_ =	sdelay $0x1  }
0x90: {  	v18 =	vadd.f32 v18, v20;
	_ =	sdelay $0x1  }
0x91: {  	[tilespmem:v19+s17+$0x0] =	vst.idx.msk $0xffff, v18  }
0x92: {  	v19 =	vadd.s32 s12, v0;
	v21 =	vld.idx.msk [tilespmem:v17+s2+$0x0], $0xffff  }
0x93: {  	s0 =	sand.u32 $0x30, s12;
	v17 =	vand.u32 $0xF, v19;
	v22 =	vshll.u32 v19, $0x7  }
.Ltmp0:
0x94: {  	v18 =	vor.u32 v15, v16;
	v17 =	vor.u32 s0, v17;
	(pc) =	sbr.rel @p0 .LBB2_2-.Ltmp0, $4  }
0x95: {  	v19 =	vand.u32 $0x7, v19;
	v16 =	vand.u32 $0x38, v17;
	v23 =	vshll.u32 v17, $0x7  }
0x96: {  	v22 =	vand.u32 $0x380, v22;
	v17 =	vor.u32 v19, v16;
	v16 =	vand.u32 $0x1C00, v23  }
0x97: {  	v19 =	vor.u32 v1, v17;
	v16 =	vor.u32 v22, v16  }
0x98: {  	v20 =	vadd.f32 v21, v20  }
0x99: {  	_ =	sdelay $0x3  }
0x9a: {  	[tilespmem:v18+s17+$0x0] =	vst.idx.msk $0xffff, v20  }
0x9b: {  	v18 =	vld.idx.msk [tilespmem:v17+s30+$0x0], $0xffff  }
0x9c: {  	v19 =	vld.idx.msk [tilespmem:v19+s2+$0x0], $0xffff;
	_ =	sdelay $0x1  }
0x9d: {  	v20 =	vor.u32 v0, v16  }
0x9e: {  	v21 =	vor.u32 v2, v17;
	_ =	sdelay $0x1  }
0x9f: {  	v19 =	vadd.f32 v19, v18;
	_ =	sdelay $0x1  }
0xa0: {  	[tilespmem:v20+s17+$0x0] =	vst.idx.msk $0xffff, v19  }
0xa1: {  	v19 =	vld.idx.msk [tilespmem:v21+s2+$0x0], $0xffff;
	_ =	sdelay $0x1  }
0xa2: {  	v20 =	vor.u32 v3, v16  }
0xa3: {  	v21 =	vor.u32 v4, v17;
	_ =	sdelay $0x1  }
0xa4: {  	v19 =	vadd.f32 v19, v18;
	_ =	sdelay $0x1  }
0xa5: {  	[tilespmem:v20+s17+$0x0] =	vst.idx.msk $0xffff, v19  }
0xa6: {  	v19 =	vld.idx.msk [tilespmem:v21+s2+$0x0], $0xffff;
	_ =	sdelay $0x1  }
0xa7: {  	v20 =	vor.u32 v5, v16  }
0xa8: {  	v21 =	vor.u32 v6, v17;
	_ =	sdelay $0x1  }
0xa9: {  	v19 =	vadd.f32 v19, v18;
	_ =	sdelay $0x1  }
0xaa: {  	[tilespmem:v20+s17+$0x0] =	vst.idx.msk $0xffff, v19  }
0xab: {  	v19 =	vld.idx.msk [tilespmem:v21+s2+$0x0], $0xffff;
	_ =	sdelay $0x1  }
0xac: {  	v20 =	vor.u32 v7, v16  }
0xad: {  	v21 =	vor.u32 v8, v17;
	_ =	sdelay $0x1  }
0xae: {  	v19 =	vadd.f32 v19, v18;
	_ =	sdelay $0x1  }
0xaf: {  	[tilespmem:v20+s17+$0x0] =	vst.idx.msk $0xffff, v19  }
0xb0: {  	v19 =	vld.idx.msk [tilespmem:v21+s2+$0x0], $0xffff;
	_ =	sdelay $0x1  }
0xb1: {  	v20 =	vor.u32 v9, v16  }
0xb2: {  	v21 =	vor.u32 v10, v17;
	_ =	sdelay $0x1  }
0xb3: {  	v19 =	vadd.f32 v19, v18;
	_ =	sdelay $0x1  }
0xb4: {  	[tilespmem:v20+s17+$0x0] =	vst.idx.msk $0xffff, v19  }
0xb5: {  	v19 =	vld.idx.msk [tilespmem:v21+s2+$0x0], $0xffff;
	_ =	sdelay $0x1  }
0xb6: {  	v20 =	vor.u32 v11, v16  }
0xb7: {  	v21 =	vor.u32 v12, v17;
	_ =	sdelay $0x1  }
0xb8: {  	v19 =	vadd.f32 v19, v18;
	_ =	sdelay $0x1  }
0xb9: {  	[tilespmem:v20+s17+$0x0] =	vst.idx.msk $0xffff, v19  }
0xba: {  	v19 =	vld.idx.msk [tilespmem:v21+s2+$0x0], $0xffff;
	_ =	sdelay $0x1  }
0xbb: {  	v20 =	vor.u32 v13, v16  }
0xbc: {  	v17 =	vor.u32 v14, v17;
	_ =	sdelay $0x1  }
0xbd: {  	v19 =	vadd.f32 v19, v18;
	_ =	sdelay $0x1  }
0xbe: {  	[tilespmem:v20+s17+$0x0] =	vst.idx.msk $0xffff, v19  }
0xbf: {  	v17 =	vld.idx.msk [tilespmem:v17+s2+$0x0], $0xffff;
	_ =	sdelay $0x1  }
0xc0: {  	v16 =	vor.u32 v15, v16;
	_ =	sdelay $0x2  }
0xc1: {  	v17 =	vadd.f32 v17, v18  }
0xc2: {  	s0 =	simm.s32 $0x0  }
0xc3: {  	s6 =	rddreg [dreg:$0x9];
	s29 =	sand.u32 $0x30, s0;
	[tilespmem:v16+s17+$0x0] =	vst.idx.msk $0xffff, v17;
	v16 =	vadd.s32 s0, v0  }
0xc4: {  	[hbm4b:s6+s22] =	stream.strided.scatter [tilespmem:s17], [sflag:$0x5], $0x2000, s23, s22, $0x38;
	v17 =	vand.u32 $0xF, v16;
	[tilespmem:$0x133C0] =	vst v63  }
0xc5: {  	_ =	swait.ge [sflag:s24], $0x2000;
	v17 =	vor.u32 s29, v17  }
0xc6: {  	v19 =	vand.u32 $0x7, v16;
	[sflag:s24] =	ssyncset.done $0x0;
	v18 =	vand.u32 $0x38, v17  }
0xc7: {  	s15 =	simm.s32 $0x9;
	s12 =	rddreg [dreg:$0xa];
	[sflag:s24] =	ssyncadd.s32 $0xFFFFE000;
	v18 =	vor.u32 v19, v18  }
0xc8: {  	[tilespmem:s28], [sflag:$0xA] =	stream.linear.gather [hbm4b:s12+s0], $0x80, $0x38;
	v19 =	vor.u32 $0x40, v18;
	[tilespmem:$0x133C0] =	vst v63  }
0xc9: {  	v20 =	vor.u32 v1, v18;
	_ =	swait.ge [sflag:s15], $0x80  }
0xca: {  	[sflag:s15] =	ssyncset.done $0x0  }
0xcb: {  	[sflag:s15] =	ssyncadd.s32 $0xFFFFFF80  }
0xcc: {  	[tilespmem:s2], [sflag:$0x1] =	stream.indirect.gather [hbm4b:s5+s28], $0x40, s0, s28, $0xb8;
	[tilespmem:$0x133C0] =	vst v63  }
0xcd: {  	v16 =	vshll.u32 v16, $0x7;
	v17 =	vshll.u32 v17, $0x7;
	v21 =	vld.idx.msk [tilespmem:v19+s30+$0x0], $0xffff  }
0xce: {  	v16 =	vand.u32 $0x380, v16;
	v17 =	vand.u32 $0x1C00, v17;
	v19 =	vld.idx.msk [tilespmem:v20+s9+$0x0], $0xffff  }
0xcf: {  	v16 =	vor.u32 v16, v17  }
0xd0: {  	v17 =	vor.u32 v0, v16  }
0xd1: {  	v20 =	vor.u32 v2, v18;
	_ =	sdelay $0x1  }
0xd2: {  	v19 =	vadd.f32 v19, v21;
	_ =	sdelay $0x1  }
0xd3: {  	[tilespmem:v17+s25+$0x0] =	vst.idx.msk $0xffff, v19  }
0xd4: {  	v17 =	vld.idx.msk [tilespmem:v20+s9+$0x0], $0xffff;
	_ =	sdelay $0x1  }
0xd5: {  	v19 =	vor.u32 v3, v16  }
0xd6: {  	v20 =	vor.u32 v4, v18;
	_ =	sdelay $0x1  }
0xd7: {  	v17 =	vadd.f32 v17, v21;
	_ =	sdelay $0x1  }
0xd8: {  	[tilespmem:v19+s25+$0x0] =	vst.idx.msk $0xffff, v17  }
0xd9: {  	v17 =	vld.idx.msk [tilespmem:v20+s9+$0x0], $0xffff;
	_ =	sdelay $0x1  }
0xda: {  	v19 =	vor.u32 v5, v16  }
0xdb: {  	v20 =	vor.u32 v6, v18;
	_ =	sdelay $0x1  }
0xdc: {  	v17 =	vadd.f32 v17, v21;
	_ =	sdelay $0x1  }
0xdd: {  	[tilespmem:v19+s25+$0x0] =	vst.idx.msk $0xffff, v17  }
0xde: {  	v17 =	vld.idx.msk [tilespmem:v20+s9+$0x0], $0xffff;
	_ =	sdelay $0x1  }
0xdf: {  	v19 =	vor.u32 v7, v16  }
0xe0: {  	v20 =	vor.u32 v8, v18;
	_ =	sdelay $0x1  }
0xe1: {  	v17 =	vadd.f32 v17, v21;
	_ =	sdelay $0x1  }
0xe2: {  	[tilespmem:v19+s25+$0x0] =	vst.idx.msk $0xffff, v17  }
0xe3: {  	v17 =	vld.idx.msk [tilespmem:v20+s9+$0x0], $0xffff;
	_ =	sdelay $0x1  }
0xe4: {  	v19 =	vor.u32 v9, v16  }
0xe5: {  	v20 =	vor.u32 v10, v18;
	_ =	sdelay $0x1  }
0xe6: {  	v17 =	vadd.f32 v17, v21;
	_ =	sdelay $0x1  }
0xe7: {  	[tilespmem:v19+s25+$0x0] =	vst.idx.msk $0xffff, v17  }
0xe8: {  	v17 =	vld.idx.msk [tilespmem:v20+s9+$0x0], $0xffff;
	_ =	sdelay $0x1  }
0xe9: {  	v19 =	vor.u32 v11, v16  }
0xea: {  	v20 =	vor.u32 v12, v18;
	_ =	sdelay $0x1  }
0xeb: {  	v17 =	vadd.f32 v17, v21;
	_ =	sdelay $0x1  }
0xec: {  	[tilespmem:v19+s25+$0x0] =	vst.idx.msk $0xffff, v17  }
0xed: {  	v17 =	vld.idx.msk [tilespmem:v20+s9+$0x0], $0xffff;
	_ =	sdelay $0x1  }
0xee: {  	v19 =	vor.u32 v13, v16  }
0xef: {  	v18 =	vor.u32 v14, v18;
	_ =	sdelay $0x1  }
0xf0: {  	s29 =	simm.s32 $0x1;
	v17 =	vadd.f32 v17, v21  }
0xf1: {  	v20 =	vadd.s32 s29, v0  }
0xf2: {  	s0 =	sand.u32 $0x30, s29;
	[tilespmem:v19+s25+$0x0] =	vst.idx.msk $0xffff, v17;
	v17 =	vand.u32 $0xF, v20  }
0xf3: {  	v22 =	vld.idx.msk [tilespmem:v18+s9+$0x0], $0xffff;
	v17 =	vor.u32 s0, v17  }
0xf4: {  	v19 =	vshll.u32 v20, $0x7;
	v20 =	vand.u32 $0x7, v20;
	v23 =	vand.u32 $0x38, v17  }
0xf5: {  	v18 =	vor.u32 v15, v16;
	v16 =	vshll.u32 v17, $0x7;
	v17 =	vor.u32 v20, v23  }
0xf6: {  	v23 =	vand.u32 $0x380, v19;
	v19 =	vor.u32 $0x40, v17  }
0xf7: {  	v16 =	vand.u32 $0x1C00, v16;
	v20 =	vor.u32 v1, v17  }
0xf8: {  	s6 =	simm.s32 $0x2;
	v16 =	vor.u32 v23, v16;
	v21 =	vadd.f32 v22, v21  }
.LBB2_4:
0xf9: {  	p0 =	sne.s32 s6, $0x3F;
	s12 =	smov.u32 s6;
	s6 =	sadd.s32 $0x1, s6  }
0xfa: {  	[tilespmem:v18+s25+$0x0] =	vst.idx.msk $0xffff, v21  }
0xfb: {  	v21 =	vld.idx.msk [tilespmem:v19+s30+$0x0], $0xffff  }
0xfc: {  	v18 =	vld.idx.msk [tilespmem:v20+s9+$0x0], $0xffff;
	_ =	sdelay $0x1  }
0xfd: {  	v19 =	vor.u32 v0, v16  }
0xfe: {  	v20 =	vor.u32 v2, v17;
	_ =	sdelay $0x2  }
0xff: {  	v18 =	vadd.f32 v18, v21;
	_ =	sdelay $0x1  }
0x100: {  	[tilespmem:v19+s25+$0x0] =	vst.idx.msk $0xffff, v18  }
0x101: {  	v18 =	vld.idx.msk [tilespmem:v20+s9+$0x0], $0xffff;
	_ =	sdelay $0x1  }
0x102: {  	v19 =	vor.u32 v3, v16  }
0x103: {  	v20 =	vor.u32 v4, v17;
	_ =	sdelay $0x2  }
0x104: {  	v18 =	vadd.f32 v18, v21;
	_ =	sdelay $0x1  }
0x105: {  	[tilespmem:v19+s25+$0x0] =	vst.idx.msk $0xffff, v18  }
0x106: {  	v18 =	vld.idx.msk [tilespmem:v20+s9+$0x0], $0xffff;
	_ =	sdelay $0x1  }
0x107: {  	v19 =	vor.u32 v5, v16  }
0x108: {  	v20 =	vor.u32 v6, v17;
	_ =	sdelay $0x2  }
0x109: {  	v18 =	vadd.f32 v18, v21;
	_ =	sdelay $0x1  }
0x10a: {  	[tilespmem:v19+s25+$0x0] =	vst.idx.msk $0xffff, v18  }
0x10b: {  	v18 =	vld.idx.msk [tilespmem:v20+s9+$0x0], $0xffff;
	_ =	sdelay $0x1  }
0x10c: {  	v19 =	vor.u32 v7, v16  }
0x10d: {  	v20 =	vor.u32 v8, v17;
	_ =	sdelay $0x2  }
0x10e: {  	v18 =	vadd.f32 v18, v21;
	_ =	sdelay $0x1  }
0x10f: {  	[tilespmem:v19+s25+$0x0] =	vst.idx.msk $0xffff, v18  }
0x110: {  	v18 =	vld.idx.msk [tilespmem:v20+s9+$0x0], $0xffff;
	_ =	sdelay $0x1  }
0x111: {  	v19 =	vor.u32 v9, v16  }
0x112: {  	v20 =	vor.u32 v10, v17;
	_ =	sdelay $0x2  }
0x113: {  	v18 =	vadd.f32 v18, v21;
	_ =	sdelay $0x1  }
0x114: {  	[tilespmem:v19+s25+$0x0] =	vst.idx.msk $0xffff, v18  }
0x115: {  	v18 =	vld.idx.msk [tilespmem:v20+s9+$0x0], $0xffff;
	_ =	sdelay $0x1  }
0x116: {  	v19 =	vor.u32 v11, v16  }
0x117: {  	v20 =	vor.u32 v12, v17;
	_ =	sdelay $0x2  }
0x118: {  	v18 =	vadd.f32 v18, v21;
	_ =	sdelay $0x1  }
0x119: {  	[tilespmem:v19+s25+$0x0] =	vst.idx.msk $0xffff, v18  }
0x11a: {  	v18 =	vld.idx.msk [tilespmem:v20+s9+$0x0], $0xffff;
	_ =	sdelay $0x1  }
0x11b: {  	v19 =	vor.u32 v13, v16  }
0x11c: {  	v17 =	vor.u32 v14, v17;
	_ =	sdelay $0x2  }
0x11d: {  	v18 =	vadd.f32 v18, v21;
	_ =	sdelay $0x1  }
0x11e: {  	v20 =	vadd.s32 s12, v0;
	[tilespmem:v19+s25+$0x0] =	vst.idx.msk $0xffff, v18  }
0x11f: {  	s0 =	sand.u32 $0x30, s12;
	v18 =	vand.u32 $0xF, v20;
	v19 =	vshll.u32 v20, $0x7;
	v22 =	vld.idx.msk [tilespmem:v17+s9+$0x0], $0xffff  }
0x120: {  	v17 =	vor.u32 s0, v18;
	v18 =	vor.u32 v15, v16  }
.Ltmp1:
0x121: {  	v20 =	vand.u32 $0x7, v20;
	v16 =	vand.u32 $0x38, v17;
	v23 =	vshll.u32 v17, $0x7;
	(pc) =	sbr.rel @p0 .LBB2_4-.Ltmp1, $3  }
0x122: {  	v17 =	vor.u32 v20, v16;
	v16 =	vand.u32 $0x1C00, v23;
	v23 =	vand.u32 $0x380, v19  }
0x123: {  	v19 =	vor.u32 $0x40, v17;
	v20 =	vor.u32 v1, v17;
	v16 =	vor.u32 v23, v16;
	_ =	sdelay $0x1  }
0x124: {  	v21 =	vadd.f32 v22, v21  }
0x125: {  	_ =	sdelay $0x3  }
0x126: {  	[tilespmem:v18+s25+$0x0] =	vst.idx.msk $0xffff, v21  }
0x127: {  	v18 =	vld.idx.msk [tilespmem:v19+s30+$0x0], $0xffff  }
0x128: {  	v19 =	vld.idx.msk [tilespmem:v20+s9+$0x0], $0xffff;
	_ =	sdelay $0x1  }
0x129: {  	v20 =	vor.u32 v0, v16  }
0x12a: {  	v21 =	vor.u32 v2, v17;
	_ =	sdelay $0x1  }
0x12b: {  	v19 =	vadd.f32 v19, v18;
	_ =	sdelay $0x1  }
0x12c: {  	[tilespmem:v20+s25+$0x0] =	vst.idx.msk $0xffff, v19  }
0x12d: {  	v19 =	vld.idx.msk [tilespmem:v21+s9+$0x0], $0xffff;
	_ =	sdelay $0x1  }
0x12e: {  	v20 =	vor.u32 v3, v16  }
0x12f: {  	v21 =	vor.u32 v4, v17;
	_ =	sdelay $0x1  }
0x130: {  	v19 =	vadd.f32 v19, v18;
	_ =	sdelay $0x1  }
0x131: {  	[tilespmem:v20+s25+$0x0] =	vst.idx.msk $0xffff, v19  }
0x132: {  	v19 =	vld.idx.msk [tilespmem:v21+s9+$0x0], $0xffff;
	_ =	sdelay $0x1  }
0x133: {  	v20 =	vor.u32 v5, v16  }
0x134: {  	v21 =	vor.u32 v6, v17;
	_ =	sdelay $0x1  }
0x135: {  	v19 =	vadd.f32 v19, v18;
	_ =	sdelay $0x1  }
0x136: {  	[tilespmem:v20+s25+$0x0] =	vst.idx.msk $0xffff, v19  }
0x137: {  	v19 =	vld.idx.msk [tilespmem:v21+s9+$0x0], $0xffff;
	_ =	sdelay $0x1  }
0x138: {  	v20 =	vor.u32 v7, v16  }
0x139: {  	v21 =	vor.u32 v8, v17;
	_ =	sdelay $0x1  }
0x13a: {  	v19 =	vadd.f32 v19, v18;
	_ =	sdelay $0x1  }
0x13b: {  	[tilespmem:v20+s25+$0x0] =	vst.idx.msk $0xffff, v19  }
0x13c: {  	v19 =	vld.idx.msk [tilespmem:v21+s9+$0x0], $0xffff;
	_ =	sdelay $0x1  }
0x13d: {  	v20 =	vor.u32 v9, v16  }
0x13e: {  	v21 =	vor.u32 v10, v17;
	_ =	sdelay $0x1  }
0x13f: {  	v19 =	vadd.f32 v19, v18;
	_ =	sdelay $0x1  }
0x140: {  	[tilespmem:v20+s25+$0x0] =	vst.idx.msk $0xffff, v19  }
0x141: {  	v19 =	vld.idx.msk [tilespmem:v21+s9+$0x0], $0xffff;
	_ =	sdelay $0x1  }
0x142: {  	v20 =	vor.u32 v11, v16  }
0x143: {  	v21 =	vor.u32 v12, v17;
	_ =	sdelay $0x1  }
0x144: {  	v19 =	vadd.f32 v19, v18;
	_ =	sdelay $0x1  }
0x145: {  	[tilespmem:v20+s25+$0x0] =	vst.idx.msk $0xffff, v19  }
0x146: {  	v19 =	vld.idx.msk [tilespmem:v21+s9+$0x0], $0xffff;
	_ =	sdelay $0x1  }
0x147: {  	v20 =	vor.u32 v13, v16  }
0x148: {  	v17 =	vor.u32 v14, v17;
	_ =	sdelay $0x1  }
0x149: {  	v19 =	vadd.f32 v19, v18;
	_ =	sdelay $0x1  }
0x14a: {  	[tilespmem:v20+s25+$0x0] =	vst.idx.msk $0xffff, v19  }
0x14b: {  	v17 =	vld.idx.msk [tilespmem:v17+s9+$0x0], $0xffff;
	_ =	sdelay $0x1  }
0x14c: {  	v16 =	vor.u32 v15, v16;
	_ =	sdelay $0x2  }
0x14d: {  	v17 =	vadd.f32 v17, v18  }
0x14e: {  	s0 =	simm.s32 $0x0  }
0x14f: {  	s6 =	rddreg [dreg:$0xb];
	s29 =	sand.u32 $0x30, s0;
	[tilespmem:v16+s25+$0x0] =	vst.idx.msk $0xffff, v17;
	v16 =	vadd.s32 s0, v0  }
0x150: {  	[hbm4b:s6+s22] =	stream.strided.scatter [tilespmem:s25], [sflag:$0x6], $0x2000, s23, s22, $0x38;
	v17 =	vand.u32 $0xF, v16;
	[tilespmem:$0x133C0] =	vst v63  }
0x151: {  	_ =	swait.ge [sflag:s26], $0x2000;
	v17 =	vor.u32 s29, v17  }
0x152: {  	v19 =	vand.u32 $0x7, v16;
	[sflag:s26] =	ssyncset.done $0x0;
	v18 =	vand.u32 $0x38, v17  }
0x153: {  	s15 =	simm.s32 $0xA;
	s12 =	rddreg [dreg:$0xc];
	[sflag:s26] =	ssyncadd.s32 $0xFFFFE000;
	v18 =	vor.u32 v19, v18  }
0x154: {  	[tilespmem:s20], [sflag:$0xB] =	stream.linear.gather [hbm4b:s12+s0], $0x80, $0x38;
	v19 =	vor.u32 $0x80, v18;
	[tilespmem:$0x133C0] =	vst v63  }
0x155: {  	v20 =	vor.u32 v1, v18;
	_ =	swait.ge [sflag:s15], $0x80  }
0x156: {  	[sflag:s15] =	ssyncset.done $0x0  }
0x157: {  	[sflag:s15] =	ssyncadd.s32 $0xFFFFFF80  }
0x158: {  	[tilespmem:s9], [sflag:$0x2] =	stream.indirect.gather [hbm4b:s5+s28], $0x40, s28, s28, $0xb8;
	[tilespmem:$0x133C0] =	vst v63  }
0x159: {  	v16 =	vshll.u32 v16, $0x7;
	v17 =	vshll.u32 v17, $0x7;
	v21 =	vld.idx.msk [tilespmem:v19+s30+$0x0], $0xffff  }
0x15a: {  	v16 =	vand.u32 $0x380, v16;
	v17 =	vand.u32 $0x1C00, v17;
	v19 =	vld.idx.msk [tilespmem:v20+s11+$0x0], $0xffff  }
0x15b: {  	v16 =	vor.u32 v16, v17  }
0x15c: {  	v17 =	vor.u32 v0, v16  }
0x15d: {  	v20 =	vor.u32 v2, v18;
	_ =	sdelay $0x1  }
0x15e: {  	v19 =	vadd.f32 v19, v21;
	_ =	sdelay $0x1  }
0x15f: {  	[tilespmem:v17+s7+$0x0] =	vst.idx.msk $0xffff, v19  }
0x160: {  	v17 =	vld.idx.msk [tilespmem:v20+s11+$0x0], $0xffff;
	_ =	sdelay $0x1  }
0x161: {  	v19 =	vor.u32 v3, v16  }
0x162: {  	v20 =	vor.u32 v4, v18;
	_ =	sdelay $0x1  }
0x163: {  	v17 =	vadd.f32 v17, v21;
	_ =	sdelay $0x1  }
0x164: {  	[tilespmem:v19+s7+$0x0] =	vst.idx.msk $0xffff, v17  }
0x165: {  	v17 =	vld.idx.msk [tilespmem:v20+s11+$0x0], $0xffff;
	_ =	sdelay $0x1  }
0x166: {  	v19 =	vor.u32 v5, v16  }
0x167: {  	v20 =	vor.u32 v6, v18;
	_ =	sdelay $0x1  }
0x168: {  	v17 =	vadd.f32 v17, v21;
	_ =	sdelay $0x1  }
0x169: {  	[tilespmem:v19+s7+$0x0] =	vst.idx.msk $0xffff, v17  }
0x16a: {  	v17 =	vld.idx.msk [tilespmem:v20+s11+$0x0], $0xffff;
	_ =	sdelay $0x1  }
0x16b: {  	v19 =	vor.u32 v7, v16  }
0x16c: {  	v20 =	vor.u32 v8, v18;
	_ =	sdelay $0x1  }
0x16d: {  	v17 =	vadd.f32 v17, v21;
	_ =	sdelay $0x1  }
0x16e: {  	[tilespmem:v19+s7+$0x0] =	vst.idx.msk $0xffff, v17  }
0x16f: {  	v17 =	vld.idx.msk [tilespmem:v20+s11+$0x0], $0xffff;
	_ =	sdelay $0x1  }
0x170: {  	v19 =	vor.u32 v9, v16  }
0x171: {  	v20 =	vor.u32 v10, v18;
	_ =	sdelay $0x1  }
0x172: {  	v17 =	vadd.f32 v17, v21;
	_ =	sdelay $0x1  }
0x173: {  	[tilespmem:v19+s7+$0x0] =	vst.idx.msk $0xffff, v17  }
0x174: {  	v17 =	vld.idx.msk [tilespmem:v20+s11+$0x0], $0xffff;
	_ =	sdelay $0x1  }
0x175: {  	v19 =	vor.u32 v11, v16  }
0x176: {  	v20 =	vor.u32 v12, v18;
	_ =	sdelay $0x1  }
0x177: {  	v17 =	vadd.f32 v17, v21;
	_ =	sdelay $0x1  }
0x178: {  	[tilespmem:v19+s7+$0x0] =	vst.idx.msk $0xffff, v17  }
0x179: {  	v17 =	vld.idx.msk [tilespmem:v20+s11+$0x0], $0xffff;
	_ =	sdelay $0x1  }
0x17a: {  	v19 =	vor.u32 v13, v16  }
0x17b: {  	v18 =	vor.u32 v14, v18;
	_ =	sdelay $0x1  }
0x17c: {  	s29 =	simm.s32 $0x1;
	v17 =	vadd.f32 v17, v21  }
0x17d: {  	v20 =	vadd.s32 s29, v0  }
0x17e: {  	s0 =	sand.u32 $0x30, s29;
	[tilespmem:v19+s7+$0x0] =	vst.idx.msk $0xffff, v17;
	v17 =	vand.u32 $0xF, v20  }
0x17f: {  	v22 =	vld.idx.msk [tilespmem:v18+s11+$0x0], $0xffff;
	v17 =	vor.u32 s0, v17  }
0x180: {  	v19 =	vshll.u32 v20, $0x7;
	v20 =	vand.u32 $0x7, v20;
	v23 =	vand.u32 $0x38, v17  }
0x181: {  	v18 =	vor.u32 v15, v16;
	v16 =	vshll.u32 v17, $0x7;
	v17 =	vor.u32 v20, v23  }
0x182: {  	v23 =	vand.u32 $0x380, v19;
	v19 =	vor.u32 $0x80, v17  }
0x183: {  	v16 =	vand.u32 $0x1C00, v16;
	v20 =	vor.u32 v1, v17  }
0x184: {  	s6 =	simm.s32 $0x2;
	v16 =	vor.u32 v23, v16;
	v21 =	vadd.f32 v22, v21  }
.LBB2_6:
0x185: {  	p0 =	sne.s32 s6, $0x3F;
	s12 =	smov.u32 s6;
	s6 =	sadd.s32 $0x1, s6  }
0x186: {  	[tilespmem:v18+s7+$0x0] =	vst.idx.msk $0xffff, v21  }
0x187: {  	v21 =	vld.idx.msk [tilespmem:v19+s30+$0x0], $0xffff  }
0x188: {  	v18 =	vld.idx.msk [tilespmem:v20+s11+$0x0], $0xffff;
	_ =	sdelay $0x1  }
0x189: {  	v19 =	vor.u32 v0, v16  }
0x18a: {  	v20 =	vor.u32 v2, v17;
	_ =	sdelay $0x2  }
0x18b: {  	v18 =	vadd.f32 v18, v21;
	_ =	sdelay $0x1  }
0x18c: {  	[tilespmem:v19+s7+$0x0] =	vst.idx.msk $0xffff, v18  }
0x18d: {  	v18 =	vld.idx.msk [tilespmem:v20+s11+$0x0], $0xffff;
	_ =	sdelay $0x1  }
0x18e: {  	v19 =	vor.u32 v3, v16  }
0x18f: {  	v20 =	vor.u32 v4, v17;
	_ =	sdelay $0x2  }
0x190: {  	v18 =	vadd.f32 v18, v21;
	_ =	sdelay $0x1  }
0x191: {  	[tilespmem:v19+s7+$0x0] =	vst.idx.msk $0xffff, v18  }
0x192: {  	v18 =	vld.idx.msk [tilespmem:v20+s11+$0x0], $0xffff;
	_ =	sdelay $0x1  }
0x193: {  	v19 =	vor.u32 v5, v16  }
0x194: {  	v20 =	vor.u32 v6, v17;
	_ =	sdelay $0x2  }
0x195: {  	v18 =	vadd.f32 v18, v21;
	_ =	sdelay $0x1  }
0x196: {  	[tilespmem:v19+s7+$0x0] =	vst.idx.msk $0xffff, v18  }
0x197: {  	v18 =	vld.idx.msk [tilespmem:v20+s11+$0x0], $0xffff;
	_ =	sdelay $0x1  }
0x198: {  	v19 =	vor.u32 v7, v16  }
0x199: {  	v20 =	vor.u32 v8, v17;
	_ =	sdelay $0x2  }
0x19a: {  	v18 =	vadd.f32 v18, v21;
	_ =	sdelay $0x1  }
0x19b: {  	[tilespmem:v19+s7+$0x0] =	vst.idx.msk $0xffff, v18  }
0x19c: {  	v18 =	vld.idx.msk [tilespmem:v20+s11+$0x0], $0xffff;
	_ =	sdelay $0x1  }
0x19d: {  	v19 =	vor.u32 v9, v16  }
0x19e: {  	v20 =	vor.u32 v10, v17;
	_ =	sdelay $0x2  }
0x19f: {  	v18 =	vadd.f32 v18, v21;
	_ =	sdelay $0x1  }
0x1a0: {  	[tilespmem:v19+s7+$0x0] =	vst.idx.msk $0xffff, v18  }
0x1a1: {  	v18 =	vld.idx.msk [tilespmem:v20+s11+$0x0], $0xffff;
	_ =	sdelay $0x1  }
0x1a2: {  	v19 =	vor.u32 v11, v16  }
0x1a3: {  	v20 =	vor.u32 v12, v17;
	_ =	sdelay $0x2  }
0x1a4: {  	v18 =	vadd.f32 v18, v21;
	_ =	sdelay $0x1  }
0x1a5: {  	[tilespmem:v19+s7+$0x0] =	vst.idx.msk $0xffff, v18  }
0x1a6: {  	v18 =	vld.idx.msk [tilespmem:v20+s11+$0x0], $0xffff;
	_ =	sdelay $0x1  }
0x1a7: {  	v19 =	vor.u32 v13, v16  }
0x1a8: {  	v17 =	vor.u32 v14, v17;
	_ =	sdelay $0x2  }
0x1a9: {  	v18 =	vadd.f32 v18, v21;
	_ =	sdelay $0x1  }
0x1aa: {  	v20 =	vadd.s32 s12, v0;
	[tilespmem:v19+s7+$0x0] =	vst.idx.msk $0xffff, v18  }
0x1ab: {  	s0 =	sand.u32 $0x30, s12;
	v18 =	vand.u32 $0xF, v20;
	v19 =	vshll.u32 v20, $0x7;
	v22 =	vld.idx.msk [tilespmem:v17+s11+$0x0], $0xffff  }
0x1ac: {  	v17 =	vor.u32 s0, v18;
	v18 =	vor.u32 v15, v16  }
.Ltmp2:
0x1ad: {  	v20 =	vand.u32 $0x7, v20;
	v16 =	vand.u32 $0x38, v17;
	v23 =	vshll.u32 v17, $0x7;
	(pc) =	sbr.rel @p0 .LBB2_6-.Ltmp2, $3  }
0x1ae: {  	v17 =	vor.u32 v20, v16;
	v16 =	vand.u32 $0x1C00, v23;
	v23 =	vand.u32 $0x380, v19  }
0x1af: {  	v19 =	vor.u32 $0x80, v17;
	v20 =	vor.u32 v1, v17;
	v16 =	vor.u32 v23, v16;
	_ =	sdelay $0x1  }
0x1b0: {  	v21 =	vadd.f32 v22, v21  }
0x1b1: {  	_ =	sdelay $0x3  }
0x1b2: {  	[tilespmem:v18+s7+$0x0] =	vst.idx.msk $0xffff, v21  }
0x1b3: {  	v18 =	vld.idx.msk [tilespmem:v19+s30+$0x0], $0xffff  }
0x1b4: {  	v50 =	vld.idx.msk [tilespmem:v20+s11+$0x0], $0xffff;
	_ =	sdelay $0x1  }
0x1b5: {  	v51 =	vor.u32 v0, v16  }
0x1b6: {  	v52 =	vor.u32 v2, v17;
	_ =	sdelay $0x1  }
0x1b7: {  	v19 =	vadd.f32 v50, v18;
	_ =	sdelay $0x1  }
0x1b8: {  	[tilespmem:v51+s7+$0x0] =	vst.idx.msk $0xffff, v19  }
0x1b9: {  	v19 =	vld.idx.msk [tilespmem:v52+s11+$0x0], $0xffff;
	_ =	sdelay $0x1  }
0x1ba: {  	v53 =	vor.u32 v3, v16  }
0x1bb: {  	v54 =	vor.u32 v4, v17;
	_ =	sdelay $0x1  }
0x1bc: {  	v19 =	vadd.f32 v19, v18;
	_ =	sdelay $0x1  }
0x1bd: {  	[tilespmem:v53+s7+$0x0] =	vst.idx.msk $0xffff, v19  }
0x1be: {  	v19 =	vld.idx.msk [tilespmem:v54+s11+$0x0], $0xffff;
	_ =	sdelay $0x1  }
0x1bf: {  	v55 =	vor.u32 v5, v16  }
0x1c0: {  	v56 =	vor.u32 v6, v17;
	_ =	sdelay $0x1  }
0x1c1: {  	v19 =	vadd.f32 v19, v18;
	_ =	sdelay $0x1  }
0x1c2: {  	[tilespmem:v55+s7+$0x0] =	vst.idx.msk $0xffff, v19  }
0x1c3: {  	v19 =	vld.idx.msk [tilespmem:v56+s11+$0x0], $0xffff;
	_ =	sdelay $0x1  }
0x1c4: {  	v57 =	vor.u32 v7, v16  }
0x1c5: {  	v58 =	vor.u32 v8, v17;
	_ =	sdelay $0x1  }
0x1c6: {  	v19 =	vadd.f32 v19, v18;
	_ =	sdelay $0x1  }
0x1c7: {  	[tilespmem:v57+s7+$0x0] =	vst.idx.msk $0xffff, v19  }
0x1c8: {  	v19 =	vld.idx.msk [tilespmem:v58+s11+$0x0], $0xffff;
	_ =	sdelay $0x1  }
0x1c9: {  	v59 =	vor.u32 v9, v16  }
0x1ca: {  	v60 =	vor.u32 v10, v17;
	_ =	sdelay $0x1  }
0x1cb: {  	v19 =	vadd.f32 v19, v18;
	_ =	sdelay $0x1  }
0x1cc: {  	[tilespmem:v59+s7+$0x0] =	vst.idx.msk $0xffff, v19  }
0x1cd: {  	v19 =	vld.idx.msk [tilespmem:v60+s11+$0x0], $0xffff;
	_ =	sdelay $0x1  }
0x1ce: {  	v61 =	vor.u32 v11, v16  }
0x1cf: {  	v62 =	vor.u32 v12, v17;
	_ =	sdelay $0x1  }
0x1d0: {  	v19 =	vadd.f32 v19, v18;
	_ =	sdelay $0x1  }
0x1d1: {  	[tilespmem:v61+s7+$0x0] =	vst.idx.msk $0xffff, v19  }
0x1d2: {  	v19 =	vld.idx.msk [tilespmem:v62+s11+$0x0], $0xffff;
	_ =	sdelay $0x1  }
0x1d3: {  	v63 =	vor.u32 v13, v16  }
0x1d4: {  	v17 =	vor.u32 v14, v17;
	_ =	sdelay $0x1  }
0x1d5: {  	v19 =	vadd.f32 v19, v18;
	_ =	sdelay $0x1  }
0x1d6: {  	[tilespmem:v63+s7+$0x0] =	vst.idx.msk $0xffff, v19  }
0x1d7: {  	v17 =	vld.idx.msk [tilespmem:v17+s11+$0x0], $0xffff;
	_ =	sdelay $0x1  }
0x1d8: {  	v16 =	vor.u32 v15, v16;
	_ =	sdelay $0x2  }
0x1d9: {  	v17 =	vadd.f32 v17, v18;
	_ =	sdelay $0x1  }
0x1da: {  	s0 =	rddreg [dreg:$0xd];
	s6 =	simm.s32 $0x0;
	[tilespmem:v16+s7+$0x0] =	vst.idx.msk $0xffff, v17  }
0x1db: {  	[hbm4b:s0+s22] =	stream.strided.scatter [tilespmem:s7], [sflag:$0x7], $0x2000, s23, s22, $0x38;
	[tilespmem:$0x133C0] =	vst v63  }
.LBB2_8:
0x1dc: {  	s15 =	simm.s32 $0x4  }
0x1dd: {  	_ =	swait.ge [sflag:s15], $0x2000  }
0x1de: {  	s29 =	sshll.u32 s6, $0xE;
	s0 =	rddreg [dreg:$0xe]  }
0x1df: {  	s0 =	sadd.s32 s0, s29  }
0x1e0: {  	[sflag:s15] =	ssyncset.done $0x0;
	s0 =	sshrl.u32 s0, $0x3  }
0x1e1: {  	s12 =	sshllo.u32 s6, $0x2;
	[sflag:s15] =	ssyncadd.s32 $0xFFFFE000;
	s0 =	sadd.s32 s4, s0  }
0x1e2: {  	v17 =	vadd.s32 s21, v0;
	[tilespmem:s8], [sflag:$0xC] =	stream.linear.gather [hbm4b:s0+s21], $0x80, $0x38;
	[tilespmem:$0x133C0] =	vst v63  }
0x1e3: {  	v18 =	vand.u32 $0xF, v17;
	s15 =	sand.u32 $0x30, s21;
	s0 =	sshll.u32 s12, $0x6  }
0x1e4: {  	v19 =	vand.u32 $0x7, v17;
	v18 =	vor.u32 s15, v18;
	_ =	swait.ge [sflag:s31], $0x2000;
	v16 =	vmov s0  }
0x1e5: {  	v20 =	vand.u32 $0x38, v18;
	[sflag:s31] =	ssyncset.done $0x0;
	v21 =	vor.u32 v16, v19  }
0x1e6: {  	v19 =	vor.u32 v19, v20;
	[sflag:s31] =	ssyncadd.s32 $0xFFFFE000;
	v21 =	vor.u32 v20, v21  }
0x1e7: {  	v20 =	vor.u32 v1, v19;
	_ =	swait.ge [sflag:s10], $0x80  }
0x1e8: {  	[sflag:s10] =	ssyncset.done $0x0  }
0x1e9: {  	[sflag:s10] =	ssyncadd.s32 $0xFFFFFF80  }
0x1ea: {  	[tilespmem:s11], [sflag:$0x3] =	stream.indirect.gather [hbm4b:s5+s28], $0x40, s20, s28, $0xb8;
	[tilespmem:$0x133C0] =	vst v63  }
0x1eb: {  	v17 =	vshll.u32 v17, $0x7;
	v18 =	vshll.u32 v18, $0x7;
	v22 =	vld.idx.msk [tilespmem:v21+s30+$0x0], $0xffff  }
0x1ec: {  	v17 =	vand.u32 $0x380, v17;
	v18 =	vand.u32 $0x1C00, v18;
	v20 =	vld.idx.msk [tilespmem:v20+s16+$0x0], $0xffff  }
0x1ed: {  	v17 =	vor.u32 v17, v18  }
0x1ee: {  	v18 =	vor.u32 v0, v17  }
0x1ef: {  	v21 =	vor.u32 v2, v19;
	_ =	sdelay $0x1  }
0x1f0: {  	v20 =	vadd.f32 v20, v22;
	_ =	sdelay $0x1  }
0x1f1: {  	[tilespmem:v18+s3+$0x0] =	vst.idx.msk $0xffff, v20  }
0x1f2: {  	v18 =	vld.idx.msk [tilespmem:v21+s16+$0x0], $0xffff;
	_ =	sdelay $0x1  }
0x1f3: {  	v20 =	vor.u32 v3, v17  }
0x1f4: {  	v21 =	vor.u32 v4, v19;
	_ =	sdelay $0x1  }
0x1f5: {  	v18 =	vadd.f32 v18, v22;
	_ =	sdelay $0x1  }
0x1f6: {  	[tilespmem:v20+s3+$0x0] =	vst.idx.msk $0xffff, v18  }
0x1f7: {  	v18 =	vld.idx.msk [tilespmem:v21+s16+$0x0], $0xffff;
	_ =	sdelay $0x1  }
0x1f8: {  	v20 =	vor.u32 v5, v17  }
0x1f9: {  	v21 =	vor.u32 v6, v19;
	_ =	sdelay $0x1  }
0x1fa: {  	v18 =	vadd.f32 v18, v22;
	_ =	sdelay $0x1  }
0x1fb: {  	[tilespmem:v20+s3+$0x0] =	vst.idx.msk $0xffff, v18  }
0x1fc: {  	v18 =	vld.idx.msk [tilespmem:v21+s16+$0x0], $0xffff;
	_ =	sdelay $0x1  }
0x1fd: {  	v20 =	vor.u32 v7, v17  }
0x1fe: {  	v21 =	vor.u32 v8, v19;
	_ =	sdelay $0x1  }
0x1ff: {  	v18 =	vadd.f32 v18, v22;
	_ =	sdelay $0x1  }
0x200: {  	[tilespmem:v20+s3+$0x0] =	vst.idx.msk $0xffff, v18  }
0x201: {  	v18 =	vld.idx.msk [tilespmem:v21+s16+$0x0], $0xffff;
	_ =	sdelay $0x1  }
0x202: {  	v20 =	vor.u32 v9, v17  }
0x203: {  	v21 =	vor.u32 v10, v19;
	_ =	sdelay $0x1  }
0x204: {  	v18 =	vadd.f32 v18, v22;
	_ =	sdelay $0x1  }
0x205: {  	[tilespmem:v20+s3+$0x0] =	vst.idx.msk $0xffff, v18  }
0x206: {  	v18 =	vld.idx.msk [tilespmem:v21+s16+$0x0], $0xffff;
	_ =	sdelay $0x1  }
0x207: {  	v20 =	vor.u32 v11, v17  }
0x208: {  	v21 =	vor.u32 v12, v19;
	_ =	sdelay $0x1  }
0x209: {  	v18 =	vadd.f32 v18, v22;
	_ =	sdelay $0x1  }
0x20a: {  	[tilespmem:v20+s3+$0x0] =	vst.idx.msk $0xffff, v18  }
0x20b: {  	v18 =	vld.idx.msk [tilespmem:v21+s16+$0x0], $0xffff;
	_ =	sdelay $0x1  }
0x20c: {  	v20 =	vor.u32 v13, v17  }
0x20d: {  	v19 =	vor.u32 v14, v19;
	_ =	sdelay $0x1  }
0x20e: {  	v18 =	vadd.f32 v18, v22  }
0x20f: {  	s20 =	simm.s32 $0x1  }
0x210: {  	[tilespmem:v20+s3+$0x0] =	vst.idx.msk $0xffff, v18;
	v18 =	vadd.s32 s20, v0  }
0x211: {  	s0 =	sand.u32 $0x30, s20;
	v23 =	vld.idx.msk [tilespmem:v19+s16+$0x0], $0xffff;
	v20 =	vand.u32 $0xF, v18;
	v21 =	vshll.u32 v18, $0x7  }
0x212: {  	v19 =	vor.u32 v15, v17;
	v18 =	vand.u32 $0x7, v18;
	v17 =	vor.u32 s0, v20  }
0x213: {  	v24 =	vand.u32 $0x380, v21;
	v20 =	vor.u32 v16, v18;
	v21 =	vand.u32 $0x38, v17  }
0x214: {  	v17 =	vshll.u32 v17, $0x7;
	v20 =	vor.u32 v21, v20;
	v18 =	vor.u32 v18, v21  }
0x215: {  	v17 =	vand.u32 $0x1C00, v17;
	v21 =	vor.u32 v1, v18  }
0x216: {  	s15 =	sshll.u32 s6, $0x2;
	s20 =	simm.s32 $0x2;
	v17 =	vor.u32 v24, v17;
	v22 =	vadd.f32 v23, v22  }
.LBB2_9:
0x217: {  	_ = 	snop  }
0x218: {  	p0 =	sne.s32 s20, $0x3F;
	s0 =	smov.u32 s20;
	s20 =	sadd.s32 $0x1, s20;
	[tilespmem:v19+s3+$0x0] =	vst.idx.msk $0xffff, v22  }
0x219: {  	v22 =	vld.idx.msk [tilespmem:v20+s30+$0x0], $0xffff  }
0x21a: {  	v19 =	vld.idx.msk [tilespmem:v21+s16+$0x0], $0xffff;
	_ =	sdelay $0x2  }
0x21b: {  	v20 =	vor.u32 v0, v17  }
0x21c: {  	v21 =	vor.u32 v2, v18;
	_ =	sdelay $0x1  }
0x21d: {  	v19 =	vadd.f32 v19, v22;
	_ =	sdelay $0x1  }
0x21e: {  	[tilespmem:v20+s3+$0x0] =	vst.idx.msk $0xffff, v19  }
0x21f: {  	v19 =	vld.idx.msk [tilespmem:v21+s16+$0x0], $0xffff;
	_ =	sdelay $0x2  }
0x220: {  	v20 =	vor.u32 v3, v17  }
0x221: {  	v21 =	vor.u32 v4, v18;
	_ =	sdelay $0x1  }
0x222: {  	v19 =	vadd.f32 v19, v22;
	_ =	sdelay $0x1  }
0x223: {  	[tilespmem:v20+s3+$0x0] =	vst.idx.msk $0xffff, v19  }
0x224: {  	v19 =	vld.idx.msk [tilespmem:v21+s16+$0x0], $0xffff;
	_ =	sdelay $0x2  }
0x225: {  	v20 =	vor.u32 v5, v17  }
0x226: {  	v21 =	vor.u32 v6, v18;
	_ =	sdelay $0x1  }
0x227: {  	v19 =	vadd.f32 v19, v22;
	_ =	sdelay $0x1  }
0x228: {  	[tilespmem:v20+s3+$0x0] =	vst.idx.msk $0xffff, v19  }
0x229: {  	v19 =	vld.idx.msk [tilespmem:v21+s16+$0x0], $0xffff;
	_ =	sdelay $0x2  }
0x22a: {  	v20 =	vor.u32 v7, v17  }
0x22b: {  	v21 =	vor.u32 v8, v18;
	_ =	sdelay $0x1  }
0x22c: {  	v19 =	vadd.f32 v19, v22;
	_ =	sdelay $0x1  }
0x22d: {  	[tilespmem:v20+s3+$0x0] =	vst.idx.msk $0xffff, v19  }
0x22e: {  	v19 =	vld.idx.msk [tilespmem:v21+s16+$0x0], $0xffff;
	_ =	sdelay $0x2  }
0x22f: {  	v20 =	vor.u32 v9, v17  }
0x230: {  	v21 =	vor.u32 v10, v18;
	_ =	sdelay $0x1  }
0x231: {  	v19 =	vadd.f32 v19, v22;
	_ =	sdelay $0x1  }
0x232: {  	[tilespmem:v20+s3+$0x0] =	vst.idx.msk $0xffff, v19  }
0x233: {  	v19 =	vld.idx.msk [tilespmem:v21+s16+$0x0], $0xffff;
	_ =	sdelay $0x2  }
0x234: {  	v20 =	vor.u32 v11, v17  }
0x235: {  	v21 =	vor.u32 v12, v18;
	_ =	sdelay $0x1  }
0x236: {  	v19 =	vadd.f32 v19, v22;
	_ =	sdelay $0x1  }
0x237: {  	[tilespmem:v20+s3+$0x0] =	vst.idx.msk $0xffff, v19  }
0x238: {  	v19 =	vld.idx.msk [tilespmem:v21+s16+$0x0], $0xffff;
	_ =	sdelay $0x2  }
0x239: {  	v20 =	vor.u32 v13, v17  }
0x23a: {  	v18 =	vor.u32 v14, v18;
	_ =	sdelay $0x1  }
0x23b: {  	v19 =	vadd.f32 v19, v22;
	_ =	sdelay $0x1  }
0x23c: {  	[tilespmem:v20+s3+$0x0] =	vst.idx.msk $0xffff, v19  }
0x23d: {  	v20 =	vadd.s32 s0, v0;
	v23 =	vld.idx.msk [tilespmem:v18+s16+$0x0], $0xffff  }
0x23e: {  	s0 =	sand.u32 $0x30, s0;
	v19 =	vor.u32 v15, v17;
	v18 =	vand.u32 $0xF, v20;
	v21 =	vshll.u32 v20, $0x7  }
.Ltmp3:
0x23f: {  	v17 =	vor.u32 s0, v18;
	v18 =	vand.u32 $0x7, v20;
	v24 =	vand.u32 $0x380, v21;
	(pc) =	sbr.rel @p0 .LBB2_9-.Ltmp3, $4  }
0x240: {  	v21 =	vand.u32 $0x38, v17;
	v20 =	vor.u32 v16, v18;
	v17 =	vshll.u32 v17, $0x7  }
0x241: {  	v20 =	vor.u32 v21, v20;
	v18 =	vor.u32 v18, v21;
	v17 =	vand.u32 $0x1C00, v17  }
0x242: {  	v21 =	vor.u32 v1, v18;
	v17 =	vor.u32 v24, v17  }
0x243: {  	v22 =	vadd.f32 v23, v22  }
0x244: {  	_ =	sdelay $0x3  }
0x245: {  	[tilespmem:v19+s3+$0x0] =	vst.idx.msk $0xffff, v22  }
0x246: {  	v16 =	vld.idx.msk [tilespmem:v20+s30+$0x0], $0xffff  }
0x247: {  	v19 =	vld.idx.msk [tilespmem:v21+s16+$0x0], $0xffff;
	_ =	sdelay $0x1  }
0x248: {  	v20 =	vor.u32 v0, v17  }
0x249: {  	v21 =	vor.u32 v2, v18;
	_ =	sdelay $0x1  }
0x24a: {  	v19 =	vadd.f32 v19, v16;
	_ =	sdelay $0x1  }
0x24b: {  	[tilespmem:v20+s3+$0x0] =	vst.idx.msk $0xffff, v19  }
0x24c: {  	v19 =	vld.idx.msk [tilespmem:v21+s16+$0x0], $0xffff;
	_ =	sdelay $0x1  }
0x24d: {  	v20 =	vor.u32 v3, v17  }
0x24e: {  	v21 =	vor.u32 v4, v18;
	_ =	sdelay $0x1  }
0x24f: {  	v19 =	vadd.f32 v19, v16;
	_ =	sdelay $0x1  }
0x250: {  	[tilespmem:v20+s3+$0x0] =	vst.idx.msk $0xffff, v19  }
0x251: {  	v19 =	vld.idx.msk [tilespmem:v21+s16+$0x0], $0xffff;
	_ =	sdelay $0x1  }
0x252: {  	v20 =	vor.u32 v5, v17  }
0x253: {  	v21 =	vor.u32 v6, v18;
	_ =	sdelay $0x1  }
0x254: {  	v19 =	vadd.f32 v19, v16;
	_ =	sdelay $0x1  }
0x255: {  	[tilespmem:v20+s3+$0x0] =	vst.idx.msk $0xffff, v19  }
0x256: {  	v19 =	vld.idx.msk [tilespmem:v21+s16+$0x0], $0xffff;
	_ =	sdelay $0x1  }
0x257: {  	v20 =	vor.u32 v7, v17  }
0x258: {  	v21 =	vor.u32 v8, v18;
	_ =	sdelay $0x1  }
0x259: {  	v19 =	vadd.f32 v19, v16;
	_ =	sdelay $0x1  }
0x25a: {  	[tilespmem:v20+s3+$0x0] =	vst.idx.msk $0xffff, v19  }
0x25b: {  	v19 =	vld.idx.msk [tilespmem:v21+s16+$0x0], $0xffff;
	_ =	sdelay $0x1  }
0x25c: {  	v20 =	vor.u32 v9, v17  }
0x25d: {  	v21 =	vor.u32 v10, v18;
	_ =	sdelay $0x1  }
0x25e: {  	v19 =	vadd.f32 v19, v16;
	_ =	sdelay $0x1  }
0x25f: {  	[tilespmem:v20+s3+$0x0] =	vst.idx.msk $0xffff, v19  }
0x260: {  	v19 =	vld.idx.msk [tilespmem:v21+s16+$0x0], $0xffff;
	_ =	sdelay $0x1  }
0x261: {  	v20 =	vor.u32 v11, v17  }
0x262: {  	v21 =	vor.u32 v12, v18;
	_ =	sdelay $0x1  }
0x263: {  	v19 =	vadd.f32 v19, v16;
	_ =	sdelay $0x1  }
0x264: {  	[tilespmem:v20+s3+$0x0] =	vst.idx.msk $0xffff, v19  }
0x265: {  	v19 =	vld.idx.msk [tilespmem:v21+s16+$0x0], $0xffff;
	_ =	sdelay $0x1  }
0x266: {  	v20 =	vor.u32 v13, v17  }
0x267: {  	v18 =	vor.u32 v14, v18;
	_ =	sdelay $0x1  }
0x268: {  	v19 =	vadd.f32 v19, v16;
	_ =	sdelay $0x1  }
0x269: {  	[tilespmem:v20+s3+$0x0] =	vst.idx.msk $0xffff, v19  }
0x26a: {  	v18 =	vld.idx.msk [tilespmem:v18+s16+$0x0], $0xffff;
	_ =	sdelay $0x1  }
0x26b: {  	v17 =	vor.u32 v15, v17;
	_ =	sdelay $0x1  }
0x26c: {  	s0 =	sshll.u32 s12, $0x12  }
0x26d: {  	s0 =	sor.u32 s13, s0;
	v16 =	vadd.f32 v18, v16  }
0x26e: {  	s0 =	sshrl.u32 s0, $0x3  }
0x26f: {  	s0 =	sadd.s32 s1, s0;
	[tilespmem:v17+s3+$0x0] =	vst.idx.msk $0xffff, v16  }
0x270: {  	[hbm4b:s0+s22] =	stream.strided.scatter [tilespmem:s3], [sflag:$0x8], $0x2000, s23, s22, $0x38;
	[tilespmem:$0x133C0] =	vst v63  }
0x271: {  	_ =	swait.ge [sflag:s14], $0x2000  }
0x272: {  	s12 =	rddreg [dreg:$0xf]  }
0x273: {  	s0 =	sadd.s32 s12, s29  }
0x274: {  	s20 =	simm.s32 $0x0;
	[sflag:s14] =	ssyncset.done $0x0;
	s0 =	sshrl.u32 s0, $0x3  }
0x275: {  	s12 =	sadd.s32 $0x4, s15;
	[sflag:s14] =	ssyncadd.s32 $0xFFFFE000;
	s0 =	sadd.s32 s4, s0  }
0x276: {  	v17 =	vadd.s32 s20, v0;
	[tilespmem:s20], [sflag:$0x9] =	stream.linear.gather [hbm4b:s0+s20], $0x80, $0x38;
	[tilespmem:$0x133C0] =	vst v63  }
0x277: {  	v18 =	vand.u32 $0xF, v17;
	s0 =	sshll.u32 s12, $0x6;
	s20 =	sand.u32 $0x30, s20  }
0x278: {  	v19 =	vand.u32 $0x7, v17;
	_ =	swait.ge [sflag:s18], $0x2000;
	v16 =	vmov s0;
	v18 =	vor.u32 s20, v18  }
0x279: {  	[sflag:s18] =	ssyncset.done $0x0;
	v20 =	vand.u32 $0x38, v18;
	v21 =	vor.u32 v16, v19  }
0x27a: {  	s20 =	simm.s32 $0xC;
	[sflag:s18] =	ssyncadd.s32 $0xFFFFE000;
	v21 =	vor.u32 v20, v21;
	v19 =	vor.u32 v19, v20  }
0x27b: {  	_ =	swait.ge [sflag:s20], $0x80;
	v20 =	vor.u32 v1, v19  }
0x27c: {  	[sflag:s20] =	ssyncset.done $0x0  }
0x27d: {  	[sflag:s20] =	ssyncadd.s32 $0xFFFFFF80  }
0x27e: {  	[tilespmem:s16], [sflag:$0x4] =	stream.indirect.gather [hbm4b:s5+s28], $0x40, s8, s28, $0xb8;
	[tilespmem:$0x133C0] =	vst v63  }
0x27f: {  	v17 =	vshll.u32 v17, $0x7;
	v18 =	vshll.u32 v18, $0x7;
	v22 =	vld.idx.msk [tilespmem:v21+s30+$0x0], $0xffff  }
0x280: {  	v17 =	vand.u32 $0x380, v17;
	v18 =	vand.u32 $0x1C00, v18;
	v20 =	vld.idx.msk [tilespmem:v20+s2+$0x0], $0xffff  }
0x281: {  	v17 =	vor.u32 v17, v18  }
0x282: {  	v18 =	vor.u32 v0, v17  }
0x283: {  	v21 =	vor.u32 v2, v19;
	_ =	sdelay $0x1  }
0x284: {  	v20 =	vadd.f32 v20, v22;
	_ =	sdelay $0x1  }
0x285: {  	[tilespmem:v18+s17+$0x0] =	vst.idx.msk $0xffff, v20  }
0x286: {  	v18 =	vld.idx.msk [tilespmem:v21+s2+$0x0], $0xffff;
	_ =	sdelay $0x1  }
0x287: {  	v20 =	vor.u32 v3, v17  }
0x288: {  	v21 =	vor.u32 v4, v19;
	_ =	sdelay $0x1  }
0x289: {  	v18 =	vadd.f32 v18, v22;
	_ =	sdelay $0x1  }
0x28a: {  	[tilespmem:v20+s17+$0x0] =	vst.idx.msk $0xffff, v18  }
0x28b: {  	v18 =	vld.idx.msk [tilespmem:v21+s2+$0x0], $0xffff;
	_ =	sdelay $0x1  }
0x28c: {  	v20 =	vor.u32 v5, v17  }
0x28d: {  	v21 =	vor.u32 v6, v19;
	_ =	sdelay $0x1  }
0x28e: {  	v18 =	vadd.f32 v18, v22;
	_ =	sdelay $0x1  }
0x28f: {  	[tilespmem:v20+s17+$0x0] =	vst.idx.msk $0xffff, v18  }
0x290: {  	v18 =	vld.idx.msk [tilespmem:v21+s2+$0x0], $0xffff;
	_ =	sdelay $0x1  }
0x291: {  	v20 =	vor.u32 v7, v17  }
0x292: {  	v21 =	vor.u32 v8, v19;
	_ =	sdelay $0x1  }
0x293: {  	v18 =	vadd.f32 v18, v22;
	_ =	sdelay $0x1  }
0x294: {  	[tilespmem:v20+s17+$0x0] =	vst.idx.msk $0xffff, v18  }
0x295: {  	v18 =	vld.idx.msk [tilespmem:v21+s2+$0x0], $0xffff;
	_ =	sdelay $0x1  }
0x296: {  	v20 =	vor.u32 v9, v17  }
0x297: {  	v21 =	vor.u32 v10, v19;
	_ =	sdelay $0x1  }
0x298: {  	v18 =	vadd.f32 v18, v22;
	_ =	sdelay $0x1  }
0x299: {  	[tilespmem:v20+s17+$0x0] =	vst.idx.msk $0xffff, v18  }
0x29a: {  	v18 =	vld.idx.msk [tilespmem:v21+s2+$0x0], $0xffff;
	_ =	sdelay $0x1  }
0x29b: {  	v20 =	vor.u32 v11, v17  }
0x29c: {  	v21 =	vor.u32 v12, v19;
	_ =	sdelay $0x1  }
0x29d: {  	v18 =	vadd.f32 v18, v22;
	_ =	sdelay $0x1  }
0x29e: {  	[tilespmem:v20+s17+$0x0] =	vst.idx.msk $0xffff, v18  }
0x29f: {  	v18 =	vld.idx.msk [tilespmem:v21+s2+$0x0], $0xffff;
	_ =	sdelay $0x1  }
0x2a0: {  	v20 =	vor.u32 v13, v17  }
0x2a1: {  	v19 =	vor.u32 v14, v19;
	_ =	sdelay $0x1  }
0x2a2: {  	v18 =	vadd.f32 v18, v22  }
0x2a3: {  	s20 =	simm.s32 $0x1  }
0x2a4: {  	[tilespmem:v20+s17+$0x0] =	vst.idx.msk $0xffff, v18;
	v18 =	vadd.s32 s20, v0  }
0x2a5: {  	s0 =	sand.u32 $0x30, s20;
	v23 =	vld.idx.msk [tilespmem:v19+s2+$0x0], $0xffff;
	v20 =	vand.u32 $0xF, v18;
	v21 =	vshll.u32 v18, $0x7  }
0x2a6: {  	v19 =	vor.u32 v15, v17;
	v18 =	vand.u32 $0x7, v18;
	v17 =	vor.u32 s0, v20  }
0x2a7: {  	v24 =	vand.u32 $0x380, v21;
	v20 =	vor.u32 v16, v18;
	v21 =	vand.u32 $0x38, v17  }
0x2a8: {  	v17 =	vshll.u32 v17, $0x7;
	v20 =	vor.u32 v21, v20;
	v18 =	vor.u32 v18, v21  }
0x2a9: {  	v17 =	vand.u32 $0x1C00, v17;
	v21 =	vor.u32 v1, v18  }
0x2aa: {  	s20 =	simm.s32 $0x2;
	v17 =	vor.u32 v24, v17;
	v22 =	vadd.f32 v23, v22  }
.LBB2_11:
0x2ab: {  	_ = 	snop  }
0x2ac: {  	p0 =	sne.s32 s20, $0x3F;
	s0 =	smov.u32 s20;
	s20 =	sadd.s32 $0x1, s20;
	[tilespmem:v19+s17+$0x0] =	vst.idx.msk $0xffff, v22  }
0x2ad: {  	v22 =	vld.idx.msk [tilespmem:v20+s30+$0x0], $0xffff  }
0x2ae: {  	v19 =	vld.idx.msk [tilespmem:v21+s2+$0x0], $0xffff;
	_ =	sdelay $0x2  }
0x2af: {  	v20 =	vor.u32 v0, v17  }
0x2b0: {  	v21 =	vor.u32 v2, v18;
	_ =	sdelay $0x1  }
0x2b1: {  	v19 =	vadd.f32 v19, v22;
	_ =	sdelay $0x1  }
0x2b2: {  	[tilespmem:v20+s17+$0x0] =	vst.idx.msk $0xffff, v19  }
0x2b3: {  	v19 =	vld.idx.msk [tilespmem:v21+s2+$0x0], $0xffff;
	_ =	sdelay $0x2  }
0x2b4: {  	v20 =	vor.u32 v3, v17  }
0x2b5: {  	v21 =	vor.u32 v4, v18;
	_ =	sdelay $0x1  }
0x2b6: {  	v19 =	vadd.f32 v19, v22;
	_ =	sdelay $0x1  }
0x2b7: {  	[tilespmem:v20+s17+$0x0] =	vst.idx.msk $0xffff, v19  }
0x2b8: {  	v19 =	vld.idx.msk [tilespmem:v21+s2+$0x0], $0xffff;
	_ =	sdelay $0x2  }
0x2b9: {  	v20 =	vor.u32 v5, v17  }
0x2ba: {  	v21 =	vor.u32 v6, v18;
	_ =	sdelay $0x1  }
0x2bb: {  	v19 =	vadd.f32 v19, v22;
	_ =	sdelay $0x1  }
0x2bc: {  	[tilespmem:v20+s17+$0x0] =	vst.idx.msk $0xffff, v19  }
0x2bd: {  	v19 =	vld.idx.msk [tilespmem:v21+s2+$0x0], $0xffff;
	_ =	sdelay $0x2  }
0x2be: {  	v20 =	vor.u32 v7, v17  }
0x2bf: {  	v21 =	vor.u32 v8, v18;
	_ =	sdelay $0x1  }
0x2c0: {  	v19 =	vadd.f32 v19, v22;
	_ =	sdelay $0x1  }
0x2c1: {  	[tilespmem:v20+s17+$0x0] =	vst.idx.msk $0xffff, v19  }
0x2c2: {  	v19 =	vld.idx.msk [tilespmem:v21+s2+$0x0], $0xffff;
	_ =	sdelay $0x2  }
0x2c3: {  	v20 =	vor.u32 v9, v17  }
0x2c4: {  	v21 =	vor.u32 v10, v18;
	_ =	sdelay $0x1  }
0x2c5: {  	v19 =	vadd.f32 v19, v22;
	_ =	sdelay $0x1  }
0x2c6: {  	[tilespmem:v20+s17+$0x0] =	vst.idx.msk $0xffff, v19  }
0x2c7: {  	v19 =	vld.idx.msk [tilespmem:v21+s2+$0x0], $0xffff;
	_ =	sdelay $0x2  }
0x2c8: {  	v20 =	vor.u32 v11, v17  }
0x2c9: {  	v21 =	vor.u32 v12, v18;
	_ =	sdelay $0x1  }
0x2ca: {  	v19 =	vadd.f32 v19, v22;
	_ =	sdelay $0x1  }
0x2cb: {  	[tilespmem:v20+s17+$0x0] =	vst.idx.msk $0xffff, v19  }
0x2cc: {  	v19 =	vld.idx.msk [tilespmem:v21+s2+$0x0], $0xffff;
	_ =	sdelay $0x2  }
0x2cd: {  	v20 =	vor.u32 v13, v17  }
0x2ce: {  	v18 =	vor.u32 v14, v18;
	_ =	sdelay $0x1  }
0x2cf: {  	v19 =	vadd.f32 v19, v22;
	_ =	sdelay $0x1  }
0x2d0: {  	[tilespmem:v20+s17+$0x0] =	vst.idx.msk $0xffff, v19  }
0x2d1: {  	v20 =	vadd.s32 s0, v0;
	v23 =	vld.idx.msk [tilespmem:v18+s2+$0x0], $0xffff  }
0x2d2: {  	s0 =	sand.u32 $0x30, s0;
	v19 =	vor.u32 v15, v17;
	v18 =	vand.u32 $0xF, v20;
	v21 =	vshll.u32 v20, $0x7  }
.Ltmp4:
0x2d3: {  	v17 =	vor.u32 s0, v18;
	v18 =	vand.u32 $0x7, v20;
	v24 =	vand.u32 $0x380, v21;
	(pc) =	sbr.rel @p0 .LBB2_11-.Ltmp4, $4  }
0x2d4: {  	v21 =	vand.u32 $0x38, v17;
	v20 =	vor.u32 v16, v18;
	v17 =	vshll.u32 v17, $0x7  }
0x2d5: {  	v20 =	vor.u32 v21, v20;
	v18 =	vor.u32 v18, v21;
	v17 =	vand.u32 $0x1C00, v17  }
0x2d6: {  	v21 =	vor.u32 v1, v18;
	v17 =	vor.u32 v24, v17  }
0x2d7: {  	v22 =	vadd.f32 v23, v22  }
0x2d8: {  	_ =	sdelay $0x3  }
0x2d9: {  	[tilespmem:v19+s17+$0x0] =	vst.idx.msk $0xffff, v22  }
0x2da: {  	v16 =	vld.idx.msk [tilespmem:v20+s30+$0x0], $0xffff  }
0x2db: {  	v19 =	vld.idx.msk [tilespmem:v21+s2+$0x0], $0xffff;
	_ =	sdelay $0x1  }
0x2dc: {  	v20 =	vor.u32 v0, v17  }
0x2dd: {  	v21 =	vor.u32 v2, v18;
	_ =	sdelay $0x1  }
0x2de: {  	v19 =	vadd.f32 v19, v16;
	_ =	sdelay $0x1  }
0x2df: {  	[tilespmem:v20+s17+$0x0] =	vst.idx.msk $0xffff, v19  }
0x2e0: {  	v19 =	vld.idx.msk [tilespmem:v21+s2+$0x0], $0xffff;
	_ =	sdelay $0x1  }
0x2e1: {  	v20 =	vor.u32 v3, v17  }
0x2e2: {  	v21 =	vor.u32 v4, v18;
	_ =	sdelay $0x1  }
0x2e3: {  	v19 =	vadd.f32 v19, v16;
	_ =	sdelay $0x1  }
0x2e4: {  	[tilespmem:v20+s17+$0x0] =	vst.idx.msk $0xffff, v19  }
0x2e5: {  	v19 =	vld.idx.msk [tilespmem:v21+s2+$0x0], $0xffff;
	_ =	sdelay $0x1  }
0x2e6: {  	v20 =	vor.u32 v5, v17  }
0x2e7: {  	v21 =	vor.u32 v6, v18;
	_ =	sdelay $0x1  }
0x2e8: {  	v19 =	vadd.f32 v19, v16;
	_ =	sdelay $0x1  }
0x2e9: {  	[tilespmem:v20+s17+$0x0] =	vst.idx.msk $0xffff, v19  }
0x2ea: {  	v19 =	vld.idx.msk [tilespmem:v21+s2+$0x0], $0xffff;
	_ =	sdelay $0x1  }
0x2eb: {  	v20 =	vor.u32 v7, v17  }
0x2ec: {  	v21 =	vor.u32 v8, v18;
	_ =	sdelay $0x1  }
0x2ed: {  	v19 =	vadd.f32 v19, v16;
	_ =	sdelay $0x1  }
0x2ee: {  	[tilespmem:v20+s17+$0x0] =	vst.idx.msk $0xffff, v19  }
0x2ef: {  	v19 =	vld.idx.msk [tilespmem:v21+s2+$0x0], $0xffff;
	_ =	sdelay $0x1  }
0x2f0: {  	v20 =	vor.u32 v9, v17  }
0x2f1: {  	v21 =	vor.u32 v10, v18;
	_ =	sdelay $0x1  }
0x2f2: {  	v19 =	vadd.f32 v19, v16;
	_ =	sdelay $0x1  }
0x2f3: {  	[tilespmem:v20+s17+$0x0] =	vst.idx.msk $0xffff, v19  }
0x2f4: {  	v19 =	vld.idx.msk [tilespmem:v21+s2+$0x0], $0xffff;
	_ =	sdelay $0x1  }
0x2f5: {  	v20 =	vor.u32 v11, v17  }
0x2f6: {  	v21 =	vor.u32 v12, v18;
	_ =	sdelay $0x1  }
0x2f7: {  	v19 =	vadd.f32 v19, v16;
	_ =	sdelay $0x1  }
0x2f8: {  	[tilespmem:v20+s17+$0x0] =	vst.idx.msk $0xffff, v19  }
0x2f9: {  	v19 =	vld.idx.msk [tilespmem:v21+s2+$0x0], $0xffff;
	_ =	sdelay $0x1  }
0x2fa: {  	v20 =	vor.u32 v13, v17  }
0x2fb: {  	v18 =	vor.u32 v14, v18;
	_ =	sdelay $0x1  }
0x2fc: {  	v19 =	vadd.f32 v19, v16;
	_ =	sdelay $0x1  }
0x2fd: {  	[tilespmem:v20+s17+$0x0] =	vst.idx.msk $0xffff, v19  }
0x2fe: {  	v18 =	vld.idx.msk [tilespmem:v18+s2+$0x0], $0xffff;
	_ =	sdelay $0x1  }
0x2ff: {  	v17 =	vor.u32 v15, v17;
	_ =	sdelay $0x1  }
0x300: {  	s0 =	sshll.u32 s12, $0x12  }
0x301: {  	s0 =	sor.u32 s13, s0;
	v16 =	vadd.f32 v18, v16  }
0x302: {  	s0 =	sshrl.u32 s0, $0x3  }
0x303: {  	s0 =	sadd.s32 s1, s0;
	[tilespmem:v17+s17+$0x0] =	vst.idx.msk $0xffff, v16  }
0x304: {  	[hbm4b:s0+s22] =	stream.strided.scatter [tilespmem:s17], [sflag:$0x5], $0x2000, s23, s22, $0x38;
	[tilespmem:$0x133C0] =	vst v63  }
0x305: {  	_ =	swait.ge [sflag:s24], $0x2000  }
0x306: {  	s20 =	rddreg [dreg:$0x10]  }
0x307: {  	s0 =	sadd.s32 s20, s29  }
0x308: {  	s12 =	sadd.s32 $0x5, s15;
	[sflag:s24] =	ssyncset.done $0x0;
	s0 =	sshrl.u32 s0, $0x3  }
0x309: {  	[sflag:s24] =	ssyncadd.s32 $0xFFFFE000;
	s20 =	simm.s32 $0x0;
	s0 =	sadd.s32 s4, s0  }
0x30a: {  	v17 =	vadd.s32 s20, v0;
	[tilespmem:s28], [sflag:$0xA] =	stream.linear.gather [hbm4b:s0+s20], $0x80, $0x38;
	[tilespmem:$0x133C0] =	vst v63  }
0x30b: {  	s8 =	sand.u32 $0x30, s20;
	v18 =	vand.u32 $0xF, v17;
	s0 =	sshll.u32 s12, $0x6  }
0x30c: {  	v19 =	vand.u32 $0x7, v17;
	v18 =	vor.u32 s8, v18;
	v16 =	vmov s0;
	_ =	swait.ge [sflag:s19], $0x2000  }
0x30d: {  	v20 =	vand.u32 $0x38, v18;
	[sflag:s19] =	ssyncset.done $0x0;
	v21 =	vor.u32 v16, v19  }
0x30e: {  	s8 =	simm.s32 $0x9;
	v19 =	vor.u32 v19, v20;
	[sflag:s19] =	ssyncadd.s32 $0xFFFFE000;
	v21 =	vor.u32 v20, v21  }
0x30f: {  	v20 =	vor.u32 v1, v19;
	_ =	swait.ge [sflag:s8], $0x80  }
0x310: {  	[sflag:s8] =	ssyncset.done $0x0  }
0x311: {  	[sflag:s8] =	ssyncadd.s32 $0xFFFFFF80  }
0x312: {  	[tilespmem:s2], [sflag:$0x1] =	stream.indirect.gather [hbm4b:s5+s28], $0x40, s20, s28, $0xb8;
	[tilespmem:$0x133C0] =	vst v63  }
0x313: {  	v17 =	vshll.u32 v17, $0x7;
	v18 =	vshll.u32 v18, $0x7;
	v22 =	vld.idx.msk [tilespmem:v21+s30+$0x0], $0xffff  }
0x314: {  	v17 =	vand.u32 $0x380, v17;
	v18 =	vand.u32 $0x1C00, v18;
	v20 =	vld.idx.msk [tilespmem:v20+s9+$0x0], $0xffff  }
0x315: {  	v17 =	vor.u32 v17, v18  }
0x316: {  	v18 =	vor.u32 v0, v17  }
0x317: {  	v21 =	vor.u32 v2, v19;
	_ =	sdelay $0x1  }
0x318: {  	v20 =	vadd.f32 v20, v22;
	_ =	sdelay $0x1  }
0x319: {  	[tilespmem:v18+s25+$0x0] =	vst.idx.msk $0xffff, v20  }
0x31a: {  	v18 =	vld.idx.msk [tilespmem:v21+s9+$0x0], $0xffff;
	_ =	sdelay $0x1  }
0x31b: {  	v20 =	vor.u32 v3, v17  }
0x31c: {  	v21 =	vor.u32 v4, v19;
	_ =	sdelay $0x1  }
0x31d: {  	v18 =	vadd.f32 v18, v22;
	_ =	sdelay $0x1  }
0x31e: {  	[tilespmem:v20+s25+$0x0] =	vst.idx.msk $0xffff, v18  }
0x31f: {  	v18 =	vld.idx.msk [tilespmem:v21+s9+$0x0], $0xffff;
	_ =	sdelay $0x1  }
0x320: {  	v20 =	vor.u32 v5, v17  }
0x321: {  	v21 =	vor.u32 v6, v19;
	_ =	sdelay $0x1  }
0x322: {  	v18 =	vadd.f32 v18, v22;
	_ =	sdelay $0x1  }
0x323: {  	[tilespmem:v20+s25+$0x0] =	vst.idx.msk $0xffff, v18  }
0x324: {  	v18 =	vld.idx.msk [tilespmem:v21+s9+$0x0], $0xffff;
	_ =	sdelay $0x1  }
0x325: {  	v20 =	vor.u32 v7, v17  }
0x326: {  	v21 =	vor.u32 v8, v19;
	_ =	sdelay $0x1  }
0x327: {  	v18 =	vadd.f32 v18, v22;
	_ =	sdelay $0x1  }
0x328: {  	[tilespmem:v20+s25+$0x0] =	vst.idx.msk $0xffff, v18  }
0x329: {  	v18 =	vld.idx.msk [tilespmem:v21+s9+$0x0], $0xffff;
	_ =	sdelay $0x1  }
0x32a: {  	v20 =	vor.u32 v9, v17  }
0x32b: {  	v21 =	vor.u32 v10, v19;
	_ =	sdelay $0x1  }
0x32c: {  	v18 =	vadd.f32 v18, v22;
	_ =	sdelay $0x1  }
0x32d: {  	[tilespmem:v20+s25+$0x0] =	vst.idx.msk $0xffff, v18  }
0x32e: {  	v18 =	vld.idx.msk [tilespmem:v21+s9+$0x0], $0xffff;
	_ =	sdelay $0x1  }
0x32f: {  	v20 =	vor.u32 v11, v17  }
0x330: {  	v21 =	vor.u32 v12, v19;
	_ =	sdelay $0x1  }
0x331: {  	v18 =	vadd.f32 v18, v22;
	_ =	sdelay $0x1  }
0x332: {  	[tilespmem:v20+s25+$0x0] =	vst.idx.msk $0xffff, v18  }
0x333: {  	v18 =	vld.idx.msk [tilespmem:v21+s9+$0x0], $0xffff;
	_ =	sdelay $0x1  }
0x334: {  	v20 =	vor.u32 v13, v17  }
0x335: {  	v19 =	vor.u32 v14, v19;
	_ =	sdelay $0x1  }
0x336: {  	v18 =	vadd.f32 v18, v22  }
0x337: {  	s20 =	simm.s32 $0x1  }
0x338: {  	[tilespmem:v20+s25+$0x0] =	vst.idx.msk $0xffff, v18;
	v18 =	vadd.s32 s20, v0  }
0x339: {  	s0 =	sand.u32 $0x30, s20;
	v23 =	vld.idx.msk [tilespmem:v19+s9+$0x0], $0xffff;
	v20 =	vand.u32 $0xF, v18;
	v21 =	vshll.u32 v18, $0x7  }
0x33a: {  	v19 =	vor.u32 v15, v17;
	v18 =	vand.u32 $0x7, v18;
	v17 =	vor.u32 s0, v20  }
0x33b: {  	v24 =	vand.u32 $0x380, v21;
	v20 =	vor.u32 v16, v18;
	v21 =	vand.u32 $0x38, v17  }
0x33c: {  	v17 =	vshll.u32 v17, $0x7;
	v20 =	vor.u32 v21, v20;
	v18 =	vor.u32 v18, v21  }
0x33d: {  	v17 =	vand.u32 $0x1C00, v17;
	v21 =	vor.u32 v1, v18  }
0x33e: {  	s20 =	simm.s32 $0x2;
	v17 =	vor.u32 v24, v17;
	v22 =	vadd.f32 v23, v22  }
.LBB2_13:
0x33f: {  	_ = 	snop  }
0x340: {  	p0 =	sne.s32 s20, $0x3F;
	s0 =	smov.u32 s20;
	s20 =	sadd.s32 $0x1, s20;
	[tilespmem:v19+s25+$0x0] =	vst.idx.msk $0xffff, v22  }
0x341: {  	v22 =	vld.idx.msk [tilespmem:v20+s30+$0x0], $0xffff  }
0x342: {  	v19 =	vld.idx.msk [tilespmem:v21+s9+$0x0], $0xffff;
	_ =	sdelay $0x2  }
0x343: {  	v20 =	vor.u32 v0, v17  }
0x344: {  	v21 =	vor.u32 v2, v18;
	_ =	sdelay $0x1  }
0x345: {  	v19 =	vadd.f32 v19, v22;
	_ =	sdelay $0x1  }
0x346: {  	[tilespmem:v20+s25+$0x0] =	vst.idx.msk $0xffff, v19  }
0x347: {  	v19 =	vld.idx.msk [tilespmem:v21+s9+$0x0], $0xffff;
	_ =	sdelay $0x2  }
0x348: {  	v20 =	vor.u32 v3, v17  }
0x349: {  	v21 =	vor.u32 v4, v18;
	_ =	sdelay $0x1  }
0x34a: {  	v19 =	vadd.f32 v19, v22;
	_ =	sdelay $0x1  }
0x34b: {  	[tilespmem:v20+s25+$0x0] =	vst.idx.msk $0xffff, v19  }
0x34c: {  	v19 =	vld.idx.msk [tilespmem:v21+s9+$0x0], $0xffff;
	_ =	sdelay $0x2  }
0x34d: {  	v20 =	vor.u32 v5, v17  }
0x34e: {  	v21 =	vor.u32 v6, v18;
	_ =	sdelay $0x1  }
0x34f: {  	v19 =	vadd.f32 v19, v22;
	_ =	sdelay $0x1  }
0x350: {  	[tilespmem:v20+s25+$0x0] =	vst.idx.msk $0xffff, v19  }
0x351: {  	v19 =	vld.idx.msk [tilespmem:v21+s9+$0x0], $0xffff;
	_ =	sdelay $0x2  }
0x352: {  	v20 =	vor.u32 v7, v17  }
0x353: {  	v21 =	vor.u32 v8, v18;
	_ =	sdelay $0x1  }
0x354: {  	v19 =	vadd.f32 v19, v22;
	_ =	sdelay $0x1  }
0x355: {  	[tilespmem:v20+s25+$0x0] =	vst.idx.msk $0xffff, v19  }
0x356: {  	v19 =	vld.idx.msk [tilespmem:v21+s9+$0x0], $0xffff;
	_ =	sdelay $0x2  }
0x357: {  	v20 =	vor.u32 v9, v17  }
0x358: {  	v21 =	vor.u32 v10, v18;
	_ =	sdelay $0x1  }
0x359: {  	v19 =	vadd.f32 v19, v22;
	_ =	sdelay $0x1  }
0x35a: {  	[tilespmem:v20+s25+$0x0] =	vst.idx.msk $0xffff, v19  }
0x35b: {  	v19 =	vld.idx.msk [tilespmem:v21+s9+$0x0], $0xffff;
	_ =	sdelay $0x2  }
0x35c: {  	v20 =	vor.u32 v11, v17  }
0x35d: {  	v21 =	vor.u32 v12, v18;
	_ =	sdelay $0x1  }
0x35e: {  	v19 =	vadd.f32 v19, v22;
	_ =	sdelay $0x1  }
0x35f: {  	[tilespmem:v20+s25+$0x0] =	vst.idx.msk $0xffff, v19  }
0x360: {  	v19 =	vld.idx.msk [tilespmem:v21+s9+$0x0], $0xffff;
	_ =	sdelay $0x2  }
0x361: {  	v20 =	vor.u32 v13, v17  }
0x362: {  	v18 =	vor.u32 v14, v18;
	_ =	sdelay $0x1  }
0x363: {  	v19 =	vadd.f32 v19, v22;
	_ =	sdelay $0x1  }
0x364: {  	[tilespmem:v20+s25+$0x0] =	vst.idx.msk $0xffff, v19  }
0x365: {  	v20 =	vadd.s32 s0, v0;
	v23 =	vld.idx.msk [tilespmem:v18+s9+$0x0], $0xffff  }
0x366: {  	s0 =	sand.u32 $0x30, s0;
	v19 =	vor.u32 v15, v17;
	v18 =	vand.u32 $0xF, v20;
	v21 =	vshll.u32 v20, $0x7  }
.Ltmp5:
0x367: {  	v17 =	vor.u32 s0, v18;
	v18 =	vand.u32 $0x7, v20;
	v24 =	vand.u32 $0x380, v21;
	(pc) =	sbr.rel @p0 .LBB2_13-.Ltmp5, $4  }
0x368: {  	v21 =	vand.u32 $0x38, v17;
	v20 =	vor.u32 v16, v18;
	v17 =	vshll.u32 v17, $0x7  }
0x369: {  	v20 =	vor.u32 v21, v20;
	v18 =	vor.u32 v18, v21;
	v17 =	vand.u32 $0x1C00, v17  }
0x36a: {  	v21 =	vor.u32 v1, v18;
	v17 =	vor.u32 v24, v17  }
0x36b: {  	v22 =	vadd.f32 v23, v22  }
0x36c: {  	_ =	sdelay $0x3  }
0x36d: {  	[tilespmem:v19+s25+$0x0] =	vst.idx.msk $0xffff, v22  }
0x36e: {  	v16 =	vld.idx.msk [tilespmem:v20+s30+$0x0], $0xffff  }
0x36f: {  	v19 =	vld.idx.msk [tilespmem:v21+s9+$0x0], $0xffff;
	_ =	sdelay $0x1  }
0x370: {  	v20 =	vor.u32 v0, v17  }
0x371: {  	v21 =	vor.u32 v2, v18;
	_ =	sdelay $0x1  }
0x372: {  	v19 =	vadd.f32 v19, v16;
	_ =	sdelay $0x1  }
0x373: {  	[tilespmem:v20+s25+$0x0] =	vst.idx.msk $0xffff, v19  }
0x374: {  	v19 =	vld.idx.msk [tilespmem:v21+s9+$0x0], $0xffff;
	_ =	sdelay $0x1  }
0x375: {  	v20 =	vor.u32 v3, v17  }
0x376: {  	v21 =	vor.u32 v4, v18;
	_ =	sdelay $0x1  }
0x377: {  	v19 =	vadd.f32 v19, v16;
	_ =	sdelay $0x1  }
0x378: {  	[tilespmem:v20+s25+$0x0] =	vst.idx.msk $0xffff, v19  }
0x379: {  	v19 =	vld.idx.msk [tilespmem:v21+s9+$0x0], $0xffff;
	_ =	sdelay $0x1  }
0x37a: {  	v20 =	vor.u32 v5, v17  }
0x37b: {  	v21 =	vor.u32 v6, v18;
	_ =	sdelay $0x1  }
0x37c: {  	v19 =	vadd.f32 v19, v16;
	_ =	sdelay $0x1  }
0x37d: {  	[tilespmem:v20+s25+$0x0] =	vst.idx.msk $0xffff, v19  }
0x37e: {  	v19 =	vld.idx.msk [tilespmem:v21+s9+$0x0], $0xffff;
	_ =	sdelay $0x1  }
0x37f: {  	v20 =	vor.u32 v7, v17  }
0x380: {  	v21 =	vor.u32 v8, v18;
	_ =	sdelay $0x1  }
0x381: {  	v19 =	vadd.f32 v19, v16;
	_ =	sdelay $0x1  }
0x382: {  	[tilespmem:v20+s25+$0x0] =	vst.idx.msk $0xffff, v19  }
0x383: {  	v19 =	vld.idx.msk [tilespmem:v21+s9+$0x0], $0xffff;
	_ =	sdelay $0x1  }
0x384: {  	v20 =	vor.u32 v9, v17  }
0x385: {  	v21 =	vor.u32 v10, v18;
	_ =	sdelay $0x1  }
0x386: {  	v19 =	vadd.f32 v19, v16;
	_ =	sdelay $0x1  }
0x387: {  	[tilespmem:v20+s25+$0x0] =	vst.idx.msk $0xffff, v19  }
0x388: {  	v19 =	vld.idx.msk [tilespmem:v21+s9+$0x0], $0xffff;
	_ =	sdelay $0x1  }
0x389: {  	v20 =	vor.u32 v11, v17  }
0x38a: {  	v21 =	vor.u32 v12, v18;
	_ =	sdelay $0x1  }
0x38b: {  	v19 =	vadd.f32 v19, v16;
	_ =	sdelay $0x1  }
0x38c: {  	[tilespmem:v20+s25+$0x0] =	vst.idx.msk $0xffff, v19  }
0x38d: {  	v19 =	vld.idx.msk [tilespmem:v21+s9+$0x0], $0xffff;
	_ =	sdelay $0x1  }
0x38e: {  	v20 =	vor.u32 v13, v17  }
0x38f: {  	v18 =	vor.u32 v14, v18;
	_ =	sdelay $0x1  }
0x390: {  	v19 =	vadd.f32 v19, v16;
	_ =	sdelay $0x1  }
0x391: {  	[tilespmem:v20+s25+$0x0] =	vst.idx.msk $0xffff, v19  }
0x392: {  	v18 =	vld.idx.msk [tilespmem:v18+s9+$0x0], $0xffff;
	_ =	sdelay $0x1  }
0x393: {  	v17 =	vor.u32 v15, v17;
	_ =	sdelay $0x1  }
0x394: {  	s0 =	sshll.u32 s12, $0x12  }
0x395: {  	s0 =	sor.u32 s13, s0;
	v16 =	vadd.f32 v18, v16  }
0x396: {  	s0 =	sshrl.u32 s0, $0x3  }
0x397: {  	s0 =	sadd.s32 s1, s0;
	[tilespmem:v17+s25+$0x0] =	vst.idx.msk $0xffff, v16  }
0x398: {  	[hbm4b:s0+s22] =	stream.strided.scatter [tilespmem:s25], [sflag:$0x6], $0x2000, s23, s22, $0x38;
	[tilespmem:$0x133C0] =	vst v63  }
0x399: {  	_ =	swait.ge [sflag:s26], $0x2000  }
0x39a: {  	s12 =	rddreg [dreg:$0x11]  }
0x39b: {  	s8 =	simm.s32 $0x0;
	s0 =	sadd.s32 s12, s29  }
0x39c: {  	s20 =	simm.s32 $0x100;
	[sflag:s26] =	ssyncset.done $0x0;
	s0 =	sshrl.u32 s0, $0x3  }
0x39d: {  	s12 =	sadd.s32 $0x6, s15;
	[sflag:s26] =	ssyncadd.s32 $0xFFFFE000;
	s0 =	sadd.s32 s4, s0  }
0x39e: {  	v17 =	vadd.s32 s8, v0;
	[tilespmem:s20], [sflag:$0xB] =	stream.linear.gather [hbm4b:s0+s8], $0x80, $0x38;
	[tilespmem:$0x133C0] =	vst v63  }
0x39f: {  	v18 =	vand.u32 $0xF, v17;
	s29 =	simm.s32 $0x8;
	s15 =	sshll.u32 s12, $0x6;
	s8 =	sand.u32 $0x30, s8  }
0x3a0: {  	v19 =	vand.u32 $0x7, v17;
	v16 =	vmov s15;
	_ =	swait.ge [sflag:s29], $0x2000;
	v18 =	vor.u32 s8, v18  }
0x3a1: {  	v21 =	vor.u32 v16, v19;
	[sflag:s29] =	ssyncset.done $0x0;
	v20 =	vand.u32 $0x38, v18  }
0x3a2: {  	s15 =	simm.s32 $0xA;
	[sflag:s29] =	ssyncadd.s32 $0xFFFFE000;
	v21 =	vor.u32 v20, v21;
	v19 =	vor.u32 v19, v20  }
0x3a3: {  	_ =	swait.ge [sflag:s15], $0x80;
	v20 =	vor.u32 v1, v19  }
0x3a4: {  	[sflag:s15] =	ssyncset.done $0x0  }
0x3a5: {  	[sflag:s15] =	ssyncadd.s32 $0xFFFFFF80  }
0x3a6: {  	[tilespmem:s9], [sflag:$0x2] =	stream.indirect.gather [hbm4b:s5+s28], $0x40, s28, s28, $0xb8;
	[tilespmem:$0x133C0] =	vst v63  }
0x3a7: {  	v17 =	vshll.u32 v17, $0x7;
	v18 =	vshll.u32 v18, $0x7;
	v22 =	vld.idx.msk [tilespmem:v21+s30+$0x0], $0xffff  }
0x3a8: {  	v17 =	vand.u32 $0x380, v17;
	v18 =	vand.u32 $0x1C00, v18;
	v20 =	vld.idx.msk [tilespmem:v20+s11+$0x0], $0xffff  }
0x3a9: {  	v17 =	vor.u32 v17, v18  }
0x3aa: {  	v18 =	vor.u32 v0, v17  }
0x3ab: {  	v21 =	vor.u32 v2, v19;
	_ =	sdelay $0x1  }
0x3ac: {  	v20 =	vadd.f32 v20, v22;
	_ =	sdelay $0x1  }
0x3ad: {  	[tilespmem:v18+s7+$0x0] =	vst.idx.msk $0xffff, v20  }
0x3ae: {  	v18 =	vld.idx.msk [tilespmem:v21+s11+$0x0], $0xffff;
	_ =	sdelay $0x1  }
0x3af: {  	v20 =	vor.u32 v3, v17  }
0x3b0: {  	v21 =	vor.u32 v4, v19;
	_ =	sdelay $0x1  }
0x3b1: {  	v18 =	vadd.f32 v18, v22;
	_ =	sdelay $0x1  }
0x3b2: {  	[tilespmem:v20+s7+$0x0] =	vst.idx.msk $0xffff, v18  }
0x3b3: {  	v18 =	vld.idx.msk [tilespmem:v21+s11+$0x0], $0xffff;
	_ =	sdelay $0x1  }
0x3b4: {  	v20 =	vor.u32 v5, v17  }
0x3b5: {  	v21 =	vor.u32 v6, v19;
	_ =	sdelay $0x1  }
0x3b6: {  	v18 =	vadd.f32 v18, v22;
	_ =	sdelay $0x1  }
0x3b7: {  	[tilespmem:v20+s7+$0x0] =	vst.idx.msk $0xffff, v18  }
0x3b8: {  	v18 =	vld.idx.msk [tilespmem:v21+s11+$0x0], $0xffff;
	_ =	sdelay $0x1  }
0x3b9: {  	v20 =	vor.u32 v7, v17  }
0x3ba: {  	v21 =	vor.u32 v8, v19;
	_ =	sdelay $0x1  }
0x3bb: {  	v18 =	vadd.f32 v18, v22;
	_ =	sdelay $0x1  }
0x3bc: {  	[tilespmem:v20+s7+$0x0] =	vst.idx.msk $0xffff, v18  }
0x3bd: {  	v18 =	vld.idx.msk [tilespmem:v21+s11+$0x0], $0xffff;
	_ =	sdelay $0x1  }
0x3be: {  	v20 =	vor.u32 v9, v17  }
0x3bf: {  	v21 =	vor.u32 v10, v19;
	_ =	sdelay $0x1  }
0x3c0: {  	v18 =	vadd.f32 v18, v22;
	_ =	sdelay $0x1  }
0x3c1: {  	[tilespmem:v20+s7+$0x0] =	vst.idx.msk $0xffff, v18  }
0x3c2: {  	v18 =	vld.idx.msk [tilespmem:v21+s11+$0x0], $0xffff;
	_ =	sdelay $0x1  }
0x3c3: {  	v20 =	vor.u32 v11, v17  }
0x3c4: {  	v21 =	vor.u32 v12, v19;
	_ =	sdelay $0x1  }
0x3c5: {  	v18 =	vadd.f32 v18, v22;
	_ =	sdelay $0x1  }
0x3c6: {  	[tilespmem:v20+s7+$0x0] =	vst.idx.msk $0xffff, v18  }
0x3c7: {  	v18 =	vld.idx.msk [tilespmem:v21+s11+$0x0], $0xffff;
	_ =	sdelay $0x1  }
0x3c8: {  	v20 =	vor.u32 v13, v17  }
0x3c9: {  	v19 =	vor.u32 v14, v19;
	_ =	sdelay $0x1  }
0x3ca: {  	v18 =	vadd.f32 v18, v22  }
0x3cb: {  	s29 =	simm.s32 $0x1  }
0x3cc: {  	[tilespmem:v20+s7+$0x0] =	vst.idx.msk $0xffff, v18;
	v18 =	vadd.s32 s29, v0  }
0x3cd: {  	s0 =	sand.u32 $0x30, s29;
	v23 =	vld.idx.msk [tilespmem:v19+s11+$0x0], $0xffff;
	v20 =	vand.u32 $0xF, v18;
	v21 =	vshll.u32 v18, $0x7  }
0x3ce: {  	v19 =	vor.u32 v15, v17;
	v18 =	vand.u32 $0x7, v18;
	v17 =	vor.u32 s0, v20  }
0x3cf: {  	v24 =	vand.u32 $0x380, v21;
	v20 =	vor.u32 v16, v18;
	v21 =	vand.u32 $0x38, v17  }
0x3d0: {  	v17 =	vshll.u32 v17, $0x7;
	v20 =	vor.u32 v21, v20;
	v18 =	vor.u32 v18, v21  }
0x3d1: {  	v17 =	vand.u32 $0x1C00, v17;
	v21 =	vor.u32 v1, v18  }
0x3d2: {  	s15 =	simm.s32 $0x2;
	v17 =	vor.u32 v24, v17;
	v22 =	vadd.f32 v23, v22  }
.LBB2_15:
0x3d3: {  	_ = 	snop  }
0x3d4: {  	p0 =	sne.s32 s15, $0x3F;
	s0 =	smov.u32 s15;
	s15 =	sadd.s32 $0x1, s15;
	[tilespmem:v19+s7+$0x0] =	vst.idx.msk $0xffff, v22  }
0x3d5: {  	v22 =	vld.idx.msk [tilespmem:v20+s30+$0x0], $0xffff  }
0x3d6: {  	v19 =	vld.idx.msk [tilespmem:v21+s11+$0x0], $0xffff;
	_ =	sdelay $0x2  }
0x3d7: {  	v20 =	vor.u32 v0, v17  }
0x3d8: {  	v21 =	vor.u32 v2, v18;
	_ =	sdelay $0x1  }
0x3d9: {  	v19 =	vadd.f32 v19, v22;
	_ =	sdelay $0x1  }
0x3da: {  	[tilespmem:v20+s7+$0x0] =	vst.idx.msk $0xffff, v19  }
0x3db: {  	v19 =	vld.idx.msk [tilespmem:v21+s11+$0x0], $0xffff;
	_ =	sdelay $0x2  }
0x3dc: {  	v20 =	vor.u32 v3, v17  }
0x3dd: {  	v21 =	vor.u32 v4, v18;
	_ =	sdelay $0x1  }
0x3de: {  	v19 =	vadd.f32 v19, v22;
	_ =	sdelay $0x1  }
0x3df: {  	[tilespmem:v20+s7+$0x0] =	vst.idx.msk $0xffff, v19  }
0x3e0: {  	v19 =	vld.idx.msk [tilespmem:v21+s11+$0x0], $0xffff;
	_ =	sdelay $0x2  }
0x3e1: {  	v20 =	vor.u32 v5, v17  }
0x3e2: {  	v21 =	vor.u32 v6, v18;
	_ =	sdelay $0x1  }
0x3e3: {  	v19 =	vadd.f32 v19, v22;
	_ =	sdelay $0x1  }
0x3e4: {  	[tilespmem:v20+s7+$0x0] =	vst.idx.msk $0xffff, v19  }
0x3e5: {  	v19 =	vld.idx.msk [tilespmem:v21+s11+$0x0], $0xffff;
	_ =	sdelay $0x2  }
0x3e6: {  	v20 =	vor.u32 v7, v17  }
0x3e7: {  	v21 =	vor.u32 v8, v18;
	_ =	sdelay $0x1  }
0x3e8: {  	v19 =	vadd.f32 v19, v22;
	_ =	sdelay $0x1  }
0x3e9: {  	[tilespmem:v20+s7+$0x0] =	vst.idx.msk $0xffff, v19  }
0x3ea: {  	v19 =	vld.idx.msk [tilespmem:v21+s11+$0x0], $0xffff;
	_ =	sdelay $0x2  }
0x3eb: {  	v20 =	vor.u32 v9, v17  }
0x3ec: {  	v21 =	vor.u32 v10, v18;
	_ =	sdelay $0x1  }
0x3ed: {  	v19 =	vadd.f32 v19, v22;
	_ =	sdelay $0x1  }
0x3ee: {  	[tilespmem:v20+s7+$0x0] =	vst.idx.msk $0xffff, v19  }
0x3ef: {  	v19 =	vld.idx.msk [tilespmem:v21+s11+$0x0], $0xffff;
	_ =	sdelay $0x2  }
0x3f0: {  	v20 =	vor.u32 v11, v17  }
0x3f1: {  	v21 =	vor.u32 v12, v18;
	_ =	sdelay $0x1  }
0x3f2: {  	v19 =	vadd.f32 v19, v22;
	_ =	sdelay $0x1  }
0x3f3: {  	[tilespmem:v20+s7+$0x0] =	vst.idx.msk $0xffff, v19  }
0x3f4: {  	v19 =	vld.idx.msk [tilespmem:v21+s11+$0x0], $0xffff;
	_ =	sdelay $0x2  }
0x3f5: {  	v20 =	vor.u32 v13, v17  }
0x3f6: {  	v18 =	vor.u32 v14, v18;
	_ =	sdelay $0x1  }
0x3f7: {  	v19 =	vadd.f32 v19, v22;
	_ =	sdelay $0x1  }
0x3f8: {  	[tilespmem:v20+s7+$0x0] =	vst.idx.msk $0xffff, v19  }
0x3f9: {  	v20 =	vadd.s32 s0, v0;
	v23 =	vld.idx.msk [tilespmem:v18+s11+$0x0], $0xffff  }
0x3fa: {  	s0 =	sand.u32 $0x30, s0;
	v19 =	vor.u32 v15, v17;
	v18 =	vand.u32 $0xF, v20;
	v21 =	vshll.u32 v20, $0x7  }
.Ltmp6:
0x3fb: {  	v17 =	vor.u32 s0, v18;
	v18 =	vand.u32 $0x7, v20;
	v24 =	vand.u32 $0x380, v21;
	(pc) =	sbr.rel @p0 .LBB2_15-.Ltmp6, $4  }
0x3fc: {  	v21 =	vand.u32 $0x38, v17;
	v20 =	vor.u32 v16, v18;
	v17 =	vshll.u32 v17, $0x7  }
0x3fd: {  	v20 =	vor.u32 v21, v20;
	v18 =	vor.u32 v18, v21;
	v17 =	vand.u32 $0x1C00, v17  }
0x3fe: {  	v21 =	vor.u32 v1, v18;
	v17 =	vor.u32 v24, v17  }
0x3ff: {  	v22 =	vadd.f32 v23, v22  }
0x400: {  	_ =	sdelay $0x3  }
0x401: {  	[tilespmem:v19+s7+$0x0] =	vst.idx.msk $0xffff, v22  }
0x402: {  	v16 =	vld.idx.msk [tilespmem:v20+s30+$0x0], $0xffff  }
0x403: {  	v19 =	vld.idx.msk [tilespmem:v21+s11+$0x0], $0xffff;
	_ =	sdelay $0x1  }
0x404: {  	v50 =	vor.u32 v0, v17  }
0x405: {  	v51 =	vor.u32 v2, v18;
	_ =	sdelay $0x1  }
0x406: {  	v19 =	vadd.f32 v19, v16;
	_ =	sdelay $0x1  }
0x407: {  	[tilespmem:v50+s7+$0x0] =	vst.idx.msk $0xffff, v19  }
0x408: {  	v19 =	vld.idx.msk [tilespmem:v51+s11+$0x0], $0xffff;
	_ =	sdelay $0x1  }
0x409: {  	v52 =	vor.u32 v3, v17  }
0x40a: {  	v53 =	vor.u32 v4, v18;
	_ =	sdelay $0x1  }
0x40b: {  	v19 =	vadd.f32 v19, v16;
	_ =	sdelay $0x1  }
0x40c: {  	[tilespmem:v52+s7+$0x0] =	vst.idx.msk $0xffff, v19  }
0x40d: {  	v19 =	vld.idx.msk [tilespmem:v53+s11+$0x0], $0xffff;
	_ =	sdelay $0x1  }
0x40e: {  	v54 =	vor.u32 v5, v17  }
0x40f: {  	v55 =	vor.u32 v6, v18;
	_ =	sdelay $0x1  }
0x410: {  	v19 =	vadd.f32 v19, v16;
	_ =	sdelay $0x1  }
0x411: {  	[tilespmem:v54+s7+$0x0] =	vst.idx.msk $0xffff, v19  }
0x412: {  	v19 =	vld.idx.msk [tilespmem:v55+s11+$0x0], $0xffff;
	_ =	sdelay $0x1  }
0x413: {  	v56 =	vor.u32 v7, v17  }
0x414: {  	v57 =	vor.u32 v8, v18;
	_ =	sdelay $0x1  }
0x415: {  	v19 =	vadd.f32 v19, v16;
	_ =	sdelay $0x1  }
0x416: {  	[tilespmem:v56+s7+$0x0] =	vst.idx.msk $0xffff, v19  }
0x417: {  	v19 =	vld.idx.msk [tilespmem:v57+s11+$0x0], $0xffff;
	_ =	sdelay $0x1  }
0x418: {  	v58 =	vor.u32 v9, v17  }
0x419: {  	v59 =	vor.u32 v10, v18;
	_ =	sdelay $0x1  }
0x41a: {  	v19 =	vadd.f32 v19, v16;
	_ =	sdelay $0x1  }
0x41b: {  	[tilespmem:v58+s7+$0x0] =	vst.idx.msk $0xffff, v19  }
0x41c: {  	v19 =	vld.idx.msk [tilespmem:v59+s11+$0x0], $0xffff;
	_ =	sdelay $0x1  }
0x41d: {  	v60 =	vor.u32 v11, v17  }
0x41e: {  	v61 =	vor.u32 v12, v18;
	_ =	sdelay $0x1  }
0x41f: {  	v19 =	vadd.f32 v19, v16;
	_ =	sdelay $0x1  }
0x420: {  	[tilespmem:v60+s7+$0x0] =	vst.idx.msk $0xffff, v19  }
0x421: {  	v19 =	vld.idx.msk [tilespmem:v61+s11+$0x0], $0xffff;
	_ =	sdelay $0x1  }
0x422: {  	v62 =	vor.u32 v13, v17  }
0x423: {  	v63 =	vor.u32 v14, v18;
	_ =	sdelay $0x1  }
0x424: {  	v19 =	vadd.f32 v19, v16;
	_ =	sdelay $0x1  }
0x425: {  	[tilespmem:v62+s7+$0x0] =	vst.idx.msk $0xffff, v19  }
0x426: {  	v18 =	vld.idx.msk [tilespmem:v63+s11+$0x0], $0xffff;
	_ =	sdelay $0x1  }
0x427: {  	v17 =	vor.u32 v15, v17;
	s6 =	sadd.s32 $0x1, s6  }
0x428: {  	p0 =	sne.s32 s6, $0x30  }
.Ltmp7:
0x429: {  	s0 =	sshll.u32 s12, $0x12;
	(pc) =	sbr.rel @p0 .LBB2_8-.Ltmp7, $4  }
0x42a: {  	s0 =	sor.u32 s13, s0;
	v16 =	vadd.f32 v18, v16  }
0x42b: {  	s0 =	sshrl.u32 s0, $0x3  }
0x42c: {  	s8 =	simm.s32 $0x180;
	s0 =	sadd.s32 s1, s0;
	[tilespmem:v17+s7+$0x0] =	vst.idx.msk $0xffff, v16  }
0x42d: {  	[hbm4b:s0+s22] =	stream.strided.scatter [tilespmem:s7], [sflag:$0x7], $0x2000, s23, s22, $0x38;
	[tilespmem:$0x133C0] =	vst v63  }
0x42e: {  	s0 =	simm.s32 $0x0;
	s6 =	simm.s32 $0x4  }
0x42f: {  	_ =	swait.ge [sflag:s6], $0x2000;
	v16 =	vadd.s32 s0, v0  }
0x430: {  	s0 =	sand.u32 $0x30, s0;
	[sflag:s6] =	ssyncset.done $0x0;
	v17 =	vand.u32 $0xF, v16  }
0x431: {  	[sflag:s6] =	ssyncadd.s32 $0xFFFFE000;
	v17 =	vor.u32 s0, v17  }
0x432: {  	v19 =	vand.u32 $0x7, v16;
	_ =	swait.ge [sflag:s31], $0x2000;
	v18 =	vand.u32 $0x38, v17  }
0x433: {  	[sflag:s31] =	ssyncset.done $0x0;
	v18 =	vor.u32 v19, v18  }
0x434: {  	[sflag:s31] =	ssyncadd.s32 $0xFFFFE000;
	v19 =	vor.u32 $0x30C0, v18  }
0x435: {  	v20 =	vor.u32 v1, v18;
	_ =	swait.ge [sflag:s10], $0x80  }
0x436: {  	[sflag:s10] =	ssyncset.done $0x0  }
0x437: {  	[sflag:s10] =	ssyncadd.s32 $0xFFFFFF80  }
0x438: {  	[tilespmem:s11], [sflag:$0x3] =	stream.indirect.gather [hbm4b:s5+s28], $0x40, s20, s28, $0xb8;
	[tilespmem:$0x133C0] =	vst v63  }
0x439: {  	v16 =	vshll.u32 v16, $0x7;
	v17 =	vshll.u32 v17, $0x7;
	v21 =	vld.idx.msk [tilespmem:v19+s30+$0x0], $0xffff  }
0x43a: {  	v16 =	vand.u32 $0x380, v16;
	v17 =	vand.u32 $0x1C00, v17;
	v19 =	vld.idx.msk [tilespmem:v20+s16+$0x0], $0xffff  }
0x43b: {  	v16 =	vor.u32 v16, v17  }
0x43c: {  	v17 =	vor.u32 v0, v16  }
0x43d: {  	v20 =	vor.u32 v2, v18;
	_ =	sdelay $0x1  }
0x43e: {  	v19 =	vadd.f32 v19, v21;
	_ =	sdelay $0x1  }
0x43f: {  	[tilespmem:v17+s3+$0x0] =	vst.idx.msk $0xffff, v19  }
0x440: {  	v17 =	vld.idx.msk [tilespmem:v20+s16+$0x0], $0xffff;
	_ =	sdelay $0x1  }
0x441: {  	v19 =	vor.u32 v3, v16  }
0x442: {  	v20 =	vor.u32 v4, v18;
	_ =	sdelay $0x1  }
0x443: {  	v17 =	vadd.f32 v17, v21;
	_ =	sdelay $0x1  }
0x444: {  	[tilespmem:v19+s3+$0x0] =	vst.idx.msk $0xffff, v17  }
0x445: {  	v17 =	vld.idx.msk [tilespmem:v20+s16+$0x0], $0xffff;
	_ =	sdelay $0x1  }
0x446: {  	v19 =	vor.u32 v5, v16  }
0x447: {  	v20 =	vor.u32 v6, v18;
	_ =	sdelay $0x1  }
0x448: {  	v17 =	vadd.f32 v17, v21;
	_ =	sdelay $0x1  }
0x449: {  	[tilespmem:v19+s3+$0x0] =	vst.idx.msk $0xffff, v17  }
0x44a: {  	v17 =	vld.idx.msk [tilespmem:v20+s16+$0x0], $0xffff;
	_ =	sdelay $0x1  }
0x44b: {  	v19 =	vor.u32 v7, v16  }
0x44c: {  	v20 =	vor.u32 v8, v18;
	_ =	sdelay $0x1  }
0x44d: {  	v17 =	vadd.f32 v17, v21;
	_ =	sdelay $0x1  }
0x44e: {  	[tilespmem:v19+s3+$0x0] =	vst.idx.msk $0xffff, v17  }
0x44f: {  	v17 =	vld.idx.msk [tilespmem:v20+s16+$0x0], $0xffff;
	_ =	sdelay $0x1  }
0x450: {  	v19 =	vor.u32 v9, v16  }
0x451: {  	v20 =	vor.u32 v10, v18;
	_ =	sdelay $0x1  }
0x452: {  	v17 =	vadd.f32 v17, v21;
	_ =	sdelay $0x1  }
0x453: {  	[tilespmem:v19+s3+$0x0] =	vst.idx.msk $0xffff, v17  }
0x454: {  	v17 =	vld.idx.msk [tilespmem:v20+s16+$0x0], $0xffff;
	_ =	sdelay $0x1  }
0x455: {  	v19 =	vor.u32 v11, v16  }
0x456: {  	v20 =	vor.u32 v12, v18;
	_ =	sdelay $0x1  }
0x457: {  	v17 =	vadd.f32 v17, v21;
	_ =	sdelay $0x1  }
0x458: {  	[tilespmem:v19+s3+$0x0] =	vst.idx.msk $0xffff, v17  }
0x459: {  	v17 =	vld.idx.msk [tilespmem:v20+s16+$0x0], $0xffff;
	_ =	sdelay $0x1  }
0x45a: {  	v19 =	vor.u32 v13, v16  }
0x45b: {  	v18 =	vor.u32 v14, v18;
	_ =	sdelay $0x1  }
0x45c: {  	s29 =	simm.s32 $0x1;
	v17 =	vadd.f32 v17, v21  }
0x45d: {  	v20 =	vadd.s32 s29, v0  }
0x45e: {  	s0 =	sand.u32 $0x30, s29;
	[tilespmem:v19+s3+$0x0] =	vst.idx.msk $0xffff, v17;
	v17 =	vand.u32 $0xF, v20  }
0x45f: {  	v22 =	vld.idx.msk [tilespmem:v18+s16+$0x0], $0xffff;
	v17 =	vor.u32 s0, v17  }
0x460: {  	v19 =	vshll.u32 v20, $0x7;
	v20 =	vand.u32 $0x7, v20;
	v23 =	vand.u32 $0x38, v17  }
0x461: {  	v18 =	vor.u32 v15, v16;
	v16 =	vshll.u32 v17, $0x7;
	v17 =	vor.u32 v20, v23  }
0x462: {  	v23 =	vand.u32 $0x380, v19;
	v19 =	vor.u32 $0x30C0, v17  }
0x463: {  	v16 =	vand.u32 $0x1C00, v16;
	v20 =	vor.u32 v1, v17  }
0x464: {  	s6 =	simm.s32 $0x2;
	v16 =	vor.u32 v23, v16;
	v21 =	vadd.f32 v22, v21  }
.LBB2_18:
0x465: {  	p0 =	sne.s32 s6, $0x3F;
	s0 =	smov.u32 s6;
	s6 =	sadd.s32 $0x1, s6  }
0x466: {  	[tilespmem:v18+s3+$0x0] =	vst.idx.msk $0xffff, v21  }
0x467: {  	v21 =	vld.idx.msk [tilespmem:v19+s30+$0x0], $0xffff  }
0x468: {  	v18 =	vld.idx.msk [tilespmem:v20+s16+$0x0], $0xffff;
	_ =	sdelay $0x1  }
0x469: {  	v19 =	vor.u32 v0, v16  }
0x46a: {  	v20 =	vor.u32 v2, v17;
	_ =	sdelay $0x2  }
0x46b: {  	v18 =	vadd.f32 v18, v21;
	_ =	sdelay $0x1  }
0x46c: {  	[tilespmem:v19+s3+$0x0] =	vst.idx.msk $0xffff, v18  }
0x46d: {  	v18 =	vld.idx.msk [tilespmem:v20+s16+$0x0], $0xffff;
	_ =	sdelay $0x1  }
0x46e: {  	v19 =	vor.u32 v3, v16  }
0x46f: {  	v20 =	vor.u32 v4, v17;
	_ =	sdelay $0x2  }
0x470: {  	v18 =	vadd.f32 v18, v21;
	_ =	sdelay $0x1  }
0x471: {  	[tilespmem:v19+s3+$0x0] =	vst.idx.msk $0xffff, v18  }
0x472: {  	v18 =	vld.idx.msk [tilespmem:v20+s16+$0x0], $0xffff;
	_ =	sdelay $0x1  }
0x473: {  	v19 =	vor.u32 v5, v16  }
0x474: {  	v20 =	vor.u32 v6, v17;
	_ =	sdelay $0x2  }
0x475: {  	v18 =	vadd.f32 v18, v21;
	_ =	sdelay $0x1  }
0x476: {  	[tilespmem:v19+s3+$0x0] =	vst.idx.msk $0xffff, v18  }
0x477: {  	v18 =	vld.idx.msk [tilespmem:v20+s16+$0x0], $0xffff;
	_ =	sdelay $0x1  }
0x478: {  	v19 =	vor.u32 v7, v16  }
0x479: {  	v20 =	vor.u32 v8, v17;
	_ =	sdelay $0x2  }
0x47a: {  	v18 =	vadd.f32 v18, v21;
	_ =	sdelay $0x1  }
0x47b: {  	[tilespmem:v19+s3+$0x0] =	vst.idx.msk $0xffff, v18  }
0x47c: {  	v18 =	vld.idx.msk [tilespmem:v20+s16+$0x0], $0xffff;
	_ =	sdelay $0x1  }
0x47d: {  	v19 =	vor.u32 v9, v16  }
0x47e: {  	v20 =	vor.u32 v10, v17;
	_ =	sdelay $0x2  }
0x47f: {  	v18 =	vadd.f32 v18, v21;
	_ =	sdelay $0x1  }
0x480: {  	[tilespmem:v19+s3+$0x0] =	vst.idx.msk $0xffff, v18  }
0x481: {  	v18 =	vld.idx.msk [tilespmem:v20+s16+$0x0], $0xffff;
	_ =	sdelay $0x1  }
0x482: {  	v19 =	vor.u32 v11, v16  }
0x483: {  	v20 =	vor.u32 v12, v17;
	_ =	sdelay $0x2  }
0x484: {  	v18 =	vadd.f32 v18, v21;
	_ =	sdelay $0x1  }
0x485: {  	[tilespmem:v19+s3+$0x0] =	vst.idx.msk $0xffff, v18  }
0x486: {  	v18 =	vld.idx.msk [tilespmem:v20+s16+$0x0], $0xffff;
	_ =	sdelay $0x1  }
0x487: {  	v19 =	vor.u32 v13, v16  }
0x488: {  	v17 =	vor.u32 v14, v17;
	_ =	sdelay $0x2  }
0x489: {  	v18 =	vadd.f32 v18, v21;
	_ =	sdelay $0x1  }
0x48a: {  	v20 =	vadd.s32 s0, v0;
	[tilespmem:v19+s3+$0x0] =	vst.idx.msk $0xffff, v18  }
0x48b: {  	s0 =	sand.u32 $0x30, s0;
	v18 =	vand.u32 $0xF, v20;
	v19 =	vshll.u32 v20, $0x7;
	v22 =	vld.idx.msk [tilespmem:v17+s16+$0x0], $0xffff  }
0x48c: {  	v17 =	vor.u32 s0, v18;
	v18 =	vor.u32 v15, v16  }
.Ltmp8:
0x48d: {  	v20 =	vand.u32 $0x7, v20;
	v16 =	vand.u32 $0x38, v17;
	v23 =	vshll.u32 v17, $0x7;
	(pc) =	sbr.rel @p0 .LBB2_18-.Ltmp8, $3  }
0x48e: {  	v17 =	vor.u32 v20, v16;
	v16 =	vand.u32 $0x1C00, v23;
	v23 =	vand.u32 $0x380, v19  }
0x48f: {  	v19 =	vor.u32 $0x30C0, v17;
	v20 =	vor.u32 v1, v17;
	v16 =	vor.u32 v23, v16;
	_ =	sdelay $0x1  }
0x490: {  	v21 =	vadd.f32 v22, v21  }
0x491: {  	_ =	sdelay $0x3  }
0x492: {  	[tilespmem:v18+s3+$0x0] =	vst.idx.msk $0xffff, v21  }
0x493: {  	v18 =	vld.idx.msk [tilespmem:v19+s30+$0x0], $0xffff  }
0x494: {  	v19 =	vld.idx.msk [tilespmem:v20+s16+$0x0], $0xffff;
	_ =	sdelay $0x1  }
0x495: {  	v20 =	vor.u32 v0, v16  }
0x496: {  	v21 =	vor.u32 v2, v17;
	_ =	sdelay $0x1  }
0x497: {  	v19 =	vadd.f32 v19, v18;
	_ =	sdelay $0x1  }
0x498: {  	[tilespmem:v20+s3+$0x0] =	vst.idx.msk $0xffff, v19  }
0x499: {  	v19 =	vld.idx.msk [tilespmem:v21+s16+$0x0], $0xffff;
	_ =	sdelay $0x1  }
0x49a: {  	v20 =	vor.u32 v3, v16  }
0x49b: {  	v21 =	vor.u32 v4, v17;
	_ =	sdelay $0x1  }
0x49c: {  	v19 =	vadd.f32 v19, v18;
	_ =	sdelay $0x1  }
0x49d: {  	[tilespmem:v20+s3+$0x0] =	vst.idx.msk $0xffff, v19  }
0x49e: {  	v19 =	vld.idx.msk [tilespmem:v21+s16+$0x0], $0xffff;
	_ =	sdelay $0x1  }
0x49f: {  	v20 =	vor.u32 v5, v16  }
0x4a0: {  	v21 =	vor.u32 v6, v17;
	_ =	sdelay $0x1  }
0x4a1: {  	v19 =	vadd.f32 v19, v18;
	_ =	sdelay $0x1  }
0x4a2: {  	[tilespmem:v20+s3+$0x0] =	vst.idx.msk $0xffff, v19  }
0x4a3: {  	v19 =	vld.idx.msk [tilespmem:v21+s16+$0x0], $0xffff;
	_ =	sdelay $0x1  }
0x4a4: {  	v20 =	vor.u32 v7, v16  }
0x4a5: {  	v21 =	vor.u32 v8, v17;
	_ =	sdelay $0x1  }
0x4a6: {  	v19 =	vadd.f32 v19, v18;
	_ =	sdelay $0x1  }
0x4a7: {  	[tilespmem:v20+s3+$0x0] =	vst.idx.msk $0xffff, v19  }
0x4a8: {  	v19 =	vld.idx.msk [tilespmem:v21+s16+$0x0], $0xffff;
	_ =	sdelay $0x1  }
0x4a9: {  	v20 =	vor.u32 v9, v16  }
0x4aa: {  	v21 =	vor.u32 v10, v17;
	_ =	sdelay $0x1  }
0x4ab: {  	v19 =	vadd.f32 v19, v18;
	_ =	sdelay $0x1  }
0x4ac: {  	[tilespmem:v20+s3+$0x0] =	vst.idx.msk $0xffff, v19  }
0x4ad: {  	v19 =	vld.idx.msk [tilespmem:v21+s16+$0x0], $0xffff;
	_ =	sdelay $0x1  }
0x4ae: {  	v20 =	vor.u32 v11, v16  }
0x4af: {  	v21 =	vor.u32 v12, v17;
	_ =	sdelay $0x1  }
0x4b0: {  	v19 =	vadd.f32 v19, v18;
	_ =	sdelay $0x1  }
0x4b1: {  	[tilespmem:v20+s3+$0x0] =	vst.idx.msk $0xffff, v19  }
0x4b2: {  	v19 =	vld.idx.msk [tilespmem:v21+s16+$0x0], $0xffff;
	_ =	sdelay $0x1  }
0x4b3: {  	v20 =	vor.u32 v13, v16  }
0x4b4: {  	v17 =	vor.u32 v14, v17;
	_ =	sdelay $0x1  }
0x4b5: {  	v19 =	vadd.f32 v19, v18;
	_ =	sdelay $0x1  }
0x4b6: {  	[tilespmem:v20+s3+$0x0] =	vst.idx.msk $0xffff, v19  }
0x4b7: {  	v17 =	vld.idx.msk [tilespmem:v17+s16+$0x0], $0xffff;
	_ =	sdelay $0x1  }
0x4b8: {  	v16 =	vor.u32 v15, v16;
	_ =	sdelay $0x1  }
0x4b9: {  	s0 =	simm.s32 $0x0  }
0x4ba: {  	v17 =	vadd.f32 v17, v18;
	v18 =	vadd.s32 s0, v0  }
0x4bb: {  	s0 =	sand.u32 $0x30, s0;
	v19 =	vand.u32 $0xF, v18  }
0x4bc: {  	s15 =	rddreg [dreg:$0x12];
	[tilespmem:v16+s3+$0x0] =	vst.idx.msk $0xffff, v17;
	v16 =	vor.u32 s0, v19  }
0x4bd: {  	v19 =	vand.u32 $0x7, v18;
	[hbm4b:s15+s22] =	stream.strided.scatter [tilespmem:s3], [sflag:$0x8], $0x2000, s23, s22, $0x38;
	v17 =	vand.u32 $0x38, v16;
	[tilespmem:$0x133C0] =	vst v63  }
0x4be: {  	_ =	swait.ge [sflag:s14], $0x2000;
	v17 =	vor.u32 v19, v17  }
0x4bf: {  	[sflag:s14] =	ssyncset.done $0x0;
	v19 =	vor.u32 $0x3100, v17  }
0x4c0: {  	v20 =	vor.u32 v1, v17;
	[sflag:s14] =	ssyncadd.s32 $0xFFFFE000  }
0x4c1: {  	_ =	swait.ge [sflag:s18], $0x2000  }
0x4c2: {  	[sflag:s18] =	ssyncset.done $0x0  }
0x4c3: {  	[sflag:s18] =	ssyncadd.s32 $0xFFFFE000  }
0x4c4: {  	v18 =	vshll.u32 v18, $0x7;
	v16 =	vshll.u32 v16, $0x7;
	v21 =	vld.idx.msk [tilespmem:v19+s30+$0x0], $0xffff  }
0x4c5: {  	v18 =	vand.u32 $0x380, v18;
	v16 =	vand.u32 $0x1C00, v16;
	v19 =	vld.idx.msk [tilespmem:v20+s2+$0x0], $0xffff  }
0x4c6: {  	v16 =	vor.u32 v18, v16  }
0x4c7: {  	v18 =	vor.u32 v0, v16  }
0x4c8: {  	v20 =	vor.u32 v2, v17;
	_ =	sdelay $0x1  }
0x4c9: {  	v19 =	vadd.f32 v19, v21;
	_ =	sdelay $0x1  }
0x4ca: {  	[tilespmem:v18+s17+$0x0] =	vst.idx.msk $0xffff, v19  }
0x4cb: {  	v18 =	vld.idx.msk [tilespmem:v20+s2+$0x0], $0xffff;
	_ =	sdelay $0x1  }
0x4cc: {  	v19 =	vor.u32 v3, v16  }
0x4cd: {  	v20 =	vor.u32 v4, v17;
	_ =	sdelay $0x1  }
0x4ce: {  	v18 =	vadd.f32 v18, v21;
	_ =	sdelay $0x1  }
0x4cf: {  	[tilespmem:v19+s17+$0x0] =	vst.idx.msk $0xffff, v18  }
0x4d0: {  	v18 =	vld.idx.msk [tilespmem:v20+s2+$0x0], $0xffff;
	_ =	sdelay $0x1  }
0x4d1: {  	v19 =	vor.u32 v5, v16  }
0x4d2: {  	v20 =	vor.u32 v6, v17;
	_ =	sdelay $0x1  }
0x4d3: {  	v18 =	vadd.f32 v18, v21;
	_ =	sdelay $0x1  }
0x4d4: {  	[tilespmem:v19+s17+$0x0] =	vst.idx.msk $0xffff, v18  }
0x4d5: {  	v18 =	vld.idx.msk [tilespmem:v20+s2+$0x0], $0xffff;
	_ =	sdelay $0x1  }
0x4d6: {  	v19 =	vor.u32 v7, v16  }
0x4d7: {  	v20 =	vor.u32 v8, v17;
	_ =	sdelay $0x1  }
0x4d8: {  	v18 =	vadd.f32 v18, v21;
	_ =	sdelay $0x1  }
0x4d9: {  	[tilespmem:v19+s17+$0x0] =	vst.idx.msk $0xffff, v18  }
0x4da: {  	v18 =	vld.idx.msk [tilespmem:v20+s2+$0x0], $0xffff;
	_ =	sdelay $0x1  }
0x4db: {  	v19 =	vor.u32 v9, v16  }
0x4dc: {  	v20 =	vor.u32 v10, v17;
	_ =	sdelay $0x1  }
0x4dd: {  	v18 =	vadd.f32 v18, v21;
	_ =	sdelay $0x1  }
0x4de: {  	[tilespmem:v19+s17+$0x0] =	vst.idx.msk $0xffff, v18  }
0x4df: {  	v18 =	vld.idx.msk [tilespmem:v20+s2+$0x0], $0xffff;
	_ =	sdelay $0x1  }
0x4e0: {  	v19 =	vor.u32 v11, v16  }
0x4e1: {  	v20 =	vor.u32 v12, v17;
	_ =	sdelay $0x1  }
0x4e2: {  	v18 =	vadd.f32 v18, v21;
	_ =	sdelay $0x1  }
0x4e3: {  	[tilespmem:v19+s17+$0x0] =	vst.idx.msk $0xffff, v18  }
0x4e4: {  	v18 =	vld.idx.msk [tilespmem:v20+s2+$0x0], $0xffff;
	_ =	sdelay $0x1  }
0x4e5: {  	v19 =	vor.u32 v13, v16  }
0x4e6: {  	v17 =	vor.u32 v14, v17;
	_ =	sdelay $0x1  }
0x4e7: {  	s29 =	simm.s32 $0x1;
	v18 =	vadd.f32 v18, v21  }
0x4e8: {  	v20 =	vadd.s32 s29, v0  }
0x4e9: {  	s0 =	sand.u32 $0x30, s29;
	[tilespmem:v19+s17+$0x0] =	vst.idx.msk $0xffff, v18;
	v18 =	vand.u32 $0xF, v20  }
0x4ea: {  	v22 =	vld.idx.msk [tilespmem:v17+s2+$0x0], $0xffff;
	v17 =	vor.u32 s0, v18  }
0x4eb: {  	v19 =	vshll.u32 v20, $0x7;
	v20 =	vand.u32 $0x7, v20;
	v23 =	vand.u32 $0x38, v17  }
0x4ec: {  	v18 =	vor.u32 v15, v16;
	v16 =	vshll.u32 v17, $0x7;
	v17 =	vor.u32 v20, v23  }
0x4ed: {  	v23 =	vand.u32 $0x380, v19;
	v19 =	vor.u32 $0x3100, v17  }
0x4ee: {  	v16 =	vand.u32 $0x1C00, v16;
	v20 =	vor.u32 v1, v17  }
0x4ef: {  	s6 =	simm.s32 $0x2;
	v16 =	vor.u32 v23, v16;
	v21 =	vadd.f32 v22, v21  }
.LBB2_20:
0x4f0: {  	p0 =	sne.s32 s6, $0x3F;
	s0 =	smov.u32 s6;
	s6 =	sadd.s32 $0x1, s6  }
0x4f1: {  	[tilespmem:v18+s17+$0x0] =	vst.idx.msk $0xffff, v21  }
0x4f2: {  	v21 =	vld.idx.msk [tilespmem:v19+s30+$0x0], $0xffff  }
0x4f3: {  	v18 =	vld.idx.msk [tilespmem:v20+s2+$0x0], $0xffff;
	_ =	sdelay $0x1  }
0x4f4: {  	v19 =	vor.u32 v0, v16  }
0x4f5: {  	v20 =	vor.u32 v2, v17;
	_ =	sdelay $0x2  }
0x4f6: {  	v18 =	vadd.f32 v18, v21;
	_ =	sdelay $0x1  }
0x4f7: {  	[tilespmem:v19+s17+$0x0] =	vst.idx.msk $0xffff, v18  }
0x4f8: {  	v18 =	vld.idx.msk [tilespmem:v20+s2+$0x0], $0xffff;
	_ =	sdelay $0x1  }
0x4f9: {  	v19 =	vor.u32 v3, v16  }
0x4fa: {  	v20 =	vor.u32 v4, v17;
	_ =	sdelay $0x2  }
0x4fb: {  	v18 =	vadd.f32 v18, v21;
	_ =	sdelay $0x1  }
0x4fc: {  	[tilespmem:v19+s17+$0x0] =	vst.idx.msk $0xffff, v18  }
0x4fd: {  	v18 =	vld.idx.msk [tilespmem:v20+s2+$0x0], $0xffff;
	_ =	sdelay $0x1  }
0x4fe: {  	v19 =	vor.u32 v5, v16  }
0x4ff: {  	v20 =	vor.u32 v6, v17;
	_ =	sdelay $0x2  }
0x500: {  	v18 =	vadd.f32 v18, v21;
	_ =	sdelay $0x1  }
0x501: {  	[tilespmem:v19+s17+$0x0] =	vst.idx.msk $0xffff, v18  }
0x502: {  	v18 =	vld.idx.msk [tilespmem:v20+s2+$0x0], $0xffff;
	_ =	sdelay $0x1  }
0x503: {  	v19 =	vor.u32 v7, v16  }
0x504: {  	v20 =	vor.u32 v8, v17;
	_ =	sdelay $0x2  }
0x505: {  	v18 =	vadd.f32 v18, v21;
	_ =	sdelay $0x1  }
0x506: {  	[tilespmem:v19+s17+$0x0] =	vst.idx.msk $0xffff, v18  }
0x507: {  	v18 =	vld.idx.msk [tilespmem:v20+s2+$0x0], $0xffff;
	_ =	sdelay $0x1  }
0x508: {  	v19 =	vor.u32 v9, v16  }
0x509: {  	v20 =	vor.u32 v10, v17;
	_ =	sdelay $0x2  }
0x50a: {  	v18 =	vadd.f32 v18, v21;
	_ =	sdelay $0x1  }
0x50b: {  	[tilespmem:v19+s17+$0x0] =	vst.idx.msk $0xffff, v18  }
0x50c: {  	v18 =	vld.idx.msk [tilespmem:v20+s2+$0x0], $0xffff;
	_ =	sdelay $0x1  }
0x50d: {  	v19 =	vor.u32 v11, v16  }
0x50e: {  	v20 =	vor.u32 v12, v17;
	_ =	sdelay $0x2  }
0x50f: {  	v18 =	vadd.f32 v18, v21;
	_ =	sdelay $0x1  }
0x510: {  	[tilespmem:v19+s17+$0x0] =	vst.idx.msk $0xffff, v18  }
0x511: {  	v18 =	vld.idx.msk [tilespmem:v20+s2+$0x0], $0xffff;
	_ =	sdelay $0x1  }
0x512: {  	v19 =	vor.u32 v13, v16  }
0x513: {  	v17 =	vor.u32 v14, v17;
	_ =	sdelay $0x2  }
0x514: {  	v18 =	vadd.f32 v18, v21;
	_ =	sdelay $0x1  }
0x515: {  	v20 =	vadd.s32 s0, v0;
	[tilespmem:v19+s17+$0x0] =	vst.idx.msk $0xffff, v18  }
0x516: {  	s0 =	sand.u32 $0x30, s0;
	v18 =	vand.u32 $0xF, v20;
	v19 =	vshll.u32 v20, $0x7;
	v22 =	vld.idx.msk [tilespmem:v17+s2+$0x0], $0xffff  }
0x517: {  	v17 =	vor.u32 s0, v18;
	v18 =	vor.u32 v15, v16  }
.Ltmp9:
0x518: {  	v20 =	vand.u32 $0x7, v20;
	v16 =	vand.u32 $0x38, v17;
	v23 =	vshll.u32 v17, $0x7;
	(pc) =	sbr.rel @p0 .LBB2_20-.Ltmp9, $3  }
0x519: {  	v17 =	vor.u32 v20, v16;
	v16 =	vand.u32 $0x1C00, v23;
	v23 =	vand.u32 $0x380, v19  }
0x51a: {  	v19 =	vor.u32 $0x3100, v17;
	v20 =	vor.u32 v1, v17;
	v16 =	vor.u32 v23, v16;
	_ =	sdelay $0x1  }
0x51b: {  	v21 =	vadd.f32 v22, v21  }
0x51c: {  	_ =	sdelay $0x3  }
0x51d: {  	[tilespmem:v18+s17+$0x0] =	vst.idx.msk $0xffff, v21  }
0x51e: {  	v18 =	vld.idx.msk [tilespmem:v19+s30+$0x0], $0xffff  }
0x51f: {  	v19 =	vld.idx.msk [tilespmem:v20+s2+$0x0], $0xffff;
	_ =	sdelay $0x1  }
0x520: {  	v20 =	vor.u32 v0, v16  }
0x521: {  	v21 =	vor.u32 v2, v17;
	_ =	sdelay $0x1  }
0x522: {  	v19 =	vadd.f32 v19, v18;
	_ =	sdelay $0x1  }
0x523: {  	[tilespmem:v20+s17+$0x0] =	vst.idx.msk $0xffff, v19  }
0x524: {  	v19 =	vld.idx.msk [tilespmem:v21+s2+$0x0], $0xffff;
	_ =	sdelay $0x1  }
0x525: {  	v20 =	vor.u32 v3, v16  }
0x526: {  	v21 =	vor.u32 v4, v17;
	_ =	sdelay $0x1  }
0x527: {  	v19 =	vadd.f32 v19, v18;
	_ =	sdelay $0x1  }
0x528: {  	[tilespmem:v20+s17+$0x0] =	vst.idx.msk $0xffff, v19  }
0x529: {  	v19 =	vld.idx.msk [tilespmem:v21+s2+$0x0], $0xffff;
	_ =	sdelay $0x1  }
0x52a: {  	v20 =	vor.u32 v5, v16  }
0x52b: {  	v21 =	vor.u32 v6, v17;
	_ =	sdelay $0x1  }
0x52c: {  	v19 =	vadd.f32 v19, v18;
	_ =	sdelay $0x1  }
0x52d: {  	[tilespmem:v20+s17+$0x0] =	vst.idx.msk $0xffff, v19  }
0x52e: {  	v19 =	vld.idx.msk [tilespmem:v21+s2+$0x0], $0xffff;
	_ =	sdelay $0x1  }
0x52f: {  	v20 =	vor.u32 v7, v16  }
0x530: {  	v21 =	vor.u32 v8, v17;
	_ =	sdelay $0x1  }
0x531: {  	v19 =	vadd.f32 v19, v18;
	_ =	sdelay $0x1  }
0x532: {  	[tilespmem:v20+s17+$0x0] =	vst.idx.msk $0xffff, v19  }
0x533: {  	v19 =	vld.idx.msk [tilespmem:v21+s2+$0x0], $0xffff;
	_ =	sdelay $0x1  }
0x534: {  	v20 =	vor.u32 v9, v16  }
0x535: {  	v21 =	vor.u32 v10, v17;
	_ =	sdelay $0x1  }
0x536: {  	v19 =	vadd.f32 v19, v18;
	_ =	sdelay $0x1  }
0x537: {  	[tilespmem:v20+s17+$0x0] =	vst.idx.msk $0xffff, v19  }
0x538: {  	v19 =	vld.idx.msk [tilespmem:v21+s2+$0x0], $0xffff;
	_ =	sdelay $0x1  }
0x539: {  	v20 =	vor.u32 v11, v16  }
0x53a: {  	v21 =	vor.u32 v12, v17;
	_ =	sdelay $0x1  }
0x53b: {  	v19 =	vadd.f32 v19, v18;
	_ =	sdelay $0x1  }
0x53c: {  	[tilespmem:v20+s17+$0x0] =	vst.idx.msk $0xffff, v19  }
0x53d: {  	v19 =	vld.idx.msk [tilespmem:v21+s2+$0x0], $0xffff;
	_ =	sdelay $0x1  }
0x53e: {  	v20 =	vor.u32 v13, v16  }
0x53f: {  	v17 =	vor.u32 v14, v17;
	_ =	sdelay $0x1  }
0x540: {  	v19 =	vadd.f32 v19, v18;
	_ =	sdelay $0x1  }
0x541: {  	[tilespmem:v20+s17+$0x0] =	vst.idx.msk $0xffff, v19  }
0x542: {  	v17 =	vld.idx.msk [tilespmem:v17+s2+$0x0], $0xffff;
	_ =	sdelay $0x1  }
0x543: {  	v16 =	vor.u32 v15, v16;
	_ =	sdelay $0x1  }
0x544: {  	s0 =	simm.s32 $0x0  }
0x545: {  	v17 =	vadd.f32 v17, v18;
	v18 =	vadd.s32 s0, v0  }
0x546: {  	s0 =	sand.u32 $0x30, s0;
	v19 =	vand.u32 $0xF, v18  }
0x547: {  	s15 =	rddreg [dreg:$0x13];
	[tilespmem:v16+s17+$0x0] =	vst.idx.msk $0xffff, v17;
	v16 =	vor.u32 s0, v19  }
0x548: {  	v19 =	vand.u32 $0x7, v18;
	[hbm4b:s15+s22] =	stream.strided.scatter [tilespmem:s17], [sflag:$0x5], $0x2000, s23, s22, $0x38;
	v17 =	vand.u32 $0x38, v16;
	[tilespmem:$0x133C0] =	vst v63  }
0x549: {  	_ =	swait.ge [sflag:s24], $0x2000;
	v17 =	vor.u32 v19, v17  }
0x54a: {  	[sflag:s24] =	ssyncset.done $0x0;
	v19 =	vor.u32 $0x3140, v17  }
0x54b: {  	v20 =	vor.u32 v1, v17;
	[sflag:s24] =	ssyncadd.s32 $0xFFFFE000  }
0x54c: {  	_ =	swait.ge [sflag:s19], $0x2000  }
0x54d: {  	[sflag:s19] =	ssyncset.done $0x0  }
0x54e: {  	[sflag:s19] =	ssyncadd.s32 $0xFFFFE000  }
0x54f: {  	v18 =	vshll.u32 v18, $0x7;
	v16 =	vshll.u32 v16, $0x7;
	v21 =	vld.idx.msk [tilespmem:v19+s30+$0x0], $0xffff  }
0x550: {  	v18 =	vand.u32 $0x380, v18;
	v16 =	vand.u32 $0x1C00, v16;
	v19 =	vld.idx.msk [tilespmem:v20+s9+$0x0], $0xffff  }
0x551: {  	v16 =	vor.u32 v18, v16  }
0x552: {  	v18 =	vor.u32 v0, v16  }
0x553: {  	v20 =	vor.u32 v2, v17;
	_ =	sdelay $0x1  }
0x554: {  	v19 =	vadd.f32 v19, v21;
	_ =	sdelay $0x1  }
0x555: {  	[tilespmem:v18+s25+$0x0] =	vst.idx.msk $0xffff, v19  }
0x556: {  	v18 =	vld.idx.msk [tilespmem:v20+s9+$0x0], $0xffff;
	_ =	sdelay $0x1  }
0x557: {  	v19 =	vor.u32 v3, v16  }
0x558: {  	v20 =	vor.u32 v4, v17;
	_ =	sdelay $0x1  }
0x559: {  	v18 =	vadd.f32 v18, v21;
	_ =	sdelay $0x1  }
0x55a: {  	[tilespmem:v19+s25+$0x0] =	vst.idx.msk $0xffff, v18  }
0x55b: {  	v18 =	vld.idx.msk [tilespmem:v20+s9+$0x0], $0xffff;
	_ =	sdelay $0x1  }
0x55c: {  	v19 =	vor.u32 v5, v16  }
0x55d: {  	v20 =	vor.u32 v6, v17;
	_ =	sdelay $0x1  }
0x55e: {  	v18 =	vadd.f32 v18, v21;
	_ =	sdelay $0x1  }
0x55f: {  	[tilespmem:v19+s25+$0x0] =	vst.idx.msk $0xffff, v18  }
0x560: {  	v18 =	vld.idx.msk [tilespmem:v20+s9+$0x0], $0xffff;
	_ =	sdelay $0x1  }
0x561: {  	v19 =	vor.u32 v7, v16  }
0x562: {  	v20 =	vor.u32 v8, v17;
	_ =	sdelay $0x1  }
0x563: {  	v18 =	vadd.f32 v18, v21;
	_ =	sdelay $0x1  }
0x564: {  	[tilespmem:v19+s25+$0x0] =	vst.idx.msk $0xffff, v18  }
0x565: {  	v18 =	vld.idx.msk [tilespmem:v20+s9+$0x0], $0xffff;
	_ =	sdelay $0x1  }
0x566: {  	v19 =	vor.u32 v9, v16  }
0x567: {  	v20 =	vor.u32 v10, v17;
	_ =	sdelay $0x1  }
0x568: {  	v18 =	vadd.f32 v18, v21;
	_ =	sdelay $0x1  }
0x569: {  	[tilespmem:v19+s25+$0x0] =	vst.idx.msk $0xffff, v18  }
0x56a: {  	v18 =	vld.idx.msk [tilespmem:v20+s9+$0x0], $0xffff;
	_ =	sdelay $0x1  }
0x56b: {  	v19 =	vor.u32 v11, v16  }
0x56c: {  	v20 =	vor.u32 v12, v17;
	_ =	sdelay $0x1  }
0x56d: {  	v18 =	vadd.f32 v18, v21;
	_ =	sdelay $0x1  }
0x56e: {  	[tilespmem:v19+s25+$0x0] =	vst.idx.msk $0xffff, v18  }
0x56f: {  	v18 =	vld.idx.msk [tilespmem:v20+s9+$0x0], $0xffff;
	_ =	sdelay $0x1  }
0x570: {  	v19 =	vor.u32 v13, v16  }
0x571: {  	v17 =	vor.u32 v14, v17;
	_ =	sdelay $0x1  }
0x572: {  	s29 =	simm.s32 $0x1;
	v18 =	vadd.f32 v18, v21  }
0x573: {  	v20 =	vadd.s32 s29, v0  }
0x574: {  	s0 =	sand.u32 $0x30, s29;
	[tilespmem:v19+s25+$0x0] =	vst.idx.msk $0xffff, v18;
	v18 =	vand.u32 $0xF, v20  }
0x575: {  	v22 =	vld.idx.msk [tilespmem:v17+s9+$0x0], $0xffff;
	v17 =	vor.u32 s0, v18  }
0x576: {  	v19 =	vshll.u32 v20, $0x7;
	v20 =	vand.u32 $0x7, v20;
	v23 =	vand.u32 $0x38, v17  }
0x577: {  	v18 =	vor.u32 v15, v16;
	v16 =	vshll.u32 v17, $0x7;
	v17 =	vor.u32 v20, v23  }
0x578: {  	v23 =	vand.u32 $0x380, v19;
	v19 =	vor.u32 $0x3140, v17  }
0x579: {  	v16 =	vand.u32 $0x1C00, v16;
	v20 =	vor.u32 v1, v17  }
0x57a: {  	s6 =	simm.s32 $0x2;
	v16 =	vor.u32 v23, v16;
	v21 =	vadd.f32 v22, v21  }
.LBB2_22:
0x57b: {  	p0 =	sne.s32 s6, $0x3F;
	s0 =	smov.u32 s6;
	s6 =	sadd.s32 $0x1, s6  }
0x57c: {  	[tilespmem:v18+s25+$0x0] =	vst.idx.msk $0xffff, v21  }
0x57d: {  	v21 =	vld.idx.msk [tilespmem:v19+s30+$0x0], $0xffff  }
0x57e: {  	v18 =	vld.idx.msk [tilespmem:v20+s9+$0x0], $0xffff;
	_ =	sdelay $0x1  }
0x57f: {  	v19 =	vor.u32 v0, v16  }
0x580: {  	v20 =	vor.u32 v2, v17;
	_ =	sdelay $0x2  }
0x581: {  	v18 =	vadd.f32 v18, v21;
	_ =	sdelay $0x1  }
0x582: {  	[tilespmem:v19+s25+$0x0] =	vst.idx.msk $0xffff, v18  }
0x583: {  	v18 =	vld.idx.msk [tilespmem:v20+s9+$0x0], $0xffff;
	_ =	sdelay $0x1  }
0x584: {  	v19 =	vor.u32 v3, v16  }
0x585: {  	v20 =	vor.u32 v4, v17;
	_ =	sdelay $0x2  }
0x586: {  	v18 =	vadd.f32 v18, v21;
	_ =	sdelay $0x1  }
0x587: {  	[tilespmem:v19+s25+$0x0] =	vst.idx.msk $0xffff, v18  }
0x588: {  	v18 =	vld.idx.msk [tilespmem:v20+s9+$0x0], $0xffff;
	_ =	sdelay $0x1  }
0x589: {  	v19 =	vor.u32 v5, v16  }
0x58a: {  	v20 =	vor.u32 v6, v17;
	_ =	sdelay $0x2  }
0x58b: {  	v18 =	vadd.f32 v18, v21;
	_ =	sdelay $0x1  }
0x58c: {  	[tilespmem:v19+s25+$0x0] =	vst.idx.msk $0xffff, v18  }
0x58d: {  	v18 =	vld.idx.msk [tilespmem:v20+s9+$0x0], $0xffff;
	_ =	sdelay $0x1  }
0x58e: {  	v19 =	vor.u32 v7, v16  }
0x58f: {  	v20 =	vor.u32 v8, v17;
	_ =	sdelay $0x2  }
0x590: {  	v18 =	vadd.f32 v18, v21;
	_ =	sdelay $0x1  }
0x591: {  	[tilespmem:v19+s25+$0x0] =	vst.idx.msk $0xffff, v18  }
0x592: {  	v18 =	vld.idx.msk [tilespmem:v20+s9+$0x0], $0xffff;
	_ =	sdelay $0x1  }
0x593: {  	v19 =	vor.u32 v9, v16  }
0x594: {  	v20 =	vor.u32 v10, v17;
	_ =	sdelay $0x2  }
0x595: {  	v18 =	vadd.f32 v18, v21;
	_ =	sdelay $0x1  }
0x596: {  	[tilespmem:v19+s25+$0x0] =	vst.idx.msk $0xffff, v18  }
0x597: {  	v18 =	vld.idx.msk [tilespmem:v20+s9+$0x0], $0xffff;
	_ =	sdelay $0x1  }
0x598: {  	v19 =	vor.u32 v11, v16  }
0x599: {  	v20 =	vor.u32 v12, v17;
	_ =	sdelay $0x2  }
0x59a: {  	v18 =	vadd.f32 v18, v21;
	_ =	sdelay $0x1  }
0x59b: {  	[tilespmem:v19+s25+$0x0] =	vst.idx.msk $0xffff, v18  }
0x59c: {  	v18 =	vld.idx.msk [tilespmem:v20+s9+$0x0], $0xffff;
	_ =	sdelay $0x1  }
0x59d: {  	v19 =	vor.u32 v13, v16  }
0x59e: {  	v17 =	vor.u32 v14, v17;
	_ =	sdelay $0x2  }
0x59f: {  	v18 =	vadd.f32 v18, v21;
	_ =	sdelay $0x1  }
0x5a0: {  	v20 =	vadd.s32 s0, v0;
	[tilespmem:v19+s25+$0x0] =	vst.idx.msk $0xffff, v18  }
0x5a1: {  	s0 =	sand.u32 $0x30, s0;
	v18 =	vand.u32 $0xF, v20;
	v19 =	vshll.u32 v20, $0x7;
	v22 =	vld.idx.msk [tilespmem:v17+s9+$0x0], $0xffff  }
0x5a2: {  	v17 =	vor.u32 s0, v18;
	v18 =	vor.u32 v15, v16  }
.Ltmp10:
0x5a3: {  	v20 =	vand.u32 $0x7, v20;
	v16 =	vand.u32 $0x38, v17;
	v23 =	vshll.u32 v17, $0x7;
	(pc) =	sbr.rel @p0 .LBB2_22-.Ltmp10, $3  }
0x5a4: {  	v17 =	vor.u32 v20, v16;
	v16 =	vand.u32 $0x1C00, v23;
	v23 =	vand.u32 $0x380, v19  }
0x5a5: {  	v19 =	vor.u32 $0x3140, v17;
	v20 =	vor.u32 v1, v17;
	v16 =	vor.u32 v23, v16;
	_ =	sdelay $0x1  }
0x5a6: {  	v21 =	vadd.f32 v22, v21  }
0x5a7: {  	_ =	sdelay $0x3  }
0x5a8: {  	[tilespmem:v18+s25+$0x0] =	vst.idx.msk $0xffff, v21  }
0x5a9: {  	v18 =	vld.idx.msk [tilespmem:v19+s30+$0x0], $0xffff  }
0x5aa: {  	v19 =	vld.idx.msk [tilespmem:v20+s9+$0x0], $0xffff;
	_ =	sdelay $0x1  }
0x5ab: {  	v20 =	vor.u32 v0, v16  }
0x5ac: {  	v21 =	vor.u32 v2, v17;
	_ =	sdelay $0x1  }
0x5ad: {  	v19 =	vadd.f32 v19, v18;
	_ =	sdelay $0x1  }
0x5ae: {  	[tilespmem:v20+s25+$0x0] =	vst.idx.msk $0xffff, v19  }
0x5af: {  	v19 =	vld.idx.msk [tilespmem:v21+s9+$0x0], $0xffff;
	_ =	sdelay $0x1  }
0x5b0: {  	v20 =	vor.u32 v3, v16  }
0x5b1: {  	v21 =	vor.u32 v4, v17;
	_ =	sdelay $0x1  }
0x5b2: {  	v19 =	vadd.f32 v19, v18;
	_ =	sdelay $0x1  }
0x5b3: {  	[tilespmem:v20+s25+$0x0] =	vst.idx.msk $0xffff, v19  }
0x5b4: {  	v19 =	vld.idx.msk [tilespmem:v21+s9+$0x0], $0xffff;
	_ =	sdelay $0x1  }
0x5b5: {  	v20 =	vor.u32 v5, v16  }
0x5b6: {  	v21 =	vor.u32 v6, v17;
	_ =	sdelay $0x1  }
0x5b7: {  	v19 =	vadd.f32 v19, v18;
	_ =	sdelay $0x1  }
0x5b8: {  	[tilespmem:v20+s25+$0x0] =	vst.idx.msk $0xffff, v19  }
0x5b9: {  	v19 =	vld.idx.msk [tilespmem:v21+s9+$0x0], $0xffff;
	_ =	sdelay $0x1  }
0x5ba: {  	v20 =	vor.u32 v7, v16  }
0x5bb: {  	v21 =	vor.u32 v8, v17;
	_ =	sdelay $0x1  }
0x5bc: {  	v19 =	vadd.f32 v19, v18;
	_ =	sdelay $0x1  }
0x5bd: {  	[tilespmem:v20+s25+$0x0] =	vst.idx.msk $0xffff, v19  }
0x5be: {  	v19 =	vld.idx.msk [tilespmem:v21+s9+$0x0], $0xffff;
	_ =	sdelay $0x1  }
0x5bf: {  	v20 =	vor.u32 v9, v16  }
0x5c0: {  	v21 =	vor.u32 v10, v17;
	_ =	sdelay $0x1  }
0x5c1: {  	v19 =	vadd.f32 v19, v18;
	_ =	sdelay $0x1  }
0x5c2: {  	[tilespmem:v20+s25+$0x0] =	vst.idx.msk $0xffff, v19  }
0x5c3: {  	v19 =	vld.idx.msk [tilespmem:v21+s9+$0x0], $0xffff;
	_ =	sdelay $0x1  }
0x5c4: {  	v20 =	vor.u32 v11, v16  }
0x5c5: {  	v21 =	vor.u32 v12, v17;
	_ =	sdelay $0x1  }
0x5c6: {  	v19 =	vadd.f32 v19, v18;
	_ =	sdelay $0x1  }
0x5c7: {  	[tilespmem:v20+s25+$0x0] =	vst.idx.msk $0xffff, v19  }
0x5c8: {  	v19 =	vld.idx.msk [tilespmem:v21+s9+$0x0], $0xffff;
	_ =	sdelay $0x1  }
0x5c9: {  	v20 =	vor.u32 v13, v16  }
0x5ca: {  	v17 =	vor.u32 v14, v17;
	_ =	sdelay $0x1  }
0x5cb: {  	v19 =	vadd.f32 v19, v18;
	_ =	sdelay $0x1  }
0x5cc: {  	[tilespmem:v20+s25+$0x0] =	vst.idx.msk $0xffff, v19  }
0x5cd: {  	v17 =	vld.idx.msk [tilespmem:v17+s9+$0x0], $0xffff;
	_ =	sdelay $0x1  }
0x5ce: {  	v16 =	vor.u32 v15, v16;
	_ =	sdelay $0x1  }
0x5cf: {  	s0 =	simm.s32 $0x0  }
0x5d0: {  	v17 =	vadd.f32 v17, v18;
	v18 =	vadd.s32 s0, v0  }
0x5d1: {  	s0 =	sand.u32 $0x30, s0;
	v19 =	vand.u32 $0xF, v18  }
0x5d2: {  	s12 =	rddreg [dreg:$0x14];
	[tilespmem:v16+s25+$0x0] =	vst.idx.msk $0xffff, v17;
	v16 =	vor.u32 s0, v19  }
0x5d3: {  	v19 =	vand.u32 $0x7, v18;
	[hbm4b:s12+s22] =	stream.strided.scatter [tilespmem:s25], [sflag:$0x6], $0x2000, s23, s22, $0x38;
	v17 =	vand.u32 $0x38, v16;
	[tilespmem:$0x133C0] =	vst v63  }
0x5d4: {  	_ =	swait.ge [sflag:s26], $0x2000;
	v17 =	vor.u32 v19, v17  }
0x5d5: {  	[sflag:s26] =	ssyncset.done $0x0;
	v19 =	vor.u32 $0x3180, v17  }
0x5d6: {  	s15 =	simm.s32 $0x8;
	v20 =	vor.u32 v1, v17;
	[sflag:s26] =	ssyncadd.s32 $0xFFFFE000  }
0x5d7: {  	_ =	swait.ge [sflag:s15], $0x2000  }
0x5d8: {  	[sflag:s15] =	ssyncset.done $0x0  }
0x5d9: {  	[sflag:s15] =	ssyncadd.s32 $0xFFFFE000  }
0x5da: {  	v18 =	vshll.u32 v18, $0x7;
	v16 =	vshll.u32 v16, $0x7;
	v21 =	vld.idx.msk [tilespmem:v19+s30+$0x0], $0xffff  }
0x5db: {  	v18 =	vand.u32 $0x380, v18;
	v16 =	vand.u32 $0x1C00, v16;
	v19 =	vld.idx.msk [tilespmem:v20+s11+$0x0], $0xffff  }
0x5dc: {  	v16 =	vor.u32 v18, v16  }
0x5dd: {  	v18 =	vor.u32 v0, v16  }
0x5de: {  	v20 =	vor.u32 v2, v17;
	_ =	sdelay $0x1  }
0x5df: {  	v19 =	vadd.f32 v19, v21;
	_ =	sdelay $0x1  }
0x5e0: {  	[tilespmem:v18+s7+$0x0] =	vst.idx.msk $0xffff, v19  }
0x5e1: {  	v18 =	vld.idx.msk [tilespmem:v20+s11+$0x0], $0xffff;
	_ =	sdelay $0x1  }
0x5e2: {  	v19 =	vor.u32 v3, v16  }
0x5e3: {  	v20 =	vor.u32 v4, v17;
	_ =	sdelay $0x1  }
0x5e4: {  	v18 =	vadd.f32 v18, v21;
	_ =	sdelay $0x1  }
0x5e5: {  	[tilespmem:v19+s7+$0x0] =	vst.idx.msk $0xffff, v18  }
0x5e6: {  	v18 =	vld.idx.msk [tilespmem:v20+s11+$0x0], $0xffff;
	_ =	sdelay $0x1  }
0x5e7: {  	v19 =	vor.u32 v5, v16  }
0x5e8: {  	v20 =	vor.u32 v6, v17;
	_ =	sdelay $0x1  }
0x5e9: {  	v18 =	vadd.f32 v18, v21;
	_ =	sdelay $0x1  }
0x5ea: {  	[tilespmem:v19+s7+$0x0] =	vst.idx.msk $0xffff, v18  }
0x5eb: {  	v18 =	vld.idx.msk [tilespmem:v20+s11+$0x0], $0xffff;
	_ =	sdelay $0x1  }
0x5ec: {  	v19 =	vor.u32 v7, v16  }
0x5ed: {  	v20 =	vor.u32 v8, v17;
	_ =	sdelay $0x1  }
0x5ee: {  	v18 =	vadd.f32 v18, v21;
	_ =	sdelay $0x1  }
0x5ef: {  	[tilespmem:v19+s7+$0x0] =	vst.idx.msk $0xffff, v18  }
0x5f0: {  	v18 =	vld.idx.msk [tilespmem:v20+s11+$0x0], $0xffff;
	_ =	sdelay $0x1  }
0x5f1: {  	v19 =	vor.u32 v9, v16  }
0x5f2: {  	v20 =	vor.u32 v10, v17;
	_ =	sdelay $0x1  }
0x5f3: {  	v18 =	vadd.f32 v18, v21;
	_ =	sdelay $0x1  }
0x5f4: {  	[tilespmem:v19+s7+$0x0] =	vst.idx.msk $0xffff, v18  }
0x5f5: {  	v18 =	vld.idx.msk [tilespmem:v20+s11+$0x0], $0xffff;
	_ =	sdelay $0x1  }
0x5f6: {  	v19 =	vor.u32 v11, v16  }
0x5f7: {  	v20 =	vor.u32 v12, v17;
	_ =	sdelay $0x1  }
0x5f8: {  	v18 =	vadd.f32 v18, v21;
	_ =	sdelay $0x1  }
0x5f9: {  	[tilespmem:v19+s7+$0x0] =	vst.idx.msk $0xffff, v18  }
0x5fa: {  	v18 =	vld.idx.msk [tilespmem:v20+s11+$0x0], $0xffff;
	_ =	sdelay $0x1  }
0x5fb: {  	v19 =	vor.u32 v13, v16  }
0x5fc: {  	v17 =	vor.u32 v14, v17;
	_ =	sdelay $0x1  }
0x5fd: {  	s29 =	simm.s32 $0x1;
	v18 =	vadd.f32 v18, v21  }
0x5fe: {  	v20 =	vadd.s32 s29, v0  }
0x5ff: {  	s0 =	sand.u32 $0x30, s29;
	[tilespmem:v19+s7+$0x0] =	vst.idx.msk $0xffff, v18;
	v18 =	vand.u32 $0xF, v20  }
0x600: {  	v22 =	vld.idx.msk [tilespmem:v17+s11+$0x0], $0xffff;
	v17 =	vor.u32 s0, v18  }
0x601: {  	v19 =	vshll.u32 v20, $0x7;
	v20 =	vand.u32 $0x7, v20;
	v23 =	vand.u32 $0x38, v17  }
0x602: {  	v18 =	vor.u32 v15, v16;
	v16 =	vshll.u32 v17, $0x7;
	v17 =	vor.u32 v20, v23  }
0x603: {  	v23 =	vand.u32 $0x380, v19;
	v19 =	vor.u32 $0x3180, v17  }
0x604: {  	v16 =	vand.u32 $0x1C00, v16;
	v20 =	vor.u32 v1, v17  }
0x605: {  	s6 =	simm.s32 $0x2;
	v16 =	vor.u32 v23, v16;
	v21 =	vadd.f32 v22, v21  }
.LBB2_24:
0x606: {  	p0 =	sne.s32 s6, $0x3F;
	s0 =	smov.u32 s6;
	s6 =	sadd.s32 $0x1, s6  }
0x607: {  	[tilespmem:v18+s7+$0x0] =	vst.idx.msk $0xffff, v21  }
0x608: {  	v21 =	vld.idx.msk [tilespmem:v19+s30+$0x0], $0xffff  }
0x609: {  	v18 =	vld.idx.msk [tilespmem:v20+s11+$0x0], $0xffff;
	_ =	sdelay $0x1  }
0x60a: {  	v19 =	vor.u32 v0, v16  }
0x60b: {  	v20 =	vor.u32 v2, v17;
	_ =	sdelay $0x2  }
0x60c: {  	v18 =	vadd.f32 v18, v21;
	_ =	sdelay $0x1  }
0x60d: {  	[tilespmem:v19+s7+$0x0] =	vst.idx.msk $0xffff, v18  }
0x60e: {  	v18 =	vld.idx.msk [tilespmem:v20+s11+$0x0], $0xffff;
	_ =	sdelay $0x1  }
0x60f: {  	v19 =	vor.u32 v3, v16  }
0x610: {  	v20 =	vor.u32 v4, v17;
	_ =	sdelay $0x2  }
0x611: {  	v18 =	vadd.f32 v18, v21;
	_ =	sdelay $0x1  }
0x612: {  	[tilespmem:v19+s7+$0x0] =	vst.idx.msk $0xffff, v18  }
0x613: {  	v18 =	vld.idx.msk [tilespmem:v20+s11+$0x0], $0xffff;
	_ =	sdelay $0x1  }
0x614: {  	v19 =	vor.u32 v5, v16  }
0x615: {  	v20 =	vor.u32 v6, v17;
	_ =	sdelay $0x2  }
0x616: {  	v18 =	vadd.f32 v18, v21;
	_ =	sdelay $0x1  }
0x617: {  	[tilespmem:v19+s7+$0x0] =	vst.idx.msk $0xffff, v18  }
0x618: {  	v18 =	vld.idx.msk [tilespmem:v20+s11+$0x0], $0xffff;
	_ =	sdelay $0x1  }
0x619: {  	v19 =	vor.u32 v7, v16  }
0x61a: {  	v20 =	vor.u32 v8, v17;
	_ =	sdelay $0x2  }
0x61b: {  	v18 =	vadd.f32 v18, v21;
	_ =	sdelay $0x1  }
0x61c: {  	[tilespmem:v19+s7+$0x0] =	vst.idx.msk $0xffff, v18  }
0x61d: {  	v18 =	vld.idx.msk [tilespmem:v20+s11+$0x0], $0xffff;
	_ =	sdelay $0x1  }
0x61e: {  	v19 =	vor.u32 v9, v16  }
0x61f: {  	v20 =	vor.u32 v10, v17;
	_ =	sdelay $0x2  }
0x620: {  	v18 =	vadd.f32 v18, v21;
	_ =	sdelay $0x1  }
0x621: {  	[tilespmem:v19+s7+$0x0] =	vst.idx.msk $0xffff, v18  }
0x622: {  	v18 =	vld.idx.msk [tilespmem:v20+s11+$0x0], $0xffff;
	_ =	sdelay $0x1  }
0x623: {  	v19 =	vor.u32 v11, v16  }
0x624: {  	v20 =	vor.u32 v12, v17;
	_ =	sdelay $0x2  }
0x625: {  	v18 =	vadd.f32 v18, v21;
	_ =	sdelay $0x1  }
0x626: {  	[tilespmem:v19+s7+$0x0] =	vst.idx.msk $0xffff, v18  }
0x627: {  	v18 =	vld.idx.msk [tilespmem:v20+s11+$0x0], $0xffff;
	_ =	sdelay $0x1  }
0x628: {  	v19 =	vor.u32 v13, v16  }
0x629: {  	v17 =	vor.u32 v14, v17;
	_ =	sdelay $0x2  }
0x62a: {  	v18 =	vadd.f32 v18, v21;
	_ =	sdelay $0x1  }
0x62b: {  	v20 =	vadd.s32 s0, v0;
	[tilespmem:v19+s7+$0x0] =	vst.idx.msk $0xffff, v18  }
0x62c: {  	s0 =	sand.u32 $0x30, s0;
	v18 =	vand.u32 $0xF, v20;
	v19 =	vshll.u32 v20, $0x7;
	v22 =	vld.idx.msk [tilespmem:v17+s11+$0x0], $0xffff  }
0x62d: {  	v17 =	vor.u32 s0, v18;
	v18 =	vor.u32 v15, v16  }
.Ltmp11:
0x62e: {  	v20 =	vand.u32 $0x7, v20;
	v16 =	vand.u32 $0x38, v17;
	v23 =	vshll.u32 v17, $0x7;
	(pc) =	sbr.rel @p0 .LBB2_24-.Ltmp11, $3  }
0x62f: {  	v17 =	vor.u32 v20, v16;
	v16 =	vand.u32 $0x1C00, v23;
	v23 =	vand.u32 $0x380, v19  }
0x630: {  	v19 =	vor.u32 $0x3180, v17;
	v20 =	vor.u32 v1, v17;
	v16 =	vor.u32 v23, v16;
	_ =	sdelay $0x1  }
0x631: {  	v21 =	vadd.f32 v22, v21  }
0x632: {  	_ =	sdelay $0x3  }
0x633: {  	[tilespmem:v18+s7+$0x0] =	vst.idx.msk $0xffff, v21  }
0x634: {  	v18 =	vld.idx.msk [tilespmem:v19+s30+$0x0], $0xffff  }
0x635: {  	v50 =	vld.idx.msk [tilespmem:v20+s11+$0x0], $0xffff;
	_ =	sdelay $0x1  }
0x636: {  	v51 =	vor.u32 v0, v16  }
0x637: {  	v52 =	vor.u32 v2, v17;
	_ =	sdelay $0x1  }
0x638: {  	v19 =	vadd.f32 v50, v18;
	_ =	sdelay $0x1  }
0x639: {  	[tilespmem:v51+s7+$0x0] =	vst.idx.msk $0xffff, v19  }
0x63a: {  	v19 =	vld.idx.msk [tilespmem:v52+s11+$0x0], $0xffff;
	_ =	sdelay $0x1  }
0x63b: {  	v53 =	vor.u32 v3, v16  }
0x63c: {  	v54 =	vor.u32 v4, v17;
	_ =	sdelay $0x1  }
0x63d: {  	v19 =	vadd.f32 v19, v18;
	_ =	sdelay $0x1  }
0x63e: {  	[tilespmem:v53+s7+$0x0] =	vst.idx.msk $0xffff, v19  }
0x63f: {  	v19 =	vld.idx.msk [tilespmem:v54+s11+$0x0], $0xffff;
	_ =	sdelay $0x1  }
0x640: {  	v55 =	vor.u32 v5, v16  }
0x641: {  	v56 =	vor.u32 v6, v17;
	_ =	sdelay $0x1  }
0x642: {  	v19 =	vadd.f32 v19, v18;
	_ =	sdelay $0x1  }
0x643: {  	[tilespmem:v55+s7+$0x0] =	vst.idx.msk $0xffff, v19  }
0x644: {  	v19 =	vld.idx.msk [tilespmem:v56+s11+$0x0], $0xffff;
	_ =	sdelay $0x1  }
0x645: {  	v57 =	vor.u32 v7, v16  }
0x646: {  	v58 =	vor.u32 v8, v17;
	_ =	sdelay $0x1  }
0x647: {  	v19 =	vadd.f32 v19, v18;
	_ =	sdelay $0x1  }
0x648: {  	[tilespmem:v57+s7+$0x0] =	vst.idx.msk $0xffff, v19  }
0x649: {  	v19 =	vld.idx.msk [tilespmem:v58+s11+$0x0], $0xffff;
	_ =	sdelay $0x1  }
0x64a: {  	v59 =	vor.u32 v9, v16  }
0x64b: {  	v60 =	vor.u32 v10, v17;
	_ =	sdelay $0x1  }
0x64c: {  	v19 =	vadd.f32 v19, v18;
	_ =	sdelay $0x1  }
0x64d: {  	[tilespmem:v59+s7+$0x0] =	vst.idx.msk $0xffff, v19  }
0x64e: {  	v19 =	vld.idx.msk [tilespmem:v60+s11+$0x0], $0xffff;
	_ =	sdelay $0x1  }
0x64f: {  	v61 =	vor.u32 v11, v16  }
0x650: {  	v62 =	vor.u32 v12, v17;
	_ =	sdelay $0x1  }
0x651: {  	v19 =	vadd.f32 v19, v18;
	_ =	sdelay $0x1  }
0x652: {  	[tilespmem:v61+s7+$0x0] =	vst.idx.msk $0xffff, v19  }
0x653: {  	v19 =	vld.idx.msk [tilespmem:v62+s11+$0x0], $0xffff;
	_ =	sdelay $0x1  }
0x654: {  	v63 =	vor.u32 v13, v16  }
0x655: {  	v17 =	vor.u32 v14, v17;
	_ =	sdelay $0x1  }
0x656: {  	v19 =	vadd.f32 v19, v18;
	_ =	sdelay $0x1  }
0x657: {  	[tilespmem:v63+s7+$0x0] =	vst.idx.msk $0xffff, v19  }
0x658: {  	v17 =	vld.idx.msk [tilespmem:v17+s11+$0x0], $0xffff;
	_ =	sdelay $0x1  }
0x659: {  	v16 =	vor.u32 v15, v16;
	_ =	sdelay $0x2  }
0x65a: {  	v17 =	vadd.f32 v17, v18;
	_ =	sdelay $0x1  }
0x65b: {  	s0 =	rddreg [dreg:$0x16];
	[tilespmem:v16+s7+$0x0] =	vst.idx.msk $0xffff, v17  }
0x65c: {  	[hbm4b:s0+s22] =	stream.strided.scatter [tilespmem:s7], [sflag:$0x7], $0x2000, s23, s22, $0x38;
	[tilespmem:$0x133C0] =	vst v63  }
0x65d: {  	_ =	swait.ge [sflag:s31], $0x2000  }
0x65e: {  	[sflag:s31] =	ssyncset.done $0x0  }
0x65f: {  	[sflag:s31] =	ssyncadd.s32 $0xFFFFE000  }
0x660: {  	_ =	swait.ge [sflag:s18], $0x2000  }
0x661: {  	[sflag:s18] =	ssyncset.done $0x0  }
0x662: {  	[sflag:s18] =	ssyncadd.s32 $0xFFFFE000  }
0x663: {  	_ =	swait.ge [sflag:s19], $0x2000  }
0x664: {  	s6 =	rddreg [dreg:$0x17]  }
0x665: {  	s29 =	rddreg [dreg:$0x15];
	s6 =	sadd.s32 $0x1, s6  }
0x666: {  	p0 =	sne.s32 s6, s29  }
.Ltmp12:
0x667: {  	_ = 	snop;
	(pc) =	sbr.rel @p0 .LBB2_1-.Ltmp12, $3  }
0x668: {  	_ =	sdelay $0x1  }
0x669: {  	[sflag:s19] =	ssyncset.done $0x0  }
0x66a: {  	[sflag:s19] =	ssyncadd.s32 $0xFFFFE000  }
0x66b: {  	_ =	sfence.sel $0x180000  }
0x66c: {  	[bflag:$0x0] =	sbarrier.arrive $0xFFFF  }
0x66d: {  	_ =	strace $0x90000047  }
0x66e: {  	s0 =	stileid.u32;
	[bflag:$0x2] =	sbarrier.arrive $0xFFFF  }
0x66f: {  	p0 =	sne.s32 s0, $0x0;
	s0 =	rddreg [dreg:$0x2]  }
0x670: {  	s0 =	sadd.s32 @!p0 $0x100000, s0  }
0x671: {  	[sflag:s0] =	ssyncadd.tile.s32 @!p0 $0x1;
	_ =	shalt  }
.Lfunc_end2:
_tile_overlayer_lowered:
.L_overlay_start_2:
0x672: {  	(tag) =	ssettag $0x2  }
0x673: {  	s0 =	rddreg [dreg:$0x0];
	s2 =	stileid.u32  }
0x674: {  	s1 =	rddreg [dreg:$0x1];
	p0 =	sne.s32 s2, $0x0  }
0x675: {  	s3 =	rddreg [dreg:$0x2];
	[bflag:$0x3] =	sbarrier.arrive $0xFFFF;
	s2 =	simm.s32 @!p0 $0x1C0D  }
0x676: {  	[timem:s3], [sflag:s2] =	dma.local @!p0 [hbm:s0], s1  }
0x677: {  	s0 =	simm.s32 @!p0 $0xD  }
0x678: {  	_ =	swait.ge @!p0 [sflag:s0], s1  }
0x679: {  	s1 =	ssub.s32 @!p0 $0x0, s1;
	[sflag:s0] =	ssyncset.done @!p0 $0x0  }
0x67a: {  	[sflag:s0] =	ssyncadd.s32 @!p0 s1  }
0x67b: {  	[bflag:$0x3] =	sbarrier.arrive $0xFFFF  }
0x67c: {  	_ =	shalt  }

</sc_bundles>
